<compile_context>
chip_gen: v7x
topology: tpu7x:2x2x1
jax: 0.10.2.dev20260603
libtpu: 0.0.44.dev20260713+nightly
codegen_flags: <defaults>
</compile_context>

<pallas_src>
import functools

import jax
import jax.numpy as jnp
from jax import lax
from jax.experimental import pallas as pl
from jax.experimental.pallas import tpu as pltpu
from jax.experimental.pallas import tpu_sc as plsc

N_NODES = 50000
N_EDGES = 800000
CH = 64
LANES = 16
NUM_SC = 2
NUM_SUBCORES = 16
NUM_TILES = NUM_SC * NUM_SUBCORES
CHUNK = 1024
STREAM = 128
NSTREAM = CHUNK // STREAM
NCHUNK = 25
PER_TILE = NCHUNK * CHUNK
EDGES_PAD = NUM_TILES * PER_TILE
EW_ROWS = EDGES_PAD * LANES // 128
NODES_PAD = 50048
ROWS_PER_SUBCORE = NODES_PAD // NUM_SUBCORES

_F32 = jnp.float32


def _sc_mesh():
    return plsc.VectorSubcoreMesh(core_axis_name="c", subcore_axis_name="s")


_SC_PARAMS = pltpu.CompilerParams(use_tc_tiling_on_sc=False)


def _sc_scatter_body(table, row2, col2, ew16, zrows, out,
                     rowv, colv, ewv, msgv, acc, sem):
    c = lax.axis_index("c")
    s = lax.axis_index("s")
    tile = s * NUM_SC + c

    srow = pl.multiple_of(s * ROWS_PER_SUBCORE, 8)
    pltpu.sync_copy(zrows, acc.at[pl.ds(srow, ROWS_PER_SUBCORE)])
    plsc.subcore_barrier()

    def chunk_body(i, carry):
        base = pl.multiple_of(tile * PER_TILE + i * CHUNK, CHUNK)
        r0 = pl.multiple_of(base // STREAM, NSTREAM)
        e0 = pl.multiple_of(base // 8, CHUNK // 8)
        pltpu.sync_copy(row2.at[pl.ds(r0, NSTREAM)], rowv)
        pltpu.sync_copy(col2.at[pl.ds(r0, NSTREAM)], colv)
        pltpu.sync_copy(ew16.at[pl.ds(e0, CHUNK // 8)], ewv)
        cps = [pltpu.async_copy(table.at[rowv.at[j]],
                                msgv.at[pl.ds(j * STREAM, STREAM)], sem)
               for j in range(NSTREAM)]
        for cp in cps:
            cp.wait()

        def mul_body(rr, carry2):
            rb = rr * 8
            for u in range(8):
                msgv[rb + u, :] = msgv[rb + u, :] * ewv[rr, pl.ds(16 * u, 16)]
            return carry2

        lax.fori_loop(0, CHUNK // 8, mul_body, 0)
        for j in range(NSTREAM):
            pltpu.sync_copy(msgv.at[pl.ds(j * STREAM, STREAM)],
                            acc.at[colv.at[j]], add=True)
        return carry

    lax.fori_loop(0, NCHUNK, chunk_body, 0)

    plsc.subcore_barrier()
    pltpu.sync_copy(acc.at[pl.ds(srow, ROWS_PER_SUBCORE)],
                    out.at[c, pl.ds(srow, ROWS_PER_SUBCORE)])


def _sc_scatter(table, row2, col2, ew16, zrows):
    f = pl.kernel(
        _sc_scatter_body,
        out_type=jax.ShapeDtypeStruct((NUM_SC, NODES_PAD, LANES), _F32),
        mesh=_sc_mesh(),
        scratch_types=[
            pltpu.VMEM((NSTREAM, STREAM), jnp.int32),
            pltpu.VMEM((NSTREAM, STREAM), jnp.int32),
            pltpu.VMEM((CHUNK // 8, 128), _F32),
            pltpu.VMEM((CHUNK, LANES), _F32),
            pltpu.VMEM_SHARED((NODES_PAD, LANES), _F32),
            pltpu.SemaphoreType.DMA,
        ],
        compiler_params=_SC_PARAMS,
    )
    return f(table, row2, col2, ew16, zrows)


def _sc_gather_body(q2, row2, col2, ef, idxv, buf, sem):
    c = lax.axis_index("c")
    s = lax.axis_index("s")
    tile = s * NUM_SC + c

    def one_side(idx2, lane0, base, r0):
        pltpu.sync_copy(idx2.at[pl.ds(r0, NSTREAM)], idxv)
        cps = [pltpu.async_copy(
                   q2.at[idxv.at[j]],
                   buf.at[pl.ds(j * STREAM, STREAM)], sem)
               for j in range(NSTREAM)]
        for cp in cps:
            cp.wait()
        pltpu.sync_copy(buf, ef.at[pl.ds(base, CHUNK), pl.ds(lane0, CH)])

    def chunk_body(i, carry):
        base = pl.multiple_of(tile * PER_TILE + i * CHUNK, CHUNK)
        r0 = pl.multiple_of(base // STREAM, NSTREAM)
        one_side(row2, 0, base, r0)
        one_side(col2, CH, base, r0)
        return carry

    lax.fori_loop(0, NCHUNK, chunk_body, 0)


def _sc_gather(q2, row2, col2):
    f = pl.kernel(
        _sc_gather_body,
        out_type=jax.ShapeDtypeStruct((EDGES_PAD, 2 * CH), _F32),
        mesh=_sc_mesh(),
        scratch_types=[
            pltpu.VMEM((NSTREAM, STREAM), jnp.int32),
            pltpu.VMEM((CHUNK, CH), _F32),
            pltpu.SemaphoreType.DMA,
        ],
        compiler_params=_SC_PARAMS,
    )
    return f(q2, row2, col2)


def _g1_body(p1_ref, x2_ref, x3_ref, g1_ref):
    a = p1_ref[0] + p1_ref[1]
    g1_ref[...] = a + x2_ref[...] + a[:, 12:13] * x3_ref[...]


def _build_g1(part1, xpad2, xpad3):
    r = ROWS_PER_SUBCORE
    return pl.pallas_call(
        _g1_body,
        grid=(NODES_PAD // r,),
        in_specs=[
            pl.BlockSpec((NUM_SC, r, LANES), lambda i: (0, i, 0)),
            pl.BlockSpec((r, LANES), lambda i: (i, 0)),
            pl.BlockSpec((r, LANES), lambda i: (i, 0)),
        ],
        out_specs=pl.BlockSpec((r, LANES), lambda i: (i, 0)),
        out_shape=jax.ShapeDtypeStruct((NODES_PAD, LANES), _F32),
    )(part1, xpad2, xpad3)


def _q2_body(p2_ref, g1_ref, wg_ref, wh_ref, wk_ref, q2_ref):
    g = p2_ref[0] + p2_ref[1]
    g1 = g1_ref[...]
    q2_ref[...] = (
        jnp.dot(g, wg_ref[...], preferred_element_type=_F32)
        + jnp.dot(g1, wh_ref[...], preferred_element_type=_F32)
        + jnp.dot(g1 * g1[:, 12:13], wk_ref[...], preferred_element_type=_F32))


def _compute_q2(part2, g1, wg, wh, wk):
    r = ROWS_PER_SUBCORE
    wspec = pl.BlockSpec((LANES, CH), lambda i: (0, 0))
    return pl.pallas_call(
        _q2_body,
        grid=(NODES_PAD // r,),
        in_specs=[
            pl.BlockSpec((NUM_SC, r, LANES), lambda i: (0, i, 0)),
            pl.BlockSpec((r, LANES), lambda i: (i, 0)),
            wspec, wspec, wspec,
        ],
        out_specs=pl.BlockSpec((r, CH), lambda i: (i, 0)),
        out_shape=jax.ShapeDtypeStruct((NODES_PAD, CH), _F32),
    )(part2, g1, wg, wh, wk)


def _head_body(ef_ref, w1_ref, be1_ref, w2_ref, be2_ref, out_ref):
    h = jnp.dot(ef_ref[...], w1_ref[...], preferred_element_type=_F32)
    h = jnp.maximum(h + be1_ref[...], 0.0)
    out_ref[...] = jnp.dot(h, w2_ref[...], preferred_element_type=_F32) + be2_ref[...]


def _head(ef, w1, be1, w2, be2, n_edges):
    b = 8000
    return pl.pallas_call(
        _head_body,
        grid=(n_edges // b,),
        in_specs=[
            pl.BlockSpec((b, 2 * CH), lambda i: (i, 0)),
            pl.BlockSpec((2 * CH, 4 * CH), lambda i: (0, 0)),
            pl.BlockSpec((1, 4 * CH), lambda i: (0, 0)),
            pl.BlockSpec((4 * CH, 4), lambda i: (0, 0)),
            pl.BlockSpec((1, 4), lambda i: (0, 0)),
        ],
        out_specs=pl.BlockSpec((b, 4), lambda i: (i, 0)),
        out_shape=jax.ShapeDtypeStruct((n_edges, 4), _F32),
    )(ef, w1, be1, w2, be2)


def kernel(x, edge_index, edge_attr, w1a, b1a, w2a, w3a, b3a,
           w1b, b1b, w2b, w3b, b3b, we1, be1, we2, be2):
    row = edge_index[0]
    col = edge_index[1]
    ew = edge_attr[:, 0]

    pad = EDGES_PAD - N_EDGES
    pad_idx = (jnp.arange(pad, dtype=jnp.int32) * 97) % N_NODES
    rowp = jnp.concatenate([row, pad_idx]).reshape(-1, STREAM)
    colp = jnp.concatenate([col, pad_idx]).reshape(-1, STREAM)
    ewp = jnp.concatenate([ew, jnp.zeros((pad,), _F32)])
    ew16 = jnp.broadcast_to(ewp[:, None], (EDGES_PAD, LANES)).reshape(EW_ROWS, 128)

    xp = jnp.pad(x, ((0, NODES_PAD - N_NODES), (0, 0)))
    z4 = jnp.zeros((NODES_PAD, 4), _F32)
    one1 = jnp.ones((NODES_PAD, 1), _F32)
    xpad = jnp.concatenate(
        [xp, jnp.zeros((NODES_PAD, 8), _F32), one1, jnp.zeros((NODES_PAD, 3), _F32)], axis=1)
    xpad2 = jnp.concatenate(
        [z4, xp, jnp.zeros((NODES_PAD, 5), _F32), one1, jnp.zeros((NODES_PAD, 2), _F32)], axis=1)
    xpad3 = jnp.concatenate([jnp.zeros((NODES_PAD, 8), _F32), xp, z4], axis=1)
    zrows = jnp.zeros((ROWS_PER_SUBCORE, LANES), _F32)

    part1 = _sc_scatter(xpad, rowp, colp, ew16, zrows)
    g1 = _build_g1(part1, xpad2, xpad3)
    part2 = _sc_scatter(g1, rowp, colp, ew16, zrows)

    wq = jnp.concatenate(
        [w1a, w3a, -w2a, b1a[None], b3a[None], jnp.zeros((2, CH), _F32)], axis=0)
    wg = wq @ w1b
    wh = (wq @ w3b).at[12].add(b1b).at[13].add(b3b)
    wk = -(wq @ w2b)

    q2 = _compute_q2(part2, g1, wg, wh, wk)
    ef = _sc_gather(q2, rowp, colp)
    return _head(ef, we1, be1[None], we2, be2[None], N_EDGES)

# --- scband reference (transcript-rebuilt; emitter-appended) ---
"""Pipeline reference for scband-qnet-14499809592003 (READ-ONLY COPY).

The authoritative reference and input builder live on the scoring server;
editing this copy changes nothing except your own understanding.
"""

import jax, jax.numpy as jnp
import numpy as np

N = 50000
E = 800000
CH = 64


def setup_inputs(seed: int = 0) -> dict:
    key = jax.random.key(seed)
    ks = jax.random.split(key, 20)
    inp = {}
    inp["x"] = jax.random.normal(ks[0], (N, 4), dtype=jnp.float32)
    inp["edge_index"] = jax.random.randint(ks[1], (2, E), 0, N, dtype=jnp.int32)
    inp["edge_attr"] = jax.random.uniform(ks[2], (E, 1), dtype=jnp.float32)
    # LEConv 1: in=4 -> out=CH (lin1 w/bias, lin2 no bias, lin3 w/bias)
    inp["w1a"] = 0.1 * jax.random.normal(ks[3], (4, CH), dtype=jnp.float32)
    inp["b1a"] = jnp.zeros((CH,), dtype=jnp.float32)
    inp["w2a"] = 0.1 * jax.random.normal(ks[4], (4, CH), dtype=jnp.float32)
    inp["w3a"] = 0.1 * jax.random.normal(ks[5], (4, CH), dtype=jnp.float32)
    inp["b3a"] = jnp.zeros((CH,), dtype=jnp.float32)
    # LEConv 2: in=CH -> out=CH
    inp["w1b"] = 0.05 * jax.random.normal(ks[6], (CH, CH), dtype=jnp.float32)
    inp["b1b"] = jnp.zeros((CH,), dtype=jnp.float32)
    inp["w2b"] = 0.05 * jax.random.normal(ks[7], (CH, CH), dtype=jnp.float32)
    inp["w3b"] = 0.05 * jax.random.normal(ks[8], (CH, CH), dtype=jnp.float32)
    inp["b3b"] = jnp.zeros((CH,), dtype=jnp.float32)
    # mlp_edge: Linear(2*CH, 4*CH) -> ReLU -> Linear(4*CH, 4)
    inp["we1"] = 0.05 * jax.random.normal(ks[9], (2 * CH, 4 * CH), dtype=jnp.float32)
    inp["be1"] = jnp.zeros((4 * CH,), dtype=jnp.float32)
    inp["we2"] = 0.05 * jax.random.normal(ks[10], (4 * CH, 4), dtype=jnp.float32)
    inp["be2"] = jnp.zeros((4,), dtype=jnp.float32)
    return inp


def _leconv(h, row, col, ew, w1, b1, w2, w3, b3):
    # PyG LEConv: out_i = lin3(x_i) + sum_{j->i} e_ji * (lin1(x_j) - lin2(x_i))
    a = h @ w1 + b1
    b = h @ w2
    msg = (a[row] - b[col]) * ew[:, None]
    agg = jnp.zeros((h.shape[0], w1.shape[1]), dtype=h.dtype).at[col].add(msg)
    return agg + (h @ w3 + b3)


def reference(x, edge_index, edge_attr, w1a, b1a, w2a, w3a, b3a,
              w1b, b1b, w2b, w3b, b3b, we1, be1, we2, be2):
    row = edge_index[0]
    col = edge_index[1]
    ew = edge_attr.reshape(-1)
    q = _leconv(x, row, col, ew, w1a, b1a, w2a, w3a, b3a)
    q = _leconv(q, row, col, ew, w1b, b1b, w2b, w3b, b3b)
    edge_rep = jnp.concatenate([q[row], q[col]], axis=-1)
    h = jax.nn.relu(edge_rep @ we1 + be1)
    edge_weight = h @ we2 + be2
    return edge_weight

if __name__ == "__main__":
    import jax
    _d = setup_inputs()
    print(jax.jit(kernel)(*tuple(_d.values())))

</pallas_src>

<mosaic_0001>
#map = affine_map<(d0, d1) -> (0, 0)>
module attributes {stable_mosaic.version = 14 : i64} {
  func.func @_sc_gather_body(%arg0: i32, %arg1: i32, %arg2: memref<50048x64xf32, #tpu.memory_space<hbm>>, %arg3: memref<6400x128xi32, #tpu.memory_space<hbm>>, %arg4: memref<6400x128xi32, #tpu.memory_space<hbm>>, %arg5: memref<819200x128xf32, #tpu.memory_space<hbm>>, %arg6: memref<8x128xi32, #tpu.memory_space<vmem>>, %arg7: memref<1024x64xf32, #tpu.memory_space<vmem>>, %arg8: memref<!tpu.dma_semaphore, #tpu.memory_space<semaphore_mem>>) attributes {dimension_semantics = [#tpu.dimension_semantics<core_parallel>, #tpu.dimension_semantics<subcore_parallel>], iteration_bounds = array<i64: 2, 16>, scalar_prefetch = 0 : i64, scratch_operands = 3 : i64, tpu.core_type = #tpu.core_type<sc_vector_subcore>, window_params = [{transform_indices = #map}, {transform_indices = #map}, {transform_indices = #map}, {transform_indices = #map}]} {
    %mul3A = arith.constant 2 : i32
    %mul3A_0 = arith.muli %arg1, %mul3A : i32
    %add3A = arith.addi %mul3A_0, %arg0 : i32
    %scan3A = arith.constant 0 : i32
    %scan3A_1 = arith.constant 0 : i32
    %scan3A_2 = arith.constant 25 : i32
    %scan3A_3 = arith.addi %scan3A_1, %scan3A_2 : i32
    %scan3A_4 = arith.constant 1 : i32
    scf.for %scan3A_6 = %scan3A_1 to %scan3A_3 step %scan3A_4  : i32 {
      %mul3A_7 = arith.constant 25600 : i32
      %mul3A_8 = arith.muli %add3A, %mul3A_7 : i32
      %mul3A_9 = arith.constant 1024 : i32
      %mul3A_10 = arith.muli %scan3A_6, %mul3A_9 : i32
      %add3A_11 = arith.addi %mul3A_8, %mul3A_10 : i32
      %multiple_of3A = tpu.assume_multiple %add3A_11, 1024 : i32
      %jit3A = arith.constant 128 : i32
      %div3A = arith.divsi %multiple_of3A, %jit3A : i32
      %sign3A = arith.constant 0 : i32
      %sign3A_12 = arith.cmpi sgt, %multiple_of3A, %sign3A : i32
      %sign3A_13 = arith.extui %sign3A_12 : i1 to i32
      %sign3A_14 = arith.constant 0 : i32
      %sign3A_15 = arith.cmpi slt, %multiple_of3A, %sign3A_14 : i32
      %sign3A_16 = arith.extui %sign3A_15 : i1 to i32
      %sign3A_17 = arith.subi %sign3A_13, %sign3A_16 : i32
      %sign3A_18 = arith.constant 0 : i32
      %sign3A_19 = arith.cmpi sgt, %jit3A, %sign3A_18 : i32
      %sign3A_20 = arith.extui %sign3A_19 : i1 to i32
      %sign3A_21 = arith.constant 0 : i32
      %sign3A_22 = arith.cmpi slt, %jit3A, %sign3A_21 : i32
      %sign3A_23 = arith.extui %sign3A_22 : i1 to i32
      %sign3A_24 = arith.subi %sign3A_20, %sign3A_23 : i32
      %ne3A = arith.cmpi ne, %sign3A_17, %sign3A_24 : i32
      %rem3A = arith.remsi %multiple_of3A, %jit3A : i32
      %ne3A_25 = arith.constant 0 : i32
      %ne3A_26 = arith.cmpi ne, %rem3A, %ne3A_25 : i32
      %and3A = arith.andi %ne3A, %ne3A_26 : i1
      %sub3A = arith.constant 1 : i32
      %sub3A_27 = arith.subi %div3A, %sub3A : i32
      %select_n3A = arith.select %and3A, %sub3A_27, %div3A : i32
      %multiple_of3A_28 = tpu.assume_multiple %select_n3A, 8 : i32
      "tpu.region"() ({
        %run_scoped3A = tpu.sem_alloc : memref<!tpu.dma_semaphore, #tpu.memory_space<semaphore_mem>>
        %dma_start3A_347 = arith.constant 0 : i32
        %dma_start3A_348 = tpu.memref_slice %arg3[%multiple_of3A_28, %dma_start3A_347] : memref<6400x128xi32, #tpu.memory_space<hbm>> -> memref<8x128xi32, #tpu.memory_space<hbm>>
        %dma_start3A_349 = arith.constant 0 : i32
        %dma_start3A_350 = tpu.memref_slice %arg3[%multiple_of3A_28, %dma_start3A_349] : memref<6400x128xi32, #tpu.memory_space<hbm>> -> memref<8x128xi32, #tpu.memory_space<hbm>>
        tpu.enqueue_dma source(%dma_start3A_350 : memref<8x128xi32, #tpu.memory_space<hbm>>) target(%arg6 : memref<8x128xi32, #tpu.memory_space<vmem>>) target_semaphore(%run_scoped3A : memref<!tpu.dma_semaphore, #tpu.memory_space<semaphore_mem>>)
        %dma_wait3A_351 = arith.constant 0 : i32
        %dma_wait3A_352 = tpu.memref_slice %arg3[%multiple_of3A_28, %dma_wait3A_351] : memref<6400x128xi32, #tpu.memory_space<hbm>> -> memref<8x128xi32, #tpu.memory_space<hbm>>
        %dma_wait3A_353 = arith.constant 0 : i32
        %dma_wait3A_354 = tpu.memref_slice %arg3[%multiple_of3A_28, %dma_wait3A_353] : memref<6400x128xi32, #tpu.memory_space<hbm>> -> memref<8x128xi32, #tpu.memory_space<hbm>>
        tpu.wait_dma2 semaphore(%run_scoped3A : memref<!tpu.dma_semaphore, #tpu.memory_space<semaphore_mem>>) src(%dma_wait3A_354 : memref<8x128xi32, #tpu.memory_space<hbm>>) dst(%arg6 : memref<8x128xi32, #tpu.memory_space<vmem>>)
        tpu.yield
      }) : () -> ()
      %dma_start3A = arith.constant 0 : i32
      %dma_start3A_29 = arith.constant 0 : i32
      %dma_start3A_30 = arith.constant 0 : i32
      %dma_start3A_31 = tpu.memref_slice %arg7[%dma_start3A_29, %dma_start3A_30] : memref<1024x64xf32, #tpu.memory_space<vmem>> -> memref<128x64xf32, #tpu.memory_space<vmem>>
      %dma_start3A_32 = arith.constant 0 : i32
      %dma_start3A_33 = tpu.memref_slice %arg6[%dma_start3A, %dma_start3A_32] : memref<8x128xi32, #tpu.memory_space<vmem>> -> memref<1x128xi32, #tpu.memory_space<vmem>>
      %dma_start3A_34 = tpu.memref_squeeze %dma_start3A_33 : memref<1x128xi32, #tpu.memory_space<vmem>> -> memref<128xi32, #tpu.memory_space<vmem>>
      %dma_start3A_35 = arith.constant 0 : i32
      %dma_start3A_36 = arith.constant 0 : i32
      %dma_start3A_37 = tpu.memref_slice %arg2[%dma_start3A_35, %dma_start3A_36] : memref<50048x64xf32, #tpu.memory_space<hbm>> -> memref<50048x64xf32, #tpu.memory_space<hbm>>
      tpu.enqueue_indirect_dma source(%dma_start3A_37 : memref<50048x64xf32, #tpu.memory_space<hbm>>) target(%dma_start3A_31 : memref<128x64xf32, #tpu.memory_space<vmem>>) offsets(%dma_start3A_34 : memref<128xi32, #tpu.memory_space<vmem>>) semaphore(%arg8 : memref<!tpu.dma_semaphore, #tpu.memory_space<semaphore_mem>>)
      %dma_start3A_38 = arith.constant 1 : i32
      %dma_start3A_39 = arith.constant 128 : i32
      %dma_start3A_40 = arith.constant 0 : i32
      %dma_start3A_41 = tpu.memref_slice %arg7[%dma_start3A_39, %dma_start3A_40] : memref<1024x64xf32, #tpu.memory_space<vmem>> -> memref<128x64xf32, #tpu.memory_space<vmem>>
      %dma_start3A_42 = arith.constant 0 : i32
      %dma_start3A_43 = tpu.memref_slice %arg6[%dma_start3A_38, %dma_start3A_42] : memref<8x128xi32, #tpu.memory_space<vmem>> -> memref<1x128xi32, #tpu.memory_space<vmem>>
      %dma_start3A_44 = tpu.memref_squeeze %dma_start3A_43 : memref<1x128xi32, #tpu.memory_space<vmem>> -> memref<128xi32, #tpu.memory_space<vmem>>
      %dma_start3A_45 = arith.constant 0 : i32
      %dma_start3A_46 = arith.constant 0 : i32
      %dma_start3A_47 = tpu.memref_slice %arg2[%dma_start3A_45, %dma_start3A_46] : memref<50048x64xf32, #tpu.memory_space<hbm>> -> memref<50048x64xf32, #tpu.memory_space<hbm>>
      tpu.enqueue_indirect_dma source(%dma_start3A_47 : memref<50048x64xf32, #tpu.memory_space<hbm>>) target(%dma_start3A_41 : memref<128x64xf32, #tpu.memory_space<vmem>>) offsets(%dma_start3A_44 : memref<128xi32, #tpu.memory_space<vmem>>) semaphore(%arg8 : memref<!tpu.dma_semaphore, #tpu.memory_space<semaphore_mem>>)
      %dma_start3A_48 = arith.constant 2 : i32
      %dma_start3A_49 = arith.constant 256 : i32
      %dma_start3A_50 = arith.constant 0 : i32
      %dma_start3A_51 = tpu.memref_slice %arg7[%dma_start3A_49, %dma_start3A_50] : memref<1024x64xf32, #tpu.memory_space<vmem>> -> memref<128x64xf32, #tpu.memory_space<vmem>>
      %dma_start3A_52 = arith.constant 0 : i32
      %dma_start3A_53 = tpu.memref_slice %arg6[%dma_start3A_48, %dma_start3A_52] : memref<8x128xi32, #tpu.memory_space<vmem>> -> memref<1x128xi32, #tpu.memory_space<vmem>>
      %dma_start3A_54 = tpu.memref_squeeze %dma_start3A_53 : memref<1x128xi32, #tpu.memory_space<vmem>> -> memref<128xi32, #tpu.memory_space<vmem>>
      %dma_start3A_55 = arith.constant 0 : i32
      %dma_start3A_56 = arith.constant 0 : i32
      %dma_start3A_57 = tpu.memref_slice %arg2[%dma_start3A_55, %dma_start3A_56] : memref<50048x64xf32, #tpu.memory_space<hbm>> -> memref<50048x64xf32, #tpu.memory_space<hbm>>
      tpu.enqueue_indirect_dma source(%dma_start3A_57 : memref<50048x64xf32, #tpu.memory_space<hbm>>) target(%dma_start3A_51 : memref<128x64xf32, #tpu.memory_space<vmem>>) offsets(%dma_start3A_54 : memref<128xi32, #tpu.memory_space<vmem>>) semaphore(%arg8 : memref<!tpu.dma_semaphore, #tpu.memory_space<semaphore_mem>>)
      %dma_start3A_58 = arith.constant 3 : i32
      %dma_start3A_59 = arith.constant 384 : i32
      %dma_start3A_60 = arith.constant 0 : i32
      %dma_start3A_61 = tpu.memref_slice %arg7[%dma_start3A_59, %dma_start3A_60] : memref<1024x64xf32, #tpu.memory_space<vmem>> -> memref<128x64xf32, #tpu.memory_space<vmem>>
      %dma_start3A_62 = arith.constant 0 : i32
      %dma_start3A_63 = tpu.memref_slice %arg6[%dma_start3A_58, %dma_start3A_62] : memref<8x128xi32, #tpu.memory_space<vmem>> -> memref<1x128xi32, #tpu.memory_space<vmem>>
      %dma_start3A_64 = tpu.memref_squeeze %dma_start3A_63 : memref<1x128xi32, #tpu.memory_space<vmem>> -> memref<128xi32, #tpu.memory_space<vmem>>
      %dma_start3A_65 = arith.constant 0 : i32
      %dma_start3A_66 = arith.constant 0 : i32
      %dma_start3A_67 = tpu.memref_slice %arg2[%dma_start3A_65, %dma_start3A_66] : memref<50048x64xf32, #tpu.memory_space<hbm>> -> memref<50048x64xf32, #tpu.memory_space<hbm>>
      tpu.enqueue_indirect_dma source(%dma_start3A_67 : memref<50048x64xf32, #tpu.memory_space<hbm>>) target(%dma_start3A_61 : memref<128x64xf32, #tpu.memory_space<vmem>>) offsets(%dma_start3A_64 : memref<128xi32, #tpu.memory_space<vmem>>) semaphore(%arg8 : memref<!tpu.dma_semaphore, #tpu.memory_space<semaphore_mem>>)
      %dma_start3A_68 = arith.constant 4 : i32
      %dma_start3A_69 = arith.constant 512 : i32
      %dma_start3A_70 = arith.constant 0 : i32
      %dma_start3A_71 = tpu.memref_slice %arg7[%dma_start3A_69, %dma_start3A_70] : memref<1024x64xf32, #tpu.memory_space<vmem>> -> memref<128x64xf32, #tpu.memory_space<vmem>>
      %dma_start3A_72 = arith.constant 0 : i32
      %dma_start3A_73 = tpu.memref_slice %arg6[%dma_start3A_68, %dma_start3A_72] : memref<8x128xi32, #tpu.memory_space<vmem>> -> memref<1x128xi32, #tpu.memory_space<vmem>>
      %dma_start3A_74 = tpu.memref_squeeze %dma_start3A_73 : memref<1x128xi32, #tpu.memory_space<vmem>> -> memref<128xi32, #tpu.memory_space<vmem>>
      %dma_start3A_75 = arith.constant 0 : i32
      %dma_start3A_76 = arith.constant 0 : i32
      %dma_start3A_77 = tpu.memref_slice %arg2[%dma_start3A_75, %dma_start3A_76] : memref<50048x64xf32, #tpu.memory_space<hbm>> -> memref<50048x64xf32, #tpu.memory_space<hbm>>
      tpu.enqueue_indirect_dma source(%dma_start3A_77 : memref<50048x64xf32, #tpu.memory_space<hbm>>) target(%dma_start3A_71 : memref<128x64xf32, #tpu.memory_space<vmem>>) offsets(%dma_start3A_74 : memref<128xi32, #tpu.memory_space<vmem>>) semaphore(%arg8 : memref<!tpu.dma_semaphore, #tpu.memory_space<semaphore_mem>>)
      %dma_start3A_78 = arith.constant 5 : i32
      %dma_start3A_79 = arith.constant 640 : i32
      %dma_start3A_80 = arith.constant 0 : i32
      %dma_start3A_81 = tpu.memref_slice %arg7[%dma_start3A_79, %dma_start3A_80] : memref<1024x64xf32, #tpu.memory_space<vmem>> -> memref<128x64xf32, #tpu.memory_space<vmem>>
      %dma_start3A_82 = arith.constant 0 : i32
      %dma_start3A_83 = tpu.memref_slice %arg6[%dma_start3A_78, %dma_start3A_82] : memref<8x128xi32, #tpu.memory_space<vmem>> -> memref<1x128xi32, #tpu.memory_space<vmem>>
      %dma_start3A_84 = tpu.memref_squeeze %dma_start3A_83 : memref<1x128xi32, #tpu.memory_space<vmem>> -> memref<128xi32, #tpu.memory_space<vmem>>
      %dma_start3A_85 = arith.constant 0 : i32
      %dma_start3A_86 = arith.constant 0 : i32
      %dma_start3A_87 = tpu.memref_slice %arg2[%dma_start3A_85, %dma_start3A_86] : memref<50048x64xf32, #tpu.memory_space<hbm>> -> memref<50048x64xf32, #tpu.memory_space<hbm>>
      tpu.enqueue_indirect_dma source(%dma_start3A_87 : memref<50048x64xf32, #tpu.memory_space<hbm>>) target(%dma_start3A_81 : memref<128x64xf32, #tpu.memory_space<vmem>>) offsets(%dma_start3A_84 : memref<128xi32, #tpu.memory_space<vmem>>) semaphore(%arg8 : memref<!tpu.dma_semaphore, #tpu.memory_space<semaphore_mem>>)
      %dma_start3A_88 = arith.constant 6 : i32
      %dma_start3A_89 = arith.constant 768 : i32
      %dma_start3A_90 = arith.constant 0 : i32
      %dma_start3A_91 = tpu.memref_slice %arg7[%dma_start3A_89, %dma_start3A_90] : memref<1024x64xf32, #tpu.memory_space<vmem>> -> memref<128x64xf32, #tpu.memory_space<vmem>>
      %dma_start3A_92 = arith.constant 0 : i32
      %dma_start3A_93 = tpu.memref_slice %arg6[%dma_start3A_88, %dma_start3A_92] : memref<8x128xi32, #tpu.memory_space<vmem>> -> memref<1x128xi32, #tpu.memory_space<vmem>>
      %dma_start3A_94 = tpu.memref_squeeze %dma_start3A_93 : memref<1x128xi32, #tpu.memory_space<vmem>> -> memref<128xi32, #tpu.memory_space<vmem>>
      %dma_start3A_95 = arith.constant 0 : i32
      %dma_start3A_96 = arith.constant 0 : i32
      %dma_start3A_97 = tpu.memref_slice %arg2[%dma_start3A_95, %dma_start3A_96] : memref<50048x64xf32, #tpu.memory_space<hbm>> -> memref<50048x64xf32, #tpu.memory_space<hbm>>
      tpu.enqueue_indirect_dma source(%dma_start3A_97 : memref<50048x64xf32, #tpu.memory_space<hbm>>) target(%dma_start3A_91 : memref<128x64xf32, #tpu.memory_space<vmem>>) offsets(%dma_start3A_94 : memref<128xi32, #tpu.memory_space<vmem>>) semaphore(%arg8 : memref<!tpu.dma_semaphore, #tpu.memory_space<semaphore_mem>>)
      %dma_start3A_98 = arith.constant 7 : i32
      %dma_start3A_99 = arith.constant 896 : i32
      %dma_start3A_100 = arith.constant 0 : i32
      %dma_start3A_101 = tpu.memref_slice %arg7[%dma_start3A_99, %dma_start3A_100] : memref<1024x64xf32, #tpu.memory_space<vmem>> -> memref<128x64xf32, #tpu.memory_space<vmem>>
      %dma_start3A_102 = arith.constant 0 : i32
      %dma_start3A_103 = tpu.memref_slice %arg6[%dma_start3A_98, %dma_start3A_102] : memref<8x128xi32, #tpu.memory_space<vmem>> -> memref<1x128xi32, #tpu.memory_space<vmem>>
      %dma_start3A_104 = tpu.memref_squeeze %dma_start3A_103 : memref<1x128xi32, #tpu.memory_space<vmem>> -> memref<128xi32, #tpu.memory_space<vmem>>
      %dma_start3A_105 = arith.constant 0 : i32
      %dma_start3A_106 = arith.constant 0 : i32
      %dma_start3A_107 = tpu.memref_slice %arg2[%dma_start3A_105, %dma_start3A_106] : memref<50048x64xf32, #tpu.memory_space<hbm>> -> memref<50048x64xf32, #tpu.memory_space<hbm>>
      tpu.enqueue_indirect_dma source(%dma_start3A_107 : memref<50048x64xf32, #tpu.memory_space<hbm>>) target(%dma_start3A_101 : memref<128x64xf32, #tpu.memory_space<vmem>>) offsets(%dma_start3A_104 : memref<128xi32, #tpu.memory_space<vmem>>) semaphore(%arg8 : memref<!tpu.dma_semaphore, #tpu.memory_space<semaphore_mem>>)
      %dma_wait3A = arith.constant 0 : i32
      %dma_wait3A_108 = arith.constant 0 : i32
      %dma_wait3A_109 = arith.constant 0 : i32
      %dma_wait3A_110 = tpu.memref_slice %arg7[%dma_wait3A_108, %dma_wait3A_109] : memref<1024x64xf32, #tpu.memory_space<vmem>> -> memref<128x64xf32, #tpu.memory_space<vmem>>
      %dma_wait3A_111 = arith.constant 0 : i32
      %dma_wait3A_112 = tpu.memref_slice %arg6[%dma_wait3A, %dma_wait3A_111] : memref<8x128xi32, #tpu.memory_space<vmem>> -> memref<1x128xi32, #tpu.memory_space<vmem>>
      %dma_wait3A_113 = tpu.memref_squeeze %dma_wait3A_112 : memref<1x128xi32, #tpu.memory_space<vmem>> -> memref<128xi32, #tpu.memory_space<vmem>>
      %dma_wait3A_114 = arith.constant 0 : i32
      %dma_wait3A_115 = arith.constant 0 : i32
      %dma_wait3A_116 = tpu.memref_slice %arg2[%dma_wait3A_114, %dma_wait3A_115] : memref<50048x64xf32, #tpu.memory_space<hbm>> -> memref<50048x64xf32, #tpu.memory_space<hbm>>
      tpu.wait_indirect_dma semaphore(%arg8 : memref<!tpu.dma_semaphore, #tpu.memory_space<semaphore_mem>>) src(%dma_wait3A_116 : memref<50048x64xf32, #tpu.memory_space<hbm>>) dst(%dma_wait3A_110 : memref<128x64xf32, #tpu.memory_space<vmem>>)
      %dma_wait3A_117 = arith.constant 1 : i32
      %dma_wait3A_118 = arith.constant 128 : i32
      %dma_wait3A_119 = arith.constant 0 : i32
      %dma_wait3A_120 = tpu.memref_slice %arg7[%dma_wait3A_118, %dma_wait3A_119] : memref<1024x64xf32, #tpu.memory_space<vmem>> -> memref<128x64xf32, #tpu.memory_space<vmem>>
      %dma_wait3A_121 = arith.constant 0 : i32
      %dma_wait3A_122 = tpu.memref_slice %arg6[%dma_wait3A_117, %dma_wait3A_121] : memref<8x128xi32, #tpu.memory_space<vmem>> -> memref<1x128xi32, #tpu.memory_space<vmem>>
      %dma_wait3A_123 = tpu.memref_squeeze %dma_wait3A_122 : memref<1x128xi32, #tpu.memory_space<vmem>> -> memref<128xi32, #tpu.memory_space<vmem>>
      %dma_wait3A_124 = arith.constant 0 : i32
      %dma_wait3A_125 = arith.constant 0 : i32
      %dma_wait3A_126 = tpu.memref_slice %arg2[%dma_wait3A_124, %dma_wait3A_125] : memref<50048x64xf32, #tpu.memory_space<hbm>> -> memref<50048x64xf32, #tpu.memory_space<hbm>>
      tpu.wait_indirect_dma semaphore(%arg8 : memref<!tpu.dma_semaphore, #tpu.memory_space<semaphore_mem>>) src(%dma_wait3A_126 : memref<50048x64xf32, #tpu.memory_space<hbm>>) dst(%dma_wait3A_120 : memref<128x64xf32, #tpu.memory_space<vmem>>)
      %dma_wait3A_127 = arith.constant 2 : i32
      %dma_wait3A_128 = arith.constant 256 : i32
      %dma_wait3A_129 = arith.constant 0 : i32
      %dma_wait3A_130 = tpu.memref_slice %arg7[%dma_wait3A_128, %dma_wait3A_129] : memref<1024x64xf32, #tpu.memory_space<vmem>> -> memref<128x64xf32, #tpu.memory_space<vmem>>
      %dma_wait3A_131 = arith.constant 0 : i32
      %dma_wait3A_132 = tpu.memref_slice %arg6[%dma_wait3A_127, %dma_wait3A_131] : memref<8x128xi32, #tpu.memory_space<vmem>> -> memref<1x128xi32, #tpu.memory_space<vmem>>
      %dma_wait3A_133 = tpu.memref_squeeze %dma_wait3A_132 : memref<1x128xi32, #tpu.memory_space<vmem>> -> memref<128xi32, #tpu.memory_space<vmem>>
      %dma_wait3A_134 = arith.constant 0 : i32
      %dma_wait3A_135 = arith.constant 0 : i32
      %dma_wait3A_136 = tpu.memref_slice %arg2[%dma_wait3A_134, %dma_wait3A_135] : memref<50048x64xf32, #tpu.memory_space<hbm>> -> memref<50048x64xf32, #tpu.memory_space<hbm>>
      tpu.wait_indirect_dma semaphore(%arg8 : memref<!tpu.dma_semaphore, #tpu.memory_space<semaphore_mem>>) src(%dma_wait3A_136 : memref<50048x64xf32, #tpu.memory_space<hbm>>) dst(%dma_wait3A_130 : memref<128x64xf32, #tpu.memory_space<vmem>>)
      %dma_wait3A_137 = arith.constant 3 : i32
      %dma_wait3A_138 = arith.constant 384 : i32
      %dma_wait3A_139 = arith.constant 0 : i32
      %dma_wait3A_140 = tpu.memref_slice %arg7[%dma_wait3A_138, %dma_wait3A_139] : memref<1024x64xf32, #tpu.memory_space<vmem>> -> memref<128x64xf32, #tpu.memory_space<vmem>>
      %dma_wait3A_141 = arith.constant 0 : i32
      %dma_wait3A_142 = tpu.memref_slice %arg6[%dma_wait3A_137, %dma_wait3A_141] : memref<8x128xi32, #tpu.memory_space<vmem>> -> memref<1x128xi32, #tpu.memory_space<vmem>>
      %dma_wait3A_143 = tpu.memref_squeeze %dma_wait3A_142 : memref<1x128xi32, #tpu.memory_space<vmem>> -> memref<128xi32, #tpu.memory_space<vmem>>
      %dma_wait3A_144 = arith.constant 0 : i32
      %dma_wait3A_145 = arith.constant 0 : i32
      %dma_wait3A_146 = tpu.memref_slice %arg2[%dma_wait3A_144, %dma_wait3A_145] : memref<50048x64xf32, #tpu.memory_space<hbm>> -> memref<50048x64xf32, #tpu.memory_space<hbm>>
      tpu.wait_indirect_dma semaphore(%arg8 : memref<!tpu.dma_semaphore, #tpu.memory_space<semaphore_mem>>) src(%dma_wait3A_146 : memref<50048x64xf32, #tpu.memory_space<hbm>>) dst(%dma_wait3A_140 : memref<128x64xf32, #tpu.memory_space<vmem>>)
      %dma_wait3A_147 = arith.constant 4 : i32
      %dma_wait3A_148 = arith.constant 512 : i32
      %dma_wait3A_149 = arith.constant 0 : i32
      %dma_wait3A_150 = tpu.memref_slice %arg7[%dma_wait3A_148, %dma_wait3A_149] : memref<1024x64xf32, #tpu.memory_space<vmem>> -> memref<128x64xf32, #tpu.memory_space<vmem>>
      %dma_wait3A_151 = arith.constant 0 : i32
      %dma_wait3A_152 = tpu.memref_slice %arg6[%dma_wait3A_147, %dma_wait3A_151] : memref<8x128xi32, #tpu.memory_space<vmem>> -> memref<1x128xi32, #tpu.memory_space<vmem>>
      %dma_wait3A_153 = tpu.memref_squeeze %dma_wait3A_152 : memref<1x128xi32, #tpu.memory_space<vmem>> -> memref<128xi32, #tpu.memory_space<vmem>>
      %dma_wait3A_154 = arith.constant 0 : i32
      %dma_wait3A_155 = arith.constant 0 : i32
      %dma_wait3A_156 = tpu.memref_slice %arg2[%dma_wait3A_154, %dma_wait3A_155] : memref<50048x64xf32, #tpu.memory_space<hbm>> -> memref<50048x64xf32, #tpu.memory_space<hbm>>
      tpu.wait_indirect_dma semaphore(%arg8 : memref<!tpu.dma_semaphore, #tpu.memory_space<semaphore_mem>>) src(%dma_wait3A_156 : memref<50048x64xf32, #tpu.memory_space<hbm>>) dst(%dma_wait3A_150 : memref<128x64xf32, #tpu.memory_space<vmem>>)
      %dma_wait3A_157 = arith.constant 5 : i32
      %dma_wait3A_158 = arith.constant 640 : i32
      %dma_wait3A_159 = arith.constant 0 : i32
      %dma_wait3A_160 = tpu.memref_slice %arg7[%dma_wait3A_158, %dma_wait3A_159] : memref<1024x64xf32, #tpu.memory_space<vmem>> -> memref<128x64xf32, #tpu.memory_space<vmem>>
      %dma_wait3A_161 = arith.constant 0 : i32
      %dma_wait3A_162 = tpu.memref_slice %arg6[%dma_wait3A_157, %dma_wait3A_161] : memref<8x128xi32, #tpu.memory_space<vmem>> -> memref<1x128xi32, #tpu.memory_space<vmem>>
      %dma_wait3A_163 = tpu.memref_squeeze %dma_wait3A_162 : memref<1x128xi32, #tpu.memory_space<vmem>> -> memref<128xi32, #tpu.memory_space<vmem>>
      %dma_wait3A_164 = arith.constant 0 : i32
      %dma_wait3A_165 = arith.constant 0 : i32
      %dma_wait3A_166 = tpu.memref_slice %arg2[%dma_wait3A_164, %dma_wait3A_165] : memref<50048x64xf32, #tpu.memory_space<hbm>> -> memref<50048x64xf32, #tpu.memory_space<hbm>>
      tpu.wait_indirect_dma semaphore(%arg8 : memref<!tpu.dma_semaphore, #tpu.memory_space<semaphore_mem>>) src(%dma_wait3A_166 : memref<50048x64xf32, #tpu.memory_space<hbm>>) dst(%dma_wait3A_160 : memref<128x64xf32, #tpu.memory_space<vmem>>)
      %dma_wait3A_167 = arith.constant 6 : i32
      %dma_wait3A_168 = arith.constant 768 : i32
      %dma_wait3A_169 = arith.constant 0 : i32
      %dma_wait3A_170 = tpu.memref_slice %arg7[%dma_wait3A_168, %dma_wait3A_169] : memref<1024x64xf32, #tpu.memory_space<vmem>> -> memref<128x64xf32, #tpu.memory_space<vmem>>
      %dma_wait3A_171 = arith.constant 0 : i32
      %dma_wait3A_172 = tpu.memref_slice %arg6[%dma_wait3A_167, %dma_wait3A_171] : memref<8x128xi32, #tpu.memory_space<vmem>> -> memref<1x128xi32, #tpu.memory_space<vmem>>
      %dma_wait3A_173 = tpu.memref_squeeze %dma_wait3A_172 : memref<1x128xi32, #tpu.memory_space<vmem>> -> memref<128xi32, #tpu.memory_space<vmem>>
      %dma_wait3A_174 = arith.constant 0 : i32
      %dma_wait3A_175 = arith.constant 0 : i32
      %dma_wait3A_176 = tpu.memref_slice %arg2[%dma_wait3A_174, %dma_wait3A_175] : memref<50048x64xf32, #tpu.memory_space<hbm>> -> memref<50048x64xf32, #tpu.memory_space<hbm>>
      tpu.wait_indirect_dma semaphore(%arg8 : memref<!tpu.dma_semaphore, #tpu.memory_space<semaphore_mem>>) src(%dma_wait3A_176 : memref<50048x64xf32, #tpu.memory_space<hbm>>) dst(%dma_wait3A_170 : memref<128x64xf32, #tpu.memory_space<vmem>>)
      %dma_wait3A_177 = arith.constant 7 : i32
      %dma_wait3A_178 = arith.constant 896 : i32
      %dma_wait3A_179 = arith.constant 0 : i32
      %dma_wait3A_180 = tpu.memref_slice %arg7[%dma_wait3A_178, %dma_wait3A_179] : memref<1024x64xf32, #tpu.memory_space<vmem>> -> memref<128x64xf32, #tpu.memory_space<vmem>>
      %dma_wait3A_181 = arith.constant 0 : i32
      %dma_wait3A_182 = tpu.memref_slice %arg6[%dma_wait3A_177, %dma_wait3A_181] : memref<8x128xi32, #tpu.memory_space<vmem>> -> memref<1x128xi32, #tpu.memory_space<vmem>>
      %dma_wait3A_183 = tpu.memref_squeeze %dma_wait3A_182 : memref<1x128xi32, #tpu.memory_space<vmem>> -> memref<128xi32, #tpu.memory_space<vmem>>
      %dma_wait3A_184 = arith.constant 0 : i32
      %dma_wait3A_185 = arith.constant 0 : i32
      %dma_wait3A_186 = tpu.memref_slice %arg2[%dma_wait3A_184, %dma_wait3A_185] : memref<50048x64xf32, #tpu.memory_space<hbm>> -> memref<50048x64xf32, #tpu.memory_space<hbm>>
      tpu.wait_indirect_dma semaphore(%arg8 : memref<!tpu.dma_semaphore, #tpu.memory_space<semaphore_mem>>) src(%dma_wait3A_186 : memref<50048x64xf32, #tpu.memory_space<hbm>>) dst(%dma_wait3A_180 : memref<128x64xf32, #tpu.memory_space<vmem>>)
      "tpu.region"() ({
        %run_scoped3A = tpu.sem_alloc : memref<!tpu.dma_semaphore, #tpu.memory_space<semaphore_mem>>
        %dma_start3A_347 = arith.constant 0 : i32
        %dma_start3A_348 = tpu.memref_slice %arg5[%multiple_of3A, %dma_start3A_347] : memref<819200x128xf32, #tpu.memory_space<hbm>> -> memref<1024x64xf32, #tpu.memory_space<hbm>>
        %dma_start3A_349 = arith.constant 0 : i32
        %dma_start3A_350 = tpu.memref_slice %arg5[%multiple_of3A, %dma_start3A_349] : memref<819200x128xf32, #tpu.memory_space<hbm>> -> memref<1024x64xf32, #tpu.memory_space<hbm>>
        tpu.enqueue_dma source(%arg7 : memref<1024x64xf32, #tpu.memory_space<vmem>>) target(%dma_start3A_350 : memref<1024x64xf32, #tpu.memory_space<hbm>>) target_semaphore(%run_scoped3A : memref<!tpu.dma_semaphore, #tpu.memory_space<semaphore_mem>>)
        %dma_wait3A_351 = arith.constant 0 : i32
        %dma_wait3A_352 = tpu.memref_slice %arg5[%multiple_of3A, %dma_wait3A_351] : memref<819200x128xf32, #tpu.memory_space<hbm>> -> memref<1024x64xf32, #tpu.memory_space<hbm>>
        %dma_wait3A_353 = arith.constant 0 : i32
        %dma_wait3A_354 = tpu.memref_slice %arg5[%multiple_of3A, %dma_wait3A_353] : memref<819200x128xf32, #tpu.memory_space<hbm>> -> memref<1024x64xf32, #tpu.memory_space<hbm>>
        tpu.wait_dma2 semaphore(%run_scoped3A : memref<!tpu.dma_semaphore, #tpu.memory_space<semaphore_mem>>) src(%arg7 : memref<1024x64xf32, #tpu.memory_space<vmem>>) dst(%dma_wait3A_354 : memref<1024x64xf32, #tpu.memory_space<hbm>>)
        tpu.yield
      }) : () -> ()
      "tpu.region"() ({
        %run_scoped3A = tpu.sem_alloc : memref<!tpu.dma_semaphore, #tpu.memory_space<semaphore_mem>>
        %dma_start3A_347 = arith.constant 0 : i32
        %dma_start3A_348 = tpu.memref_slice %arg4[%multiple_of3A_28, %dma_start3A_347] : memref<6400x128xi32, #tpu.memory_space<hbm>> -> memref<8x128xi32, #tpu.memory_space<hbm>>
        %dma_start3A_349 = arith.constant 0 : i32
        %dma_start3A_350 = tpu.memref_slice %arg4[%multiple_of3A_28, %dma_start3A_349] : memref<6400x128xi32, #tpu.memory_space<hbm>> -> memref<8x128xi32, #tpu.memory_space<hbm>>
        tpu.enqueue_dma source(%dma_start3A_350 : memref<8x128xi32, #tpu.memory_space<hbm>>) target(%arg6 : memref<8x128xi32, #tpu.memory_space<vmem>>) target_semaphore(%run_scoped3A : memref<!tpu.dma_semaphore, #tpu.memory_space<semaphore_mem>>)
        %dma_wait3A_351 = arith.constant 0 : i32
        %dma_wait3A_352 = tpu.memref_slice %arg4[%multiple_of3A_28, %dma_wait3A_351] : memref<6400x128xi32, #tpu.memory_space<hbm>> -> memref<8x128xi32, #tpu.memory_space<hbm>>
        %dma_wait3A_353 = arith.constant 0 : i32
        %dma_wait3A_354 = tpu.memref_slice %arg4[%multiple_of3A_28, %dma_wait3A_353] : memref<6400x128xi32, #tpu.memory_space<hbm>> -> memref<8x128xi32, #tpu.memory_space<hbm>>
        tpu.wait_dma2 semaphore(%run_scoped3A : memref<!tpu.dma_semaphore, #tpu.memory_space<semaphore_mem>>) src(%dma_wait3A_354 : memref<8x128xi32, #tpu.memory_space<hbm>>) dst(%arg6 : memref<8x128xi32, #tpu.memory_space<vmem>>)
        tpu.yield
      }) : () -> ()
      %dma_start3A_187 = arith.constant 0 : i32
      %dma_start3A_188 = arith.constant 0 : i32
      %dma_start3A_189 = arith.constant 0 : i32
      %dma_start3A_190 = tpu.memref_slice %arg7[%dma_start3A_188, %dma_start3A_189] : memref<1024x64xf32, #tpu.memory_space<vmem>> -> memref<128x64xf32, #tpu.memory_space<vmem>>
      %dma_start3A_191 = arith.constant 0 : i32
      %dma_start3A_192 = tpu.memref_slice %arg6[%dma_start3A_187, %dma_start3A_191] : memref<8x128xi32, #tpu.memory_space<vmem>> -> memref<1x128xi32, #tpu.memory_space<vmem>>
      %dma_start3A_193 = tpu.memref_squeeze %dma_start3A_192 : memref<1x128xi32, #tpu.memory_space<vmem>> -> memref<128xi32, #tpu.memory_space<vmem>>
      %dma_start3A_194 = arith.constant 0 : i32
      %dma_start3A_195 = arith.constant 0 : i32
      %dma_start3A_196 = tpu.memref_slice %arg2[%dma_start3A_194, %dma_start3A_195] : memref<50048x64xf32, #tpu.memory_space<hbm>> -> memref<50048x64xf32, #tpu.memory_space<hbm>>
      tpu.enqueue_indirect_dma source(%dma_start3A_196 : memref<50048x64xf32, #tpu.memory_space<hbm>>) target(%dma_start3A_190 : memref<128x64xf32, #tpu.memory_space<vmem>>) offsets(%dma_start3A_193 : memref<128xi32, #tpu.memory_space<vmem>>) semaphore(%arg8 : memref<!tpu.dma_semaphore, #tpu.memory_space<semaphore_mem>>)
      %dma_start3A_197 = arith.constant 1 : i32
      %dma_start3A_198 = arith.constant 128 : i32
      %dma_start3A_199 = arith.constant 0 : i32
      %dma_start3A_200 = tpu.memref_slice %arg7[%dma_start3A_198, %dma_start3A_199] : memref<1024x64xf32, #tpu.memory_space<vmem>> -> memref<128x64xf32, #tpu.memory_space<vmem>>
      %dma_start3A_201 = arith.constant 0 : i32
      %dma_start3A_202 = tpu.memref_slice %arg6[%dma_start3A_197, %dma_start3A_201] : memref<8x128xi32, #tpu.memory_space<vmem>> -> memref<1x128xi32, #tpu.memory_space<vmem>>
      %dma_start3A_203 = tpu.memref_squeeze %dma_start3A_202 : memref<1x128xi32, #tpu.memory_space<vmem>> -> memref<128xi32, #tpu.memory_space<vmem>>
      %dma_start3A_204 = arith.constant 0 : i32
      %dma_start3A_205 = arith.constant 0 : i32
      %dma_start3A_206 = tpu.memref_slice %arg2[%dma_start3A_204, %dma_start3A_205] : memref<50048x64xf32, #tpu.memory_space<hbm>> -> memref<50048x64xf32, #tpu.memory_space<hbm>>
      tpu.enqueue_indirect_dma source(%dma_start3A_206 : memref<50048x64xf32, #tpu.memory_space<hbm>>) target(%dma_start3A_200 : memref<128x64xf32, #tpu.memory_space<vmem>>) offsets(%dma_start3A_203 : memref<128xi32, #tpu.memory_space<vmem>>) semaphore(%arg8 : memref<!tpu.dma_semaphore, #tpu.memory_space<semaphore_mem>>)
      %dma_start3A_207 = arith.constant 2 : i32
      %dma_start3A_208 = arith.constant 256 : i32
      %dma_start3A_209 = arith.constant 0 : i32
      %dma_start3A_210 = tpu.memref_slice %arg7[%dma_start3A_208, %dma_start3A_209] : memref<1024x64xf32, #tpu.memory_space<vmem>> -> memref<128x64xf32, #tpu.memory_space<vmem>>
      %dma_start3A_211 = arith.constant 0 : i32
      %dma_start3A_212 = tpu.memref_slice %arg6[%dma_start3A_207, %dma_start3A_211] : memref<8x128xi32, #tpu.memory_space<vmem>> -> memref<1x128xi32, #tpu.memory_space<vmem>>
      %dma_start3A_213 = tpu.memref_squeeze %dma_start3A_212 : memref<1x128xi32, #tpu.memory_space<vmem>> -> memref<128xi32, #tpu.memory_space<vmem>>
      %dma_start3A_214 = arith.constant 0 : i32
      %dma_start3A_215 = arith.constant 0 : i32
      %dma_start3A_216 = tpu.memref_slice %arg2[%dma_start3A_214, %dma_start3A_215] : memref<50048x64xf32, #tpu.memory_space<hbm>> -> memref<50048x64xf32, #tpu.memory_space<hbm>>
      tpu.enqueue_indirect_dma source(%dma_start3A_216 : memref<50048x64xf32, #tpu.memory_space<hbm>>) target(%dma_start3A_210 : memref<128x64xf32, #tpu.memory_space<vmem>>) offsets(%dma_start3A_213 : memref<128xi32, #tpu.memory_space<vmem>>) semaphore(%arg8 : memref<!tpu.dma_semaphore, #tpu.memory_space<semaphore_mem>>)
      %dma_start3A_217 = arith.constant 3 : i32
      %dma_start3A_218 = arith.constant 384 : i32
      %dma_start3A_219 = arith.constant 0 : i32
      %dma_start3A_220 = tpu.memref_slice %arg7[%dma_start3A_218, %dma_start3A_219] : memref<1024x64xf32, #tpu.memory_space<vmem>> -> memref<128x64xf32, #tpu.memory_space<vmem>>
      %dma_start3A_221 = arith.constant 0 : i32
      %dma_start3A_222 = tpu.memref_slice %arg6[%dma_start3A_217, %dma_start3A_221] : memref<8x128xi32, #tpu.memory_space<vmem>> -> memref<1x128xi32, #tpu.memory_space<vmem>>
      %dma_start3A_223 = tpu.memref_squeeze %dma_start3A_222 : memref<1x128xi32, #tpu.memory_space<vmem>> -> memref<128xi32, #tpu.memory_space<vmem>>
      %dma_start3A_224 = arith.constant 0 : i32
      %dma_start3A_225 = arith.constant 0 : i32
      %dma_start3A_226 = tpu.memref_slice %arg2[%dma_start3A_224, %dma_start3A_225] : memref<50048x64xf32, #tpu.memory_space<hbm>> -> memref<50048x64xf32, #tpu.memory_space<hbm>>
      tpu.enqueue_indirect_dma source(%dma_start3A_226 : memref<50048x64xf32, #tpu.memory_space<hbm>>) target(%dma_start3A_220 : memref<128x64xf32, #tpu.memory_space<vmem>>) offsets(%dma_start3A_223 : memref<128xi32, #tpu.memory_space<vmem>>) semaphore(%arg8 : memref<!tpu.dma_semaphore, #tpu.memory_space<semaphore_mem>>)
      %dma_start3A_227 = arith.constant 4 : i32
      %dma_start3A_228 = arith.constant 512 : i32
      %dma_start3A_229 = arith.constant 0 : i32
      %dma_start3A_230 = tpu.memref_slice %arg7[%dma_start3A_228, %dma_start3A_229] : memref<1024x64xf32, #tpu.memory_space<vmem>> -> memref<128x64xf32, #tpu.memory_space<vmem>>
      %dma_start3A_231 = arith.constant 0 : i32
      %dma_start3A_232 = tpu.memref_slice %arg6[%dma_start3A_227, %dma_start3A_231] : memref<8x128xi32, #tpu.memory_space<vmem>> -> memref<1x128xi32, #tpu.memory_space<vmem>>
      %dma_start3A_233 = tpu.memref_squeeze %dma_start3A_232 : memref<1x128xi32, #tpu.memory_space<vmem>> -> memref<128xi32, #tpu.memory_space<vmem>>
      %dma_start3A_234 = arith.constant 0 : i32
      %dma_start3A_235 = arith.constant 0 : i32
      %dma_start3A_236 = tpu.memref_slice %arg2[%dma_start3A_234, %dma_start3A_235] : memref<50048x64xf32, #tpu.memory_space<hbm>> -> memref<50048x64xf32, #tpu.memory_space<hbm>>
      tpu.enqueue_indirect_dma source(%dma_start3A_236 : memref<50048x64xf32, #tpu.memory_space<hbm>>) target(%dma_start3A_230 : memref<128x64xf32, #tpu.memory_space<vmem>>) offsets(%dma_start3A_233 : memref<128xi32, #tpu.memory_space<vmem>>) semaphore(%arg8 : memref<!tpu.dma_semaphore, #tpu.memory_space<semaphore_mem>>)
      %dma_start3A_237 = arith.constant 5 : i32
      %dma_start3A_238 = arith.constant 640 : i32
      %dma_start3A_239 = arith.constant 0 : i32
      %dma_start3A_240 = tpu.memref_slice %arg7[%dma_start3A_238, %dma_start3A_239] : memref<1024x64xf32, #tpu.memory_space<vmem>> -> memref<128x64xf32, #tpu.memory_space<vmem>>
      %dma_start3A_241 = arith.constant 0 : i32
      %dma_start3A_242 = tpu.memref_slice %arg6[%dma_start3A_237, %dma_start3A_241] : memref<8x128xi32, #tpu.memory_space<vmem>> -> memref<1x128xi32, #tpu.memory_space<vmem>>
      %dma_start3A_243 = tpu.memref_squeeze %dma_start3A_242 : memref<1x128xi32, #tpu.memory_space<vmem>> -> memref<128xi32, #tpu.memory_space<vmem>>
      %dma_start3A_244 = arith.constant 0 : i32
      %dma_start3A_245 = arith.constant 0 : i32
      %dma_start3A_246 = tpu.memref_slice %arg2[%dma_start3A_244, %dma_start3A_245] : memref<50048x64xf32, #tpu.memory_space<hbm>> -> memref<50048x64xf32, #tpu.memory_space<hbm>>
      tpu.enqueue_indirect_dma source(%dma_start3A_246 : memref<50048x64xf32, #tpu.memory_space<hbm>>) target(%dma_start3A_240 : memref<128x64xf32, #tpu.memory_space<vmem>>) offsets(%dma_start3A_243 : memref<128xi32, #tpu.memory_space<vmem>>) semaphore(%arg8 : memref<!tpu.dma_semaphore, #tpu.memory_space<semaphore_mem>>)
      %dma_start3A_247 = arith.constant 6 : i32
      %dma_start3A_248 = arith.constant 768 : i32
      %dma_start3A_249 = arith.constant 0 : i32
      %dma_start3A_250 = tpu.memref_slice %arg7[%dma_start3A_248, %dma_start3A_249] : memref<1024x64xf32, #tpu.memory_space<vmem>> -> memref<128x64xf32, #tpu.memory_space<vmem>>
      %dma_start3A_251 = arith.constant 0 : i32
      %dma_start3A_252 = tpu.memref_slice %arg6[%dma_start3A_247, %dma_start3A_251] : memref<8x128xi32, #tpu.memory_space<vmem>> -> memref<1x128xi32, #tpu.memory_space<vmem>>
      %dma_start3A_253 = tpu.memref_squeeze %dma_start3A_252 : memref<1x128xi32, #tpu.memory_space<vmem>> -> memref<128xi32, #tpu.memory_space<vmem>>
      %dma_start3A_254 = arith.constant 0 : i32
      %dma_start3A_255 = arith.constant 0 : i32
      %dma_start3A_256 = tpu.memref_slice %arg2[%dma_start3A_254, %dma_start3A_255] : memref<50048x64xf32, #tpu.memory_space<hbm>> -> memref<50048x64xf32, #tpu.memory_space<hbm>>
      tpu.enqueue_indirect_dma source(%dma_start3A_256 : memref<50048x64xf32, #tpu.memory_space<hbm>>) target(%dma_start3A_250 : memref<128x64xf32, #tpu.memory_space<vmem>>) offsets(%dma_start3A_253 : memref<128xi32, #tpu.memory_space<vmem>>) semaphore(%arg8 : memref<!tpu.dma_semaphore, #tpu.memory_space<semaphore_mem>>)
      %dma_start3A_257 = arith.constant 7 : i32
      %dma_start3A_258 = arith.constant 896 : i32
      %dma_start3A_259 = arith.constant 0 : i32
      %dma_start3A_260 = tpu.memref_slice %arg7[%dma_start3A_258, %dma_start3A_259] : memref<1024x64xf32, #tpu.memory_space<vmem>> -> memref<128x64xf32, #tpu.memory_space<vmem>>
      %dma_start3A_261 = arith.constant 0 : i32
      %dma_start3A_262 = tpu.memref_slice %arg6[%dma_start3A_257, %dma_start3A_261] : memref<8x128xi32, #tpu.memory_space<vmem>> -> memref<1x128xi32, #tpu.memory_space<vmem>>
      %dma_start3A_263 = tpu.memref_squeeze %dma_start3A_262 : memref<1x128xi32, #tpu.memory_space<vmem>> -> memref<128xi32, #tpu.memory_space<vmem>>
      %dma_start3A_264 = arith.constant 0 : i32
      %dma_start3A_265 = arith.constant 0 : i32
      %dma_start3A_266 = tpu.memref_slice %arg2[%dma_start3A_264, %dma_start3A_265] : memref<50048x64xf32, #tpu.memory_space<hbm>> -> memref<50048x64xf32, #tpu.memory_space<hbm>>
      tpu.enqueue_indirect_dma source(%dma_start3A_266 : memref<50048x64xf32, #tpu.memory_space<hbm>>) target(%dma_start3A_260 : memref<128x64xf32, #tpu.memory_space<vmem>>) offsets(%dma_start3A_263 : memref<128xi32, #tpu.memory_space<vmem>>) semaphore(%arg8 : memref<!tpu.dma_semaphore, #tpu.memory_space<semaphore_mem>>)
      %dma_wait3A_267 = arith.constant 0 : i32
      %dma_wait3A_268 = arith.constant 0 : i32
      %dma_wait3A_269 = arith.constant 0 : i32
      %dma_wait3A_270 = tpu.memref_slice %arg7[%dma_wait3A_268, %dma_wait3A_269] : memref<1024x64xf32, #tpu.memory_space<vmem>> -> memref<128x64xf32, #tpu.memory_space<vmem>>
      %dma_wait3A_271 = arith.constant 0 : i32
      %dma_wait3A_272 = tpu.memref_slice %arg6[%dma_wait3A_267, %dma_wait3A_271] : memref<8x128xi32, #tpu.memory_space<vmem>> -> memref<1x128xi32, #tpu.memory_space<vmem>>
      %dma_wait3A_273 = tpu.memref_squeeze %dma_wait3A_272 : memref<1x128xi32, #tpu.memory_space<vmem>> -> memref<128xi32, #tpu.memory_space<vmem>>
      %dma_wait3A_274 = arith.constant 0 : i32
      %dma_wait3A_275 = arith.constant 0 : i32
      %dma_wait3A_276 = tpu.memref_slice %arg2[%dma_wait3A_274, %dma_wait3A_275] : memref<50048x64xf32, #tpu.memory_space<hbm>> -> memref<50048x64xf32, #tpu.memory_space<hbm>>
      tpu.wait_indirect_dma semaphore(%arg8 : memref<!tpu.dma_semaphore, #tpu.memory_space<semaphore_mem>>) src(%dma_wait3A_276 : memref<50048x64xf32, #tpu.memory_space<hbm>>) dst(%dma_wait3A_270 : memref<128x64xf32, #tpu.memory_space<vmem>>)
      %dma_wait3A_277 = arith.constant 1 : i32
      %dma_wait3A_278 = arith.constant 128 : i32
      %dma_wait3A_279 = arith.constant 0 : i32
      %dma_wait3A_280 = tpu.memref_slice %arg7[%dma_wait3A_278, %dma_wait3A_279] : memref<1024x64xf32, #tpu.memory_space<vmem>> -> memref<128x64xf32, #tpu.memory_space<vmem>>
      %dma_wait3A_281 = arith.constant 0 : i32
      %dma_wait3A_282 = tpu.memref_slice %arg6[%dma_wait3A_277, %dma_wait3A_281] : memref<8x128xi32, #tpu.memory_space<vmem>> -> memref<1x128xi32, #tpu.memory_space<vmem>>
      %dma_wait3A_283 = tpu.memref_squeeze %dma_wait3A_282 : memref<1x128xi32, #tpu.memory_space<vmem>> -> memref<128xi32, #tpu.memory_space<vmem>>
      %dma_wait3A_284 = arith.constant 0 : i32
      %dma_wait3A_285 = arith.constant 0 : i32
      %dma_wait3A_286 = tpu.memref_slice %arg2[%dma_wait3A_284, %dma_wait3A_285] : memref<50048x64xf32, #tpu.memory_space<hbm>> -> memref<50048x64xf32, #tpu.memory_space<hbm>>
      tpu.wait_indirect_dma semaphore(%arg8 : memref<!tpu.dma_semaphore, #tpu.memory_space<semaphore_mem>>) src(%dma_wait3A_286 : memref<50048x64xf32, #tpu.memory_space<hbm>>) dst(%dma_wait3A_280 : memref<128x64xf32, #tpu.memory_space<vmem>>)
      %dma_wait3A_287 = arith.constant 2 : i32
      %dma_wait3A_288 = arith.constant 256 : i32
      %dma_wait3A_289 = arith.constant 0 : i32
      %dma_wait3A_290 = tpu.memref_slice %arg7[%dma_wait3A_288, %dma_wait3A_289] : memref<1024x64xf32, #tpu.memory_space<vmem>> -> memref<128x64xf32, #tpu.memory_space<vmem>>
      %dma_wait3A_291 = arith.constant 0 : i32
      %dma_wait3A_292 = tpu.memref_slice %arg6[%dma_wait3A_287, %dma_wait3A_291] : memref<8x128xi32, #tpu.memory_space<vmem>> -> memref<1x128xi32, #tpu.memory_space<vmem>>
      %dma_wait3A_293 = tpu.memref_squeeze %dma_wait3A_292 : memref<1x128xi32, #tpu.memory_space<vmem>> -> memref<128xi32, #tpu.memory_space<vmem>>
      %dma_wait3A_294 = arith.constant 0 : i32
      %dma_wait3A_295 = arith.constant 0 : i32
      %dma_wait3A_296 = tpu.memref_slice %arg2[%dma_wait3A_294, %dma_wait3A_295] : memref<50048x64xf32, #tpu.memory_space<hbm>> -> memref<50048x64xf32, #tpu.memory_space<hbm>>
      tpu.wait_indirect_dma semaphore(%arg8 : memref<!tpu.dma_semaphore, #tpu.memory_space<semaphore_mem>>) src(%dma_wait3A_296 : memref<50048x64xf32, #tpu.memory_space<hbm>>) dst(%dma_wait3A_290 : memref<128x64xf32, #tpu.memory_space<vmem>>)
      %dma_wait3A_297 = arith.constant 3 : i32
      %dma_wait3A_298 = arith.constant 384 : i32
      %dma_wait3A_299 = arith.constant 0 : i32
      %dma_wait3A_300 = tpu.memref_slice %arg7[%dma_wait3A_298, %dma_wait3A_299] : memref<1024x64xf32, #tpu.memory_space<vmem>> -> memref<128x64xf32, #tpu.memory_space<vmem>>
      %dma_wait3A_301 = arith.constant 0 : i32
      %dma_wait3A_302 = tpu.memref_slice %arg6[%dma_wait3A_297, %dma_wait3A_301] : memref<8x128xi32, #tpu.memory_space<vmem>> -> memref<1x128xi32, #tpu.memory_space<vmem>>
      %dma_wait3A_303 = tpu.memref_squeeze %dma_wait3A_302 : memref<1x128xi32, #tpu.memory_space<vmem>> -> memref<128xi32, #tpu.memory_space<vmem>>
      %dma_wait3A_304 = arith.constant 0 : i32
      %dma_wait3A_305 = arith.constant 0 : i32
      %dma_wait3A_306 = tpu.memref_slice %arg2[%dma_wait3A_304, %dma_wait3A_305] : memref<50048x64xf32, #tpu.memory_space<hbm>> -> memref<50048x64xf32, #tpu.memory_space<hbm>>
      tpu.wait_indirect_dma semaphore(%arg8 : memref<!tpu.dma_semaphore, #tpu.memory_space<semaphore_mem>>) src(%dma_wait3A_306 : memref<50048x64xf32, #tpu.memory_space<hbm>>) dst(%dma_wait3A_300 : memref<128x64xf32, #tpu.memory_space<vmem>>)
      %dma_wait3A_307 = arith.constant 4 : i32
      %dma_wait3A_308 = arith.constant 512 : i32
      %dma_wait3A_309 = arith.constant 0 : i32
      %dma_wait3A_310 = tpu.memref_slice %arg7[%dma_wait3A_308, %dma_wait3A_309] : memref<1024x64xf32, #tpu.memory_space<vmem>> -> memref<128x64xf32, #tpu.memory_space<vmem>>
      %dma_wait3A_311 = arith.constant 0 : i32
      %dma_wait3A_312 = tpu.memref_slice %arg6[%dma_wait3A_307, %dma_wait3A_311] : memref<8x128xi32, #tpu.memory_space<vmem>> -> memref<1x128xi32, #tpu.memory_space<vmem>>
      %dma_wait3A_313 = tpu.memref_squeeze %dma_wait3A_312 : memref<1x128xi32, #tpu.memory_space<vmem>> -> memref<128xi32, #tpu.memory_space<vmem>>
      %dma_wait3A_314 = arith.constant 0 : i32
      %dma_wait3A_315 = arith.constant 0 : i32
      %dma_wait3A_316 = tpu.memref_slice %arg2[%dma_wait3A_314, %dma_wait3A_315] : memref<50048x64xf32, #tpu.memory_space<hbm>> -> memref<50048x64xf32, #tpu.memory_space<hbm>>
      tpu.wait_indirect_dma semaphore(%arg8 : memref<!tpu.dma_semaphore, #tpu.memory_space<semaphore_mem>>) src(%dma_wait3A_316 : memref<50048x64xf32, #tpu.memory_space<hbm>>) dst(%dma_wait3A_310 : memref<128x64xf32, #tpu.memory_space<vmem>>)
      %dma_wait3A_317 = arith.constant 5 : i32
      %dma_wait3A_318 = arith.constant 640 : i32
      %dma_wait3A_319 = arith.constant 0 : i32
      %dma_wait3A_320 = tpu.memref_slice %arg7[%dma_wait3A_318, %dma_wait3A_319] : memref<1024x64xf32, #tpu.memory_space<vmem>> -> memref<128x64xf32, #tpu.memory_space<vmem>>
      %dma_wait3A_321 = arith.constant 0 : i32
      %dma_wait3A_322 = tpu.memref_slice %arg6[%dma_wait3A_317, %dma_wait3A_321] : memref<8x128xi32, #tpu.memory_space<vmem>> -> memref<1x128xi32, #tpu.memory_space<vmem>>
      %dma_wait3A_323 = tpu.memref_squeeze %dma_wait3A_322 : memref<1x128xi32, #tpu.memory_space<vmem>> -> memref<128xi32, #tpu.memory_space<vmem>>
      %dma_wait3A_324 = arith.constant 0 : i32
      %dma_wait3A_325 = arith.constant 0 : i32
      %dma_wait3A_326 = tpu.memref_slice %arg2[%dma_wait3A_324, %dma_wait3A_325] : memref<50048x64xf32, #tpu.memory_space<hbm>> -> memref<50048x64xf32, #tpu.memory_space<hbm>>
      tpu.wait_indirect_dma semaphore(%arg8 : memref<!tpu.dma_semaphore, #tpu.memory_space<semaphore_mem>>) src(%dma_wait3A_326 : memref<50048x64xf32, #tpu.memory_space<hbm>>) dst(%dma_wait3A_320 : memref<128x64xf32, #tpu.memory_space<vmem>>)
      %dma_wait3A_327 = arith.constant 6 : i32
      %dma_wait3A_328 = arith.constant 768 : i32
      %dma_wait3A_329 = arith.constant 0 : i32
      %dma_wait3A_330 = tpu.memref_slice %arg7[%dma_wait3A_328, %dma_wait3A_329] : memref<1024x64xf32, #tpu.memory_space<vmem>> -> memref<128x64xf32, #tpu.memory_space<vmem>>
      %dma_wait3A_331 = arith.constant 0 : i32
      %dma_wait3A_332 = tpu.memref_slice %arg6[%dma_wait3A_327, %dma_wait3A_331] : memref<8x128xi32, #tpu.memory_space<vmem>> -> memref<1x128xi32, #tpu.memory_space<vmem>>
      %dma_wait3A_333 = tpu.memref_squeeze %dma_wait3A_332 : memref<1x128xi32, #tpu.memory_space<vmem>> -> memref<128xi32, #tpu.memory_space<vmem>>
      %dma_wait3A_334 = arith.constant 0 : i32
      %dma_wait3A_335 = arith.constant 0 : i32
      %dma_wait3A_336 = tpu.memref_slice %arg2[%dma_wait3A_334, %dma_wait3A_335] : memref<50048x64xf32, #tpu.memory_space<hbm>> -> memref<50048x64xf32, #tpu.memory_space<hbm>>
      tpu.wait_indirect_dma semaphore(%arg8 : memref<!tpu.dma_semaphore, #tpu.memory_space<semaphore_mem>>) src(%dma_wait3A_336 : memref<50048x64xf32, #tpu.memory_space<hbm>>) dst(%dma_wait3A_330 : memref<128x64xf32, #tpu.memory_space<vmem>>)
      %dma_wait3A_337 = arith.constant 7 : i32
      %dma_wait3A_338 = arith.constant 896 : i32
      %dma_wait3A_339 = arith.constant 0 : i32
      %dma_wait3A_340 = tpu.memref_slice %arg7[%dma_wait3A_338, %dma_wait3A_339] : memref<1024x64xf32, #tpu.memory_space<vmem>> -> memref<128x64xf32, #tpu.memory_space<vmem>>
      %dma_wait3A_341 = arith.constant 0 : i32
      %dma_wait3A_342 = tpu.memref_slice %arg6[%dma_wait3A_337, %dma_wait3A_341] : memref<8x128xi32, #tpu.memory_space<vmem>> -> memref<1x128xi32, #tpu.memory_space<vmem>>
      %dma_wait3A_343 = tpu.memref_squeeze %dma_wait3A_342 : memref<1x128xi32, #tpu.memory_space<vmem>> -> memref<128xi32, #tpu.memory_space<vmem>>
      %dma_wait3A_344 = arith.constant 0 : i32
      %dma_wait3A_345 = arith.constant 0 : i32
      %dma_wait3A_346 = tpu.memref_slice %arg2[%dma_wait3A_344, %dma_wait3A_345] : memref<50048x64xf32, #tpu.memory_space<hbm>> -> memref<50048x64xf32, #tpu.memory_space<hbm>>
      tpu.wait_indirect_dma semaphore(%arg8 : memref<!tpu.dma_semaphore, #tpu.memory_space<semaphore_mem>>) src(%dma_wait3A_346 : memref<50048x64xf32, #tpu.memory_space<hbm>>) dst(%dma_wait3A_340 : memref<128x64xf32, #tpu.memory_space<vmem>>)
      "tpu.region"() ({
        %run_scoped3A = tpu.sem_alloc : memref<!tpu.dma_semaphore, #tpu.memory_space<semaphore_mem>>
        %dma_start3A_347 = arith.constant 64 : i32
        %dma_start3A_348 = tpu.memref_slice %arg5[%multiple_of3A, %dma_start3A_347] : memref<819200x128xf32, #tpu.memory_space<hbm>> -> memref<1024x64xf32, #tpu.memory_space<hbm>>
        %dma_start3A_349 = arith.constant 64 : i32
        %dma_start3A_350 = tpu.memref_slice %arg5[%multiple_of3A, %dma_start3A_349] : memref<819200x128xf32, #tpu.memory_space<hbm>> -> memref<1024x64xf32, #tpu.memory_space<hbm>>
        tpu.enqueue_dma source(%arg7 : memref<1024x64xf32, #tpu.memory_space<vmem>>) target(%dma_start3A_350 : memref<1024x64xf32, #tpu.memory_space<hbm>>) target_semaphore(%run_scoped3A : memref<!tpu.dma_semaphore, #tpu.memory_space<semaphore_mem>>)
        %dma_wait3A_351 = arith.constant 64 : i32
        %dma_wait3A_352 = tpu.memref_slice %arg5[%multiple_of3A, %dma_wait3A_351] : memref<819200x128xf32, #tpu.memory_space<hbm>> -> memref<1024x64xf32, #tpu.memory_space<hbm>>
        %dma_wait3A_353 = arith.constant 64 : i32
        %dma_wait3A_354 = tpu.memref_slice %arg5[%multiple_of3A, %dma_wait3A_353] : memref<819200x128xf32, #tpu.memory_space<hbm>> -> memref<1024x64xf32, #tpu.memory_space<hbm>>
        tpu.wait_dma2 semaphore(%run_scoped3A : memref<!tpu.dma_semaphore, #tpu.memory_space<semaphore_mem>>) src(%arg7 : memref<1024x64xf32, #tpu.memory_space<vmem>>) dst(%dma_wait3A_354 : memref<1024x64xf32, #tpu.memory_space<hbm>>)
        tpu.yield
      }) : () -> ()
    }
    %scan3A_5 = arith.constant 25 : i32
    return
  }
}

#map = affine_map<(d0, d1) -> (0, 0)>
#map1 = affine_map<(d0, d1) -> (0, 0, 0)>
module attributes {stable_mosaic.version = 14 : i64} {
  func.func @_sc_scatter_body(%arg0: i32, %arg1: i32, %arg2: memref<50048x16xf32, #tpu.memory_space<hbm>>, %arg3: memref<6400x128xi32, #tpu.memory_space<hbm>>, %arg4: memref<6400x128xi32, #tpu.memory_space<hbm>>, %arg5: memref<102400x128xf32, #tpu.memory_space<hbm>>, %arg6: memref<3128x16xf32, #tpu.memory_space<hbm>>, %arg7: memref<2x50048x16xf32, #tpu.memory_space<hbm>>, %arg8: memref<8x128xi32, #tpu.memory_space<vmem>>, %arg9: memref<8x128xi32, #tpu.memory_space<vmem>>, %arg10: memref<128x128xf32, #tpu.memory_space<vmem>>, %arg11: memref<1024x16xf32, #tpu.memory_space<vmem>>, %arg12: memref<50048x16xf32, #tpu.memory_space<vmem_shared>>, %arg13: memref<!tpu.dma_semaphore, #tpu.memory_space<semaphore_mem>>) attributes {dimension_semantics = [#tpu.dimension_semantics<core_parallel>, #tpu.dimension_semantics<subcore_parallel>], iteration_bounds = array<i64: 2, 16>, scalar_prefetch = 0 : i64, scratch_operands = 6 : i64, tpu.core_type = #tpu.core_type<sc_vector_subcore>, window_params = [{transform_indices = #map}, {transform_indices = #map}, {transform_indices = #map}, {transform_indices = #map}, {transform_indices = #map}, {transform_indices = #map1}]} {
    %mul3A = arith.constant 2 : i32
    %mul3A_0 = arith.muli %arg1, %mul3A : i32
    %add3A = arith.addi %mul3A_0, %arg0 : i32
    %mul3A_1 = arith.constant 3128 : i32
    %mul3A_2 = arith.muli %arg1, %mul3A_1 : i32
    %multiple_of3A = tpu.assume_multiple %mul3A_2, 8 : i32
    "tpu.region"() ({
      %run_scoped3A = tpu.sem_alloc : memref<!tpu.dma_semaphore, #tpu.memory_space<semaphore_mem>>
      %dma_start3A = arith.constant 0 : i32
      %dma_start3A_9 = tpu.memref_slice %arg12[%multiple_of3A, %dma_start3A] : memref<50048x16xf32, #tpu.memory_space<vmem_shared>> -> memref<3128x16xf32, #tpu.memory_space<vmem_shared>>
      tpu.enqueue_dma source(%arg6 : memref<3128x16xf32, #tpu.memory_space<hbm>>) target(%dma_start3A_9 : memref<3128x16xf32, #tpu.memory_space<vmem_shared>>) target_semaphore(%run_scoped3A : memref<!tpu.dma_semaphore, #tpu.memory_space<semaphore_mem>>)
      %dma_wait3A = arith.constant 0 : i32
      %dma_wait3A_10 = tpu.memref_slice %arg12[%multiple_of3A, %dma_wait3A] : memref<50048x16xf32, #tpu.memory_space<vmem_shared>> -> memref<3128x16xf32, #tpu.memory_space<vmem_shared>>
      tpu.wait_dma2 semaphore(%run_scoped3A : memref<!tpu.dma_semaphore, #tpu.memory_space<semaphore_mem>>) src(%arg6 : memref<3128x16xf32, #tpu.memory_space<hbm>>) dst(%dma_wait3A_10 : memref<3128x16xf32, #tpu.memory_space<vmem_shared>>)
      tpu.yield
    }) : () -> ()
    %barrier3A = arith.constant 0 : index
    tpu.barrier barrier_id(%barrier3A)
    %scan3A = arith.constant 0 : i32
    %scan3A_3 = arith.constant 0 : i32
    %scan3A_4 = arith.constant 25 : i32
    %scan3A_5 = arith.addi %scan3A_3, %scan3A_4 : i32
    %scan3A_6 = arith.constant 1 : i32
    scf.for %scan3A_9 = %scan3A_3 to %scan3A_5 step %scan3A_6  : i32 {
      %mul3A_10 = arith.constant 25600 : i32
      %mul3A_11 = arith.muli %add3A, %mul3A_10 : i32
      %mul3A_12 = arith.constant 1024 : i32
      %mul3A_13 = arith.muli %scan3A_9, %mul3A_12 : i32
      %add3A_14 = arith.addi %mul3A_11, %mul3A_13 : i32
      %multiple_of3A_15 = tpu.assume_multiple %add3A_14, 1024 : i32
      %jit3A = arith.constant 128 : i32
      %div3A = arith.divsi %multiple_of3A_15, %jit3A : i32
      %sign3A = arith.constant 0 : i32
      %sign3A_16 = arith.cmpi sgt, %multiple_of3A_15, %sign3A : i32
      %sign3A_17 = arith.extui %sign3A_16 : i1 to i32
      %sign3A_18 = arith.constant 0 : i32
      %sign3A_19 = arith.cmpi slt, %multiple_of3A_15, %sign3A_18 : i32
      %sign3A_20 = arith.extui %sign3A_19 : i1 to i32
      %sign3A_21 = arith.subi %sign3A_17, %sign3A_20 : i32
      %sign3A_22 = arith.constant 0 : i32
      %sign3A_23 = arith.cmpi sgt, %jit3A, %sign3A_22 : i32
      %sign3A_24 = arith.extui %sign3A_23 : i1 to i32
      %sign3A_25 = arith.constant 0 : i32
      %sign3A_26 = arith.cmpi slt, %jit3A, %sign3A_25 : i32
      %sign3A_27 = arith.extui %sign3A_26 : i1 to i32
      %sign3A_28 = arith.subi %sign3A_24, %sign3A_27 : i32
      %ne3A = arith.cmpi ne, %sign3A_21, %sign3A_28 : i32
      %rem3A = arith.remsi %multiple_of3A_15, %jit3A : i32
      %ne3A_29 = arith.constant 0 : i32
      %ne3A_30 = arith.cmpi ne, %rem3A, %ne3A_29 : i32
      %and3A = arith.andi %ne3A, %ne3A_30 : i1
      %sub3A = arith.constant 1 : i32
      %sub3A_31 = arith.subi %div3A, %sub3A : i32
      %select_n3A = arith.select %and3A, %sub3A_31, %div3A : i32
      %multiple_of3A_32 = tpu.assume_multiple %select_n3A, 8 : i32
      %jit3A_33 = arith.constant 8 : i32
      %div3A_34 = arith.divsi %multiple_of3A_15, %jit3A_33 : i32
      %sign3A_35 = arith.constant 0 : i32
      %sign3A_36 = arith.cmpi sgt, %multiple_of3A_15, %sign3A_35 : i32
      %sign3A_37 = arith.extui %sign3A_36 : i1 to i32
      %sign3A_38 = arith.constant 0 : i32
      %sign3A_39 = arith.cmpi slt, %multiple_of3A_15, %sign3A_38 : i32
      %sign3A_40 = arith.extui %sign3A_39 : i1 to i32
      %sign3A_41 = arith.subi %sign3A_37, %sign3A_40 : i32
      %sign3A_42 = arith.constant 0 : i32
      %sign3A_43 = arith.cmpi sgt, %jit3A_33, %sign3A_42 : i32
      %sign3A_44 = arith.extui %sign3A_43 : i1 to i32
      %sign3A_45 = arith.constant 0 : i32
      %sign3A_46 = arith.cmpi slt, %jit3A_33, %sign3A_45 : i32
      %sign3A_47 = arith.extui %sign3A_46 : i1 to i32
      %sign3A_48 = arith.subi %sign3A_44, %sign3A_47 : i32
      %ne3A_49 = arith.cmpi ne, %sign3A_41, %sign3A_48 : i32
      %rem3A_50 = arith.remsi %multiple_of3A_15, %jit3A_33 : i32
      %ne3A_51 = arith.constant 0 : i32
      %ne3A_52 = arith.cmpi ne, %rem3A_50, %ne3A_51 : i32
      %and3A_53 = arith.andi %ne3A_49, %ne3A_52 : i1
      %sub3A_54 = arith.constant 1 : i32
      %sub3A_55 = arith.subi %div3A_34, %sub3A_54 : i32
      %select_n3A_56 = arith.select %and3A_53, %sub3A_55, %div3A_34 : i32
      %multiple_of3A_57 = tpu.assume_multiple %select_n3A_56, 128 : i32
      "tpu.region"() ({
        %run_scoped3A_229 = tpu.sem_alloc : memref<!tpu.dma_semaphore, #tpu.memory_space<semaphore_mem>>
        %dma_start3A_230 = arith.constant 0 : i32
        %dma_start3A_231 = tpu.memref_slice %arg3[%multiple_of3A_32, %dma_start3A_230] : memref<6400x128xi32, #tpu.memory_space<hbm>> -> memref<8x128xi32, #tpu.memory_space<hbm>>
        %dma_start3A_232 = arith.constant 0 : i32
        %dma_start3A_233 = tpu.memref_slice %arg3[%multiple_of3A_32, %dma_start3A_232] : memref<6400x128xi32, #tpu.memory_space<hbm>> -> memref<8x128xi32, #tpu.memory_space<hbm>>
        tpu.enqueue_dma source(%dma_start3A_233 : memref<8x128xi32, #tpu.memory_space<hbm>>) target(%arg8 : memref<8x128xi32, #tpu.memory_space<vmem>>) target_semaphore(%run_scoped3A_229 : memref<!tpu.dma_semaphore, #tpu.memory_space<semaphore_mem>>)
        %dma_wait3A_234 = arith.constant 0 : i32
        %dma_wait3A_235 = tpu.memref_slice %arg3[%multiple_of3A_32, %dma_wait3A_234] : memref<6400x128xi32, #tpu.memory_space<hbm>> -> memref<8x128xi32, #tpu.memory_space<hbm>>
        %dma_wait3A_236 = arith.constant 0 : i32
        %dma_wait3A_237 = tpu.memref_slice %arg3[%multiple_of3A_32, %dma_wait3A_236] : memref<6400x128xi32, #tpu.memory_space<hbm>> -> memref<8x128xi32, #tpu.memory_space<hbm>>
        tpu.wait_dma2 semaphore(%run_scoped3A_229 : memref<!tpu.dma_semaphore, #tpu.memory_space<semaphore_mem>>) src(%dma_wait3A_237 : memref<8x128xi32, #tpu.memory_space<hbm>>) dst(%arg8 : memref<8x128xi32, #tpu.memory_space<vmem>>)
        tpu.yield
      }) : () -> ()
      "tpu.region"() ({
        %run_scoped3A_229 = tpu.sem_alloc : memref<!tpu.dma_semaphore, #tpu.memory_space<semaphore_mem>>
        %dma_start3A_230 = arith.constant 0 : i32
        %dma_start3A_231 = tpu.memref_slice %arg4[%multiple_of3A_32, %dma_start3A_230] : memref<6400x128xi32, #tpu.memory_space<hbm>> -> memref<8x128xi32, #tpu.memory_space<hbm>>
        %dma_start3A_232 = arith.constant 0 : i32
        %dma_start3A_233 = tpu.memref_slice %arg4[%multiple_of3A_32, %dma_start3A_232] : memref<6400x128xi32, #tpu.memory_space<hbm>> -> memref<8x128xi32, #tpu.memory_space<hbm>>
        tpu.enqueue_dma source(%dma_start3A_233 : memref<8x128xi32, #tpu.memory_space<hbm>>) target(%arg9 : memref<8x128xi32, #tpu.memory_space<vmem>>) target_semaphore(%run_scoped3A_229 : memref<!tpu.dma_semaphore, #tpu.memory_space<semaphore_mem>>)
        %dma_wait3A_234 = arith.constant 0 : i32
        %dma_wait3A_235 = tpu.memref_slice %arg4[%multiple_of3A_32, %dma_wait3A_234] : memref<6400x128xi32, #tpu.memory_space<hbm>> -> memref<8x128xi32, #tpu.memory_space<hbm>>
        %dma_wait3A_236 = arith.constant 0 : i32
        %dma_wait3A_237 = tpu.memref_slice %arg4[%multiple_of3A_32, %dma_wait3A_236] : memref<6400x128xi32, #tpu.memory_space<hbm>> -> memref<8x128xi32, #tpu.memory_space<hbm>>
        tpu.wait_dma2 semaphore(%run_scoped3A_229 : memref<!tpu.dma_semaphore, #tpu.memory_space<semaphore_mem>>) src(%dma_wait3A_237 : memref<8x128xi32, #tpu.memory_space<hbm>>) dst(%arg9 : memref<8x128xi32, #tpu.memory_space<vmem>>)
        tpu.yield
      }) : () -> ()
      "tpu.region"() ({
        %run_scoped3A_229 = tpu.sem_alloc : memref<!tpu.dma_semaphore, #tpu.memory_space<semaphore_mem>>
        %dma_start3A_230 = arith.constant 0 : i32
        %dma_start3A_231 = tpu.memref_slice %arg5[%multiple_of3A_57, %dma_start3A_230] : memref<102400x128xf32, #tpu.memory_space<hbm>> -> memref<128x128xf32, #tpu.memory_space<hbm>>
        %dma_start3A_232 = arith.constant 0 : i32
        %dma_start3A_233 = tpu.memref_slice %arg5[%multiple_of3A_57, %dma_start3A_232] : memref<102400x128xf32, #tpu.memory_space<hbm>> -> memref<128x128xf32, #tpu.memory_space<hbm>>
        tpu.enqueue_dma source(%dma_start3A_233 : memref<128x128xf32, #tpu.memory_space<hbm>>) target(%arg10 : memref<128x128xf32, #tpu.memory_space<vmem>>) target_semaphore(%run_scoped3A_229 : memref<!tpu.dma_semaphore, #tpu.memory_space<semaphore_mem>>)
        %dma_wait3A_234 = arith.constant 0 : i32
        %dma_wait3A_235 = tpu.memref_slice %arg5[%multiple_of3A_57, %dma_wait3A_234] : memref<102400x128xf32, #tpu.memory_space<hbm>> -> memref<128x128xf32, #tpu.memory_space<hbm>>
        %dma_wait3A_236 = arith.constant 0 : i32
        %dma_wait3A_237 = tpu.memref_slice %arg5[%multiple_of3A_57, %dma_wait3A_236] : memref<102400x128xf32, #tpu.memory_space<hbm>> -> memref<128x128xf32, #tpu.memory_space<hbm>>
        tpu.wait_dma2 semaphore(%run_scoped3A_229 : memref<!tpu.dma_semaphore, #tpu.memory_space<semaphore_mem>>) src(%dma_wait3A_237 : memref<128x128xf32, #tpu.memory_space<hbm>>) dst(%arg10 : memref<128x128xf32, #tpu.memory_space<vmem>>)
        tpu.yield
      }) : () -> ()
      %dma_start3A = arith.constant 0 : i32
      %dma_start3A_58 = arith.constant 0 : i32
      %dma_start3A_59 = arith.constant 0 : i32
      %dma_start3A_60 = tpu.memref_slice %arg11[%dma_start3A_58, %dma_start3A_59] : memref<1024x16xf32, #tpu.memory_space<vmem>> -> memref<128x16xf32, #tpu.memory_space<vmem>>
      %dma_start3A_61 = arith.constant 0 : i32
      %dma_start3A_62 = tpu.memref_slice %arg8[%dma_start3A, %dma_start3A_61] : memref<8x128xi32, #tpu.memory_space<vmem>> -> memref<1x128xi32, #tpu.memory_space<vmem>>
      %dma_start3A_63 = tpu.memref_squeeze %dma_start3A_62 : memref<1x128xi32, #tpu.memory_space<vmem>> -> memref<128xi32, #tpu.memory_space<vmem>>
      %dma_start3A_64 = arith.constant 0 : i32
      %dma_start3A_65 = arith.constant 0 : i32
      %dma_start3A_66 = tpu.memref_slice %arg2[%dma_start3A_64, %dma_start3A_65] : memref<50048x16xf32, #tpu.memory_space<hbm>> -> memref<50048x16xf32, #tpu.memory_space<hbm>>
      tpu.enqueue_indirect_dma source(%dma_start3A_66 : memref<50048x16xf32, #tpu.memory_space<hbm>>) target(%dma_start3A_60 : memref<128x16xf32, #tpu.memory_space<vmem>>) offsets(%dma_start3A_63 : memref<128xi32, #tpu.memory_space<vmem>>) semaphore(%arg13 : memref<!tpu.dma_semaphore, #tpu.memory_space<semaphore_mem>>)
      %dma_start3A_67 = arith.constant 1 : i32
      %dma_start3A_68 = arith.constant 128 : i32
      %dma_start3A_69 = arith.constant 0 : i32
      %dma_start3A_70 = tpu.memref_slice %arg11[%dma_start3A_68, %dma_start3A_69] : memref<1024x16xf32, #tpu.memory_space<vmem>> -> memref<128x16xf32, #tpu.memory_space<vmem>>
      %dma_start3A_71 = arith.constant 0 : i32
      %dma_start3A_72 = tpu.memref_slice %arg8[%dma_start3A_67, %dma_start3A_71] : memref<8x128xi32, #tpu.memory_space<vmem>> -> memref<1x128xi32, #tpu.memory_space<vmem>>
      %dma_start3A_73 = tpu.memref_squeeze %dma_start3A_72 : memref<1x128xi32, #tpu.memory_space<vmem>> -> memref<128xi32, #tpu.memory_space<vmem>>
      %dma_start3A_74 = arith.constant 0 : i32
      %dma_start3A_75 = arith.constant 0 : i32
      %dma_start3A_76 = tpu.memref_slice %arg2[%dma_start3A_74, %dma_start3A_75] : memref<50048x16xf32, #tpu.memory_space<hbm>> -> memref<50048x16xf32, #tpu.memory_space<hbm>>
      tpu.enqueue_indirect_dma source(%dma_start3A_76 : memref<50048x16xf32, #tpu.memory_space<hbm>>) target(%dma_start3A_70 : memref<128x16xf32, #tpu.memory_space<vmem>>) offsets(%dma_start3A_73 : memref<128xi32, #tpu.memory_space<vmem>>) semaphore(%arg13 : memref<!tpu.dma_semaphore, #tpu.memory_space<semaphore_mem>>)
      %dma_start3A_77 = arith.constant 2 : i32
      %dma_start3A_78 = arith.constant 256 : i32
      %dma_start3A_79 = arith.constant 0 : i32
      %dma_start3A_80 = tpu.memref_slice %arg11[%dma_start3A_78, %dma_start3A_79] : memref<1024x16xf32, #tpu.memory_space<vmem>> -> memref<128x16xf32, #tpu.memory_space<vmem>>
      %dma_start3A_81 = arith.constant 0 : i32
      %dma_start3A_82 = tpu.memref_slice %arg8[%dma_start3A_77, %dma_start3A_81] : memref<8x128xi32, #tpu.memory_space<vmem>> -> memref<1x128xi32, #tpu.memory_space<vmem>>
      %dma_start3A_83 = tpu.memref_squeeze %dma_start3A_82 : memref<1x128xi32, #tpu.memory_space<vmem>> -> memref<128xi32, #tpu.memory_space<vmem>>
      %dma_start3A_84 = arith.constant 0 : i32
      %dma_start3A_85 = arith.constant 0 : i32
      %dma_start3A_86 = tpu.memref_slice %arg2[%dma_start3A_84, %dma_start3A_85] : memref<50048x16xf32, #tpu.memory_space<hbm>> -> memref<50048x16xf32, #tpu.memory_space<hbm>>
      tpu.enqueue_indirect_dma source(%dma_start3A_86 : memref<50048x16xf32, #tpu.memory_space<hbm>>) target(%dma_start3A_80 : memref<128x16xf32, #tpu.memory_space<vmem>>) offsets(%dma_start3A_83 : memref<128xi32, #tpu.memory_space<vmem>>) semaphore(%arg13 : memref<!tpu.dma_semaphore, #tpu.memory_space<semaphore_mem>>)
      %dma_start3A_87 = arith.constant 3 : i32
      %dma_start3A_88 = arith.constant 384 : i32
      %dma_start3A_89 = arith.constant 0 : i32
      %dma_start3A_90 = tpu.memref_slice %arg11[%dma_start3A_88, %dma_start3A_89] : memref<1024x16xf32, #tpu.memory_space<vmem>> -> memref<128x16xf32, #tpu.memory_space<vmem>>
      %dma_start3A_91 = arith.constant 0 : i32
      %dma_start3A_92 = tpu.memref_slice %arg8[%dma_start3A_87, %dma_start3A_91] : memref<8x128xi32, #tpu.memory_space<vmem>> -> memref<1x128xi32, #tpu.memory_space<vmem>>
      %dma_start3A_93 = tpu.memref_squeeze %dma_start3A_92 : memref<1x128xi32, #tpu.memory_space<vmem>> -> memref<128xi32, #tpu.memory_space<vmem>>
      %dma_start3A_94 = arith.constant 0 : i32
      %dma_start3A_95 = arith.constant 0 : i32
      %dma_start3A_96 = tpu.memref_slice %arg2[%dma_start3A_94, %dma_start3A_95] : memref<50048x16xf32, #tpu.memory_space<hbm>> -> memref<50048x16xf32, #tpu.memory_space<hbm>>
      tpu.enqueue_indirect_dma source(%dma_start3A_96 : memref<50048x16xf32, #tpu.memory_space<hbm>>) target(%dma_start3A_90 : memref<128x16xf32, #tpu.memory_space<vmem>>) offsets(%dma_start3A_93 : memref<128xi32, #tpu.memory_space<vmem>>) semaphore(%arg13 : memref<!tpu.dma_semaphore, #tpu.memory_space<semaphore_mem>>)
      %dma_start3A_97 = arith.constant 4 : i32
      %dma_start3A_98 = arith.constant 512 : i32
      %dma_start3A_99 = arith.constant 0 : i32
      %dma_start3A_100 = tpu.memref_slice %arg11[%dma_start3A_98, %dma_start3A_99] : memref<1024x16xf32, #tpu.memory_space<vmem>> -> memref<128x16xf32, #tpu.memory_space<vmem>>
      %dma_start3A_101 = arith.constant 0 : i32
      %dma_start3A_102 = tpu.memref_slice %arg8[%dma_start3A_97, %dma_start3A_101] : memref<8x128xi32, #tpu.memory_space<vmem>> -> memref<1x128xi32, #tpu.memory_space<vmem>>
      %dma_start3A_103 = tpu.memref_squeeze %dma_start3A_102 : memref<1x128xi32, #tpu.memory_space<vmem>> -> memref<128xi32, #tpu.memory_space<vmem>>
      %dma_start3A_104 = arith.constant 0 : i32
      %dma_start3A_105 = arith.constant 0 : i32
      %dma_start3A_106 = tpu.memref_slice %arg2[%dma_start3A_104, %dma_start3A_105] : memref<50048x16xf32, #tpu.memory_space<hbm>> -> memref<50048x16xf32, #tpu.memory_space<hbm>>
      tpu.enqueue_indirect_dma source(%dma_start3A_106 : memref<50048x16xf32, #tpu.memory_space<hbm>>) target(%dma_start3A_100 : memref<128x16xf32, #tpu.memory_space<vmem>>) offsets(%dma_start3A_103 : memref<128xi32, #tpu.memory_space<vmem>>) semaphore(%arg13 : memref<!tpu.dma_semaphore, #tpu.memory_space<semaphore_mem>>)
      %dma_start3A_107 = arith.constant 5 : i32
      %dma_start3A_108 = arith.constant 640 : i32
      %dma_start3A_109 = arith.constant 0 : i32
      %dma_start3A_110 = tpu.memref_slice %arg11[%dma_start3A_108, %dma_start3A_109] : memref<1024x16xf32, #tpu.memory_space<vmem>> -> memref<128x16xf32, #tpu.memory_space<vmem>>
      %dma_start3A_111 = arith.constant 0 : i32
      %dma_start3A_112 = tpu.memref_slice %arg8[%dma_start3A_107, %dma_start3A_111] : memref<8x128xi32, #tpu.memory_space<vmem>> -> memref<1x128xi32, #tpu.memory_space<vmem>>
      %dma_start3A_113 = tpu.memref_squeeze %dma_start3A_112 : memref<1x128xi32, #tpu.memory_space<vmem>> -> memref<128xi32, #tpu.memory_space<vmem>>
      %dma_start3A_114 = arith.constant 0 : i32
      %dma_start3A_115 = arith.constant 0 : i32
      %dma_start3A_116 = tpu.memref_slice %arg2[%dma_start3A_114, %dma_start3A_115] : memref<50048x16xf32, #tpu.memory_space<hbm>> -> memref<50048x16xf32, #tpu.memory_space<hbm>>
      tpu.enqueue_indirect_dma source(%dma_start3A_116 : memref<50048x16xf32, #tpu.memory_space<hbm>>) target(%dma_start3A_110 : memref<128x16xf32, #tpu.memory_space<vmem>>) offsets(%dma_start3A_113 : memref<128xi32, #tpu.memory_space<vmem>>) semaphore(%arg13 : memref<!tpu.dma_semaphore, #tpu.memory_space<semaphore_mem>>)
      %dma_start3A_117 = arith.constant 6 : i32
      %dma_start3A_118 = arith.constant 768 : i32
      %dma_start3A_119 = arith.constant 0 : i32
      %dma_start3A_120 = tpu.memref_slice %arg11[%dma_start3A_118, %dma_start3A_119] : memref<1024x16xf32, #tpu.memory_space<vmem>> -> memref<128x16xf32, #tpu.memory_space<vmem>>
      %dma_start3A_121 = arith.constant 0 : i32
      %dma_start3A_122 = tpu.memref_slice %arg8[%dma_start3A_117, %dma_start3A_121] : memref<8x128xi32, #tpu.memory_space<vmem>> -> memref<1x128xi32, #tpu.memory_space<vmem>>
      %dma_start3A_123 = tpu.memref_squeeze %dma_start3A_122 : memref<1x128xi32, #tpu.memory_space<vmem>> -> memref<128xi32, #tpu.memory_space<vmem>>
      %dma_start3A_124 = arith.constant 0 : i32
      %dma_start3A_125 = arith.constant 0 : i32
      %dma_start3A_126 = tpu.memref_slice %arg2[%dma_start3A_124, %dma_start3A_125] : memref<50048x16xf32, #tpu.memory_space<hbm>> -> memref<50048x16xf32, #tpu.memory_space<hbm>>
      tpu.enqueue_indirect_dma source(%dma_start3A_126 : memref<50048x16xf32, #tpu.memory_space<hbm>>) target(%dma_start3A_120 : memref<128x16xf32, #tpu.memory_space<vmem>>) offsets(%dma_start3A_123 : memref<128xi32, #tpu.memory_space<vmem>>) semaphore(%arg13 : memref<!tpu.dma_semaphore, #tpu.memory_space<semaphore_mem>>)
      %dma_start3A_127 = arith.constant 7 : i32
      %dma_start3A_128 = arith.constant 896 : i32
      %dma_start3A_129 = arith.constant 0 : i32
      %dma_start3A_130 = tpu.memref_slice %arg11[%dma_start3A_128, %dma_start3A_129] : memref<1024x16xf32, #tpu.memory_space<vmem>> -> memref<128x16xf32, #tpu.memory_space<vmem>>
      %dma_start3A_131 = arith.constant 0 : i32
      %dma_start3A_132 = tpu.memref_slice %arg8[%dma_start3A_127, %dma_start3A_131] : memref<8x128xi32, #tpu.memory_space<vmem>> -> memref<1x128xi32, #tpu.memory_space<vmem>>
      %dma_start3A_133 = tpu.memref_squeeze %dma_start3A_132 : memref<1x128xi32, #tpu.memory_space<vmem>> -> memref<128xi32, #tpu.memory_space<vmem>>
      %dma_start3A_134 = arith.constant 0 : i32
      %dma_start3A_135 = arith.constant 0 : i32
      %dma_start3A_136 = tpu.memref_slice %arg2[%dma_start3A_134, %dma_start3A_135] : memref<50048x16xf32, #tpu.memory_space<hbm>> -> memref<50048x16xf32, #tpu.memory_space<hbm>>
      tpu.enqueue_indirect_dma source(%dma_start3A_136 : memref<50048x16xf32, #tpu.memory_space<hbm>>) target(%dma_start3A_130 : memref<128x16xf32, #tpu.memory_space<vmem>>) offsets(%dma_start3A_133 : memref<128xi32, #tpu.memory_space<vmem>>) semaphore(%arg13 : memref<!tpu.dma_semaphore, #tpu.memory_space<semaphore_mem>>)
      %dma_wait3A = arith.constant 0 : i32
      %dma_wait3A_137 = arith.constant 0 : i32
      %dma_wait3A_138 = arith.constant 0 : i32
      %dma_wait3A_139 = tpu.memref_slice %arg11[%dma_wait3A_137, %dma_wait3A_138] : memref<1024x16xf32, #tpu.memory_space<vmem>> -> memref<128x16xf32, #tpu.memory_space<vmem>>
      %dma_wait3A_140 = arith.constant 0 : i32
      %dma_wait3A_141 = tpu.memref_slice %arg8[%dma_wait3A, %dma_wait3A_140] : memref<8x128xi32, #tpu.memory_space<vmem>> -> memref<1x128xi32, #tpu.memory_space<vmem>>
      %dma_wait3A_142 = tpu.memref_squeeze %dma_wait3A_141 : memref<1x128xi32, #tpu.memory_space<vmem>> -> memref<128xi32, #tpu.memory_space<vmem>>
      %dma_wait3A_143 = arith.constant 0 : i32
      %dma_wait3A_144 = arith.constant 0 : i32
      %dma_wait3A_145 = tpu.memref_slice %arg2[%dma_wait3A_143, %dma_wait3A_144] : memref<50048x16xf32, #tpu.memory_space<hbm>> -> memref<50048x16xf32, #tpu.memory_space<hbm>>
      tpu.wait_indirect_dma semaphore(%arg13 : memref<!tpu.dma_semaphore, #tpu.memory_space<semaphore_mem>>) src(%dma_wait3A_145 : memref<50048x16xf32, #tpu.memory_space<hbm>>) dst(%dma_wait3A_139 : memref<128x16xf32, #tpu.memory_space<vmem>>)
      %dma_wait3A_146 = arith.constant 1 : i32
      %dma_wait3A_147 = arith.constant 128 : i32
      %dma_wait3A_148 = arith.constant 0 : i32
      %dma_wait3A_149 = tpu.memref_slice %arg11[%dma_wait3A_147, %dma_wait3A_148] : memref<1024x16xf32, #tpu.memory_space<vmem>> -> memref<128x16xf32, #tpu.memory_space<vmem>>
      %dma_wait3A_150 = arith.constant 0 : i32
      %dma_wait3A_151 = tpu.memref_slice %arg8[%dma_wait3A_146, %dma_wait3A_150] : memref<8x128xi32, #tpu.memory_space<vmem>> -> memref<1x128xi32, #tpu.memory_space<vmem>>
      %dma_wait3A_152 = tpu.memref_squeeze %dma_wait3A_151 : memref<1x128xi32, #tpu.memory_space<vmem>> -> memref<128xi32, #tpu.memory_space<vmem>>
      %dma_wait3A_153 = arith.constant 0 : i32
      %dma_wait3A_154 = arith.constant 0 : i32
      %dma_wait3A_155 = tpu.memref_slice %arg2[%dma_wait3A_153, %dma_wait3A_154] : memref<50048x16xf32, #tpu.memory_space<hbm>> -> memref<50048x16xf32, #tpu.memory_space<hbm>>
      tpu.wait_indirect_dma semaphore(%arg13 : memref<!tpu.dma_semaphore, #tpu.memory_space<semaphore_mem>>) src(%dma_wait3A_155 : memref<50048x16xf32, #tpu.memory_space<hbm>>) dst(%dma_wait3A_149 : memref<128x16xf32, #tpu.memory_space<vmem>>)
      %dma_wait3A_156 = arith.constant 2 : i32
      %dma_wait3A_157 = arith.constant 256 : i32
      %dma_wait3A_158 = arith.constant 0 : i32
      %dma_wait3A_159 = tpu.memref_slice %arg11[%dma_wait3A_157, %dma_wait3A_158] : memref<1024x16xf32, #tpu.memory_space<vmem>> -> memref<128x16xf32, #tpu.memory_space<vmem>>
      %dma_wait3A_160 = arith.constant 0 : i32
      %dma_wait3A_161 = tpu.memref_slice %arg8[%dma_wait3A_156, %dma_wait3A_160] : memref<8x128xi32, #tpu.memory_space<vmem>> -> memref<1x128xi32, #tpu.memory_space<vmem>>
      %dma_wait3A_162 = tpu.memref_squeeze %dma_wait3A_161 : memref<1x128xi32, #tpu.memory_space<vmem>> -> memref<128xi32, #tpu.memory_space<vmem>>
      %dma_wait3A_163 = arith.constant 0 : i32
      %dma_wait3A_164 = arith.constant 0 : i32
      %dma_wait3A_165 = tpu.memref_slice %arg2[%dma_wait3A_163, %dma_wait3A_164] : memref<50048x16xf32, #tpu.memory_space<hbm>> -> memref<50048x16xf32, #tpu.memory_space<hbm>>
      tpu.wait_indirect_dma semaphore(%arg13 : memref<!tpu.dma_semaphore, #tpu.memory_space<semaphore_mem>>) src(%dma_wait3A_165 : memref<50048x16xf32, #tpu.memory_space<hbm>>) dst(%dma_wait3A_159 : memref<128x16xf32, #tpu.memory_space<vmem>>)
      %dma_wait3A_166 = arith.constant 3 : i32
      %dma_wait3A_167 = arith.constant 384 : i32
      %dma_wait3A_168 = arith.constant 0 : i32
      %dma_wait3A_169 = tpu.memref_slice %arg11[%dma_wait3A_167, %dma_wait3A_168] : memref<1024x16xf32, #tpu.memory_space<vmem>> -> memref<128x16xf32, #tpu.memory_space<vmem>>
      %dma_wait3A_170 = arith.constant 0 : i32
      %dma_wait3A_171 = tpu.memref_slice %arg8[%dma_wait3A_166, %dma_wait3A_170] : memref<8x128xi32, #tpu.memory_space<vmem>> -> memref<1x128xi32, #tpu.memory_space<vmem>>
      %dma_wait3A_172 = tpu.memref_squeeze %dma_wait3A_171 : memref<1x128xi32, #tpu.memory_space<vmem>> -> memref<128xi32, #tpu.memory_space<vmem>>
      %dma_wait3A_173 = arith.constant 0 : i32
      %dma_wait3A_174 = arith.constant 0 : i32
      %dma_wait3A_175 = tpu.memref_slice %arg2[%dma_wait3A_173, %dma_wait3A_174] : memref<50048x16xf32, #tpu.memory_space<hbm>> -> memref<50048x16xf32, #tpu.memory_space<hbm>>
      tpu.wait_indirect_dma semaphore(%arg13 : memref<!tpu.dma_semaphore, #tpu.memory_space<semaphore_mem>>) src(%dma_wait3A_175 : memref<50048x16xf32, #tpu.memory_space<hbm>>) dst(%dma_wait3A_169 : memref<128x16xf32, #tpu.memory_space<vmem>>)
      %dma_wait3A_176 = arith.constant 4 : i32
      %dma_wait3A_177 = arith.constant 512 : i32
      %dma_wait3A_178 = arith.constant 0 : i32
      %dma_wait3A_179 = tpu.memref_slice %arg11[%dma_wait3A_177, %dma_wait3A_178] : memref<1024x16xf32, #tpu.memory_space<vmem>> -> memref<128x16xf32, #tpu.memory_space<vmem>>
      %dma_wait3A_180 = arith.constant 0 : i32
      %dma_wait3A_181 = tpu.memref_slice %arg8[%dma_wait3A_176, %dma_wait3A_180] : memref<8x128xi32, #tpu.memory_space<vmem>> -> memref<1x128xi32, #tpu.memory_space<vmem>>
      %dma_wait3A_182 = tpu.memref_squeeze %dma_wait3A_181 : memref<1x128xi32, #tpu.memory_space<vmem>> -> memref<128xi32, #tpu.memory_space<vmem>>
      %dma_wait3A_183 = arith.constant 0 : i32
      %dma_wait3A_184 = arith.constant 0 : i32
      %dma_wait3A_185 = tpu.memref_slice %arg2[%dma_wait3A_183, %dma_wait3A_184] : memref<50048x16xf32, #tpu.memory_space<hbm>> -> memref<50048x16xf32, #tpu.memory_space<hbm>>
      tpu.wait_indirect_dma semaphore(%arg13 : memref<!tpu.dma_semaphore, #tpu.memory_space<semaphore_mem>>) src(%dma_wait3A_185 : memref<50048x16xf32, #tpu.memory_space<hbm>>) dst(%dma_wait3A_179 : memref<128x16xf32, #tpu.memory_space<vmem>>)
      %dma_wait3A_186 = arith.constant 5 : i32
      %dma_wait3A_187 = arith.constant 640 : i32
      %dma_wait3A_188 = arith.constant 0 : i32
      %dma_wait3A_189 = tpu.memref_slice %arg11[%dma_wait3A_187, %dma_wait3A_188] : memref<1024x16xf32, #tpu.memory_space<vmem>> -> memref<128x16xf32, #tpu.memory_space<vmem>>
      %dma_wait3A_190 = arith.constant 0 : i32
      %dma_wait3A_191 = tpu.memref_slice %arg8[%dma_wait3A_186, %dma_wait3A_190] : memref<8x128xi32, #tpu.memory_space<vmem>> -> memref<1x128xi32, #tpu.memory_space<vmem>>
      %dma_wait3A_192 = tpu.memref_squeeze %dma_wait3A_191 : memref<1x128xi32, #tpu.memory_space<vmem>> -> memref<128xi32, #tpu.memory_space<vmem>>
      %dma_wait3A_193 = arith.constant 0 : i32
      %dma_wait3A_194 = arith.constant 0 : i32
      %dma_wait3A_195 = tpu.memref_slice %arg2[%dma_wait3A_193, %dma_wait3A_194] : memref<50048x16xf32, #tpu.memory_space<hbm>> -> memref<50048x16xf32, #tpu.memory_space<hbm>>
      tpu.wait_indirect_dma semaphore(%arg13 : memref<!tpu.dma_semaphore, #tpu.memory_space<semaphore_mem>>) src(%dma_wait3A_195 : memref<50048x16xf32, #tpu.memory_space<hbm>>) dst(%dma_wait3A_189 : memref<128x16xf32, #tpu.memory_space<vmem>>)
      %dma_wait3A_196 = arith.constant 6 : i32
      %dma_wait3A_197 = arith.constant 768 : i32
      %dma_wait3A_198 = arith.constant 0 : i32
      %dma_wait3A_199 = tpu.memref_slice %arg11[%dma_wait3A_197, %dma_wait3A_198] : memref<1024x16xf32, #tpu.memory_space<vmem>> -> memref<128x16xf32, #tpu.memory_space<vmem>>
      %dma_wait3A_200 = arith.constant 0 : i32
      %dma_wait3A_201 = tpu.memref_slice %arg8[%dma_wait3A_196, %dma_wait3A_200] : memref<8x128xi32, #tpu.memory_space<vmem>> -> memref<1x128xi32, #tpu.memory_space<vmem>>
      %dma_wait3A_202 = tpu.memref_squeeze %dma_wait3A_201 : memref<1x128xi32, #tpu.memory_space<vmem>> -> memref<128xi32, #tpu.memory_space<vmem>>
      %dma_wait3A_203 = arith.constant 0 : i32
      %dma_wait3A_204 = arith.constant 0 : i32
      %dma_wait3A_205 = tpu.memref_slice %arg2[%dma_wait3A_203, %dma_wait3A_204] : memref<50048x16xf32, #tpu.memory_space<hbm>> -> memref<50048x16xf32, #tpu.memory_space<hbm>>
      tpu.wait_indirect_dma semaphore(%arg13 : memref<!tpu.dma_semaphore, #tpu.memory_space<semaphore_mem>>) src(%dma_wait3A_205 : memref<50048x16xf32, #tpu.memory_space<hbm>>) dst(%dma_wait3A_199 : memref<128x16xf32, #tpu.memory_space<vmem>>)
      %dma_wait3A_206 = arith.constant 7 : i32
      %dma_wait3A_207 = arith.constant 896 : i32
      %dma_wait3A_208 = arith.constant 0 : i32
      %dma_wait3A_209 = tpu.memref_slice %arg11[%dma_wait3A_207, %dma_wait3A_208] : memref<1024x16xf32, #tpu.memory_space<vmem>> -> memref<128x16xf32, #tpu.memory_space<vmem>>
      %dma_wait3A_210 = arith.constant 0 : i32
      %dma_wait3A_211 = tpu.memref_slice %arg8[%dma_wait3A_206, %dma_wait3A_210] : memref<8x128xi32, #tpu.memory_space<vmem>> -> memref<1x128xi32, #tpu.memory_space<vmem>>
      %dma_wait3A_212 = tpu.memref_squeeze %dma_wait3A_211 : memref<1x128xi32, #tpu.memory_space<vmem>> -> memref<128xi32, #tpu.memory_space<vmem>>
      %dma_wait3A_213 = arith.constant 0 : i32
      %dma_wait3A_214 = arith.constant 0 : i32
      %dma_wait3A_215 = tpu.memref_slice %arg2[%dma_wait3A_213, %dma_wait3A_214] : memref<50048x16xf32, #tpu.memory_space<hbm>> -> memref<50048x16xf32, #tpu.memory_space<hbm>>
      tpu.wait_indirect_dma semaphore(%arg13 : memref<!tpu.dma_semaphore, #tpu.memory_space<semaphore_mem>>) src(%dma_wait3A_215 : memref<50048x16xf32, #tpu.memory_space<hbm>>) dst(%dma_wait3A_209 : memref<128x16xf32, #tpu.memory_space<vmem>>)
      %scan3A_216 = arith.constant 0 : i32
      %scan3A_217 = arith.constant 0 : i32
      %scan3A_218 = arith.constant 128 : i32
      %scan3A_219 = arith.addi %scan3A_217, %scan3A_218 : i32
      %scan3A_220 = arith.constant 1 : i32
      scf.for %scan3A_229 = %scan3A_217 to %scan3A_219 step %scan3A_220  : i32 {
        %mul3A_230 = arith.constant 8 : i32
        %mul3A_231 = arith.muli %scan3A_229, %mul3A_230 : i32
        %add3A_232 = arith.constant 0 : i32
        %add3A_233 = arith.addi %mul3A_231, %add3A_232 : i32
        %get3A = arith.index_cast %add3A_233 : i32 to index
        %get3A_234 = arith.constant 0 : index
        %get3A_235 = tpu.vector_load %arg11[%get3A, %get3A_234] {strides = array<i32>} : memref<1024x16xf32, #tpu.memory_space<vmem>>, vector<1x16xf32>,
        %get3A_236 = vector.shape_cast %get3A_235 : vector<1x16xf32> to vector<16xf32>
        %get3A_237 = arith.index_cast %scan3A_229 : i32 to index
        %get3A_238 = arith.constant 0 : index
        %get3A_239 = tpu.vector_load %arg10[%get3A_237, %get3A_238] {strides = array<i32>} : memref<128x128xf32, #tpu.memory_space<vmem>>, vector<1x16xf32>,
        %get3A_240 = vector.shape_cast %get3A_239 : vector<1x16xf32> to vector<16xf32>
        %mul3A_241 = arith.mulf %get3A_236, %get3A_240 : vector<16xf32>
        %add3A_242 = arith.constant 0 : i32
        %add3A_243 = arith.addi %mul3A_231, %add3A_242 : i32
        %swap3A = arith.index_cast %add3A_243 : i32 to index
        %swap3A_244 = arith.constant 0 : index
        %swap3A_245 = tpu.vector_load %arg11[%swap3A, %swap3A_244] {strides = array<i32>} : memref<1024x16xf32, #tpu.memory_space<vmem>>, vector<1x16xf32>,
        %swap3A_246 = vector.shape_cast %swap3A_245 : vector<1x16xf32> to vector<16xf32>
        %swap3A_247 = vector.shape_cast %mul3A_241 : vector<16xf32> to vector<1x16xf32>
        tpu.vector_store %arg11[%swap3A, %swap3A_244], %swap3A_247 {strides = array<i32>} : memref<1024x16xf32, #tpu.memory_space<vmem>>, vector<1x16xf32>,
        %add3A_248 = arith.constant 1 : i32
        %add3A_249 = arith.addi %mul3A_231, %add3A_248 : i32
        %get3A_250 = arith.index_cast %add3A_249 : i32 to index
        %get3A_251 = arith.constant 0 : index
        %get3A_252 = tpu.vector_load %arg11[%get3A_250, %get3A_251] {strides = array<i32>} : memref<1024x16xf32, #tpu.memory_space<vmem>>, vector<1x16xf32>,
        %get3A_253 = vector.shape_cast %get3A_252 : vector<1x16xf32> to vector<16xf32>
        %get3A_254 = arith.index_cast %scan3A_229 : i32 to index
        %get3A_255 = arith.constant 16 : index
        %get3A_256 = tpu.vector_load %arg10[%get3A_254, %get3A_255] {strides = array<i32>} : memref<128x128xf32, #tpu.memory_space<vmem>>, vector<1x16xf32>,
        %get3A_257 = vector.shape_cast %get3A_256 : vector<1x16xf32> to vector<16xf32>
        %mul3A_258 = arith.mulf %get3A_253, %get3A_257 : vector<16xf32>
        %add3A_259 = arith.constant 1 : i32
        %add3A_260 = arith.addi %mul3A_231, %add3A_259 : i32
        %swap3A_261 = arith.index_cast %add3A_260 : i32 to index
        %swap3A_262 = arith.constant 0 : index
        %swap3A_263 = tpu.vector_load %arg11[%swap3A_261, %swap3A_262] {strides = array<i32>} : memref<1024x16xf32, #tpu.memory_space<vmem>>, vector<1x16xf32>,
        %swap3A_264 = vector.shape_cast %swap3A_263 : vector<1x16xf32> to vector<16xf32>
        %swap3A_265 = vector.shape_cast %mul3A_258 : vector<16xf32> to vector<1x16xf32>
        tpu.vector_store %arg11[%swap3A_261, %swap3A_262], %swap3A_265 {strides = array<i32>} : memref<1024x16xf32, #tpu.memory_space<vmem>>, vector<1x16xf32>,
        %add3A_266 = arith.constant 2 : i32
        %add3A_267 = arith.addi %mul3A_231, %add3A_266 : i32
        %get3A_268 = arith.index_cast %add3A_267 : i32 to index
        %get3A_269 = arith.constant 0 : index
        %get3A_270 = tpu.vector_load %arg11[%get3A_268, %get3A_269] {strides = array<i32>} : memref<1024x16xf32, #tpu.memory_space<vmem>>, vector<1x16xf32>,
        %get3A_271 = vector.shape_cast %get3A_270 : vector<1x16xf32> to vector<16xf32>
        %get3A_272 = arith.index_cast %scan3A_229 : i32 to index
        %get3A_273 = arith.constant 32 : index
        %get3A_274 = tpu.vector_load %arg10[%get3A_272, %get3A_273] {strides = array<i32>} : memref<128x128xf32, #tpu.memory_space<vmem>>, vector<1x16xf32>,
        %get3A_275 = vector.shape_cast %get3A_274 : vector<1x16xf32> to vector<16xf32>
        %mul3A_276 = arith.mulf %get3A_271, %get3A_275 : vector<16xf32>
        %add3A_277 = arith.constant 2 : i32
        %add3A_278 = arith.addi %mul3A_231, %add3A_277 : i32
        %swap3A_279 = arith.index_cast %add3A_278 : i32 to index
        %swap3A_280 = arith.constant 0 : index
        %swap3A_281 = tpu.vector_load %arg11[%swap3A_279, %swap3A_280] {strides = array<i32>} : memref<1024x16xf32, #tpu.memory_space<vmem>>, vector<1x16xf32>,
        %swap3A_282 = vector.shape_cast %swap3A_281 : vector<1x16xf32> to vector<16xf32>
        %swap3A_283 = vector.shape_cast %mul3A_276 : vector<16xf32> to vector<1x16xf32>
        tpu.vector_store %arg11[%swap3A_279, %swap3A_280], %swap3A_283 {strides = array<i32>} : memref<1024x16xf32, #tpu.memory_space<vmem>>, vector<1x16xf32>,
        %add3A_284 = arith.constant 3 : i32
        %add3A_285 = arith.addi %mul3A_231, %add3A_284 : i32
        %get3A_286 = arith.index_cast %add3A_285 : i32 to index
        %get3A_287 = arith.constant 0 : index
        %get3A_288 = tpu.vector_load %arg11[%get3A_286, %get3A_287] {strides = array<i32>} : memref<1024x16xf32, #tpu.memory_space<vmem>>, vector<1x16xf32>,
        %get3A_289 = vector.shape_cast %get3A_288 : vector<1x16xf32> to vector<16xf32>
        %get3A_290 = arith.index_cast %scan3A_229 : i32 to index
        %get3A_291 = arith.constant 48 : index
        %get3A_292 = tpu.vector_load %arg10[%get3A_290, %get3A_291] {strides = array<i32>} : memref<128x128xf32, #tpu.memory_space<vmem>>, vector<1x16xf32>,
        %get3A_293 = vector.shape_cast %get3A_292 : vector<1x16xf32> to vector<16xf32>
        %mul3A_294 = arith.mulf %get3A_289, %get3A_293 : vector<16xf32>
        %add3A_295 = arith.constant 3 : i32
        %add3A_296 = arith.addi %mul3A_231, %add3A_295 : i32
        %swap3A_297 = arith.index_cast %add3A_296 : i32 to index
        %swap3A_298 = arith.constant 0 : index
        %swap3A_299 = tpu.vector_load %arg11[%swap3A_297, %swap3A_298] {strides = array<i32>} : memref<1024x16xf32, #tpu.memory_space<vmem>>, vector<1x16xf32>,
        %swap3A_300 = vector.shape_cast %swap3A_299 : vector<1x16xf32> to vector<16xf32>
        %swap3A_301 = vector.shape_cast %mul3A_294 : vector<16xf32> to vector<1x16xf32>
        tpu.vector_store %arg11[%swap3A_297, %swap3A_298], %swap3A_301 {strides = array<i32>} : memref<1024x16xf32, #tpu.memory_space<vmem>>, vector<1x16xf32>,
        %add3A_302 = arith.constant 4 : i32
        %add3A_303 = arith.addi %mul3A_231, %add3A_302 : i32
        %get3A_304 = arith.index_cast %add3A_303 : i32 to index
        %get3A_305 = arith.constant 0 : index
        %get3A_306 = tpu.vector_load %arg11[%get3A_304, %get3A_305] {strides = array<i32>} : memref<1024x16xf32, #tpu.memory_space<vmem>>, vector<1x16xf32>,
        %get3A_307 = vector.shape_cast %get3A_306 : vector<1x16xf32> to vector<16xf32>
        %get3A_308 = arith.index_cast %scan3A_229 : i32 to index
        %get3A_309 = arith.constant 64 : index
        %get3A_310 = tpu.vector_load %arg10[%get3A_308, %get3A_309] {strides = array<i32>} : memref<128x128xf32, #tpu.memory_space<vmem>>, vector<1x16xf32>,
        %get3A_311 = vector.shape_cast %get3A_310 : vector<1x16xf32> to vector<16xf32>
        %mul3A_312 = arith.mulf %get3A_307, %get3A_311 : vector<16xf32>
        %add3A_313 = arith.constant 4 : i32
        %add3A_314 = arith.addi %mul3A_231, %add3A_313 : i32
        %swap3A_315 = arith.index_cast %add3A_314 : i32 to index
        %swap3A_316 = arith.constant 0 : index
        %swap3A_317 = tpu.vector_load %arg11[%swap3A_315, %swap3A_316] {strides = array<i32>} : memref<1024x16xf32, #tpu.memory_space<vmem>>, vector<1x16xf32>,
        %swap3A_318 = vector.shape_cast %swap3A_317 : vector<1x16xf32> to vector<16xf32>
        %swap3A_319 = vector.shape_cast %mul3A_312 : vector<16xf32> to vector<1x16xf32>
        tpu.vector_store %arg11[%swap3A_315, %swap3A_316], %swap3A_319 {strides = array<i32>} : memref<1024x16xf32, #tpu.memory_space<vmem>>, vector<1x16xf32>,
        %add3A_320 = arith.constant 5 : i32
        %add3A_321 = arith.addi %mul3A_231, %add3A_320 : i32
        %get3A_322 = arith.index_cast %add3A_321 : i32 to index
        %get3A_323 = arith.constant 0 : index
        %get3A_324 = tpu.vector_load %arg11[%get3A_322, %get3A_323] {strides = array<i32>} : memref<1024x16xf32, #tpu.memory_space<vmem>>, vector<1x16xf32>,
        %get3A_325 = vector.shape_cast %get3A_324 : vector<1x16xf32> to vector<16xf32>
        %get3A_326 = arith.index_cast %scan3A_229 : i32 to index
        %get3A_327 = arith.constant 80 : index
        %get3A_328 = tpu.vector_load %arg10[%get3A_326, %get3A_327] {strides = array<i32>} : memref<128x128xf32, #tpu.memory_space<vmem>>, vector<1x16xf32>,
        %get3A_329 = vector.shape_cast %get3A_328 : vector<1x16xf32> to vector<16xf32>
        %mul3A_330 = arith.mulf %get3A_325, %get3A_329 : vector<16xf32>
        %add3A_331 = arith.constant 5 : i32
        %add3A_332 = arith.addi %mul3A_231, %add3A_331 : i32
        %swap3A_333 = arith.index_cast %add3A_332 : i32 to index
        %swap3A_334 = arith.constant 0 : index
        %swap3A_335 = tpu.vector_load %arg11[%swap3A_333, %swap3A_334] {strides = array<i32>} : memref<1024x16xf32, #tpu.memory_space<vmem>>, vector<1x16xf32>,
        %swap3A_336 = vector.shape_cast %swap3A_335 : vector<1x16xf32> to vector<16xf32>
        %swap3A_337 = vector.shape_cast %mul3A_330 : vector<16xf32> to vector<1x16xf32>
        tpu.vector_store %arg11[%swap3A_333, %swap3A_334], %swap3A_337 {strides = array<i32>} : memref<1024x16xf32, #tpu.memory_space<vmem>>, vector<1x16xf32>,
        %add3A_338 = arith.constant 6 : i32
        %add3A_339 = arith.addi %mul3A_231, %add3A_338 : i32
        %get3A_340 = arith.index_cast %add3A_339 : i32 to index
        %get3A_341 = arith.constant 0 : index
        %get3A_342 = tpu.vector_load %arg11[%get3A_340, %get3A_341] {strides = array<i32>} : memref<1024x16xf32, #tpu.memory_space<vmem>>, vector<1x16xf32>,
        %get3A_343 = vector.shape_cast %get3A_342 : vector<1x16xf32> to vector<16xf32>
        %get3A_344 = arith.index_cast %scan3A_229 : i32 to index
        %get3A_345 = arith.constant 96 : index
        %get3A_346 = tpu.vector_load %arg10[%get3A_344, %get3A_345] {strides = array<i32>} : memref<128x128xf32, #tpu.memory_space<vmem>>, vector<1x16xf32>,
        %get3A_347 = vector.shape_cast %get3A_346 : vector<1x16xf32> to vector<16xf32>
        %mul3A_348 = arith.mulf %get3A_343, %get3A_347 : vector<16xf32>
        %add3A_349 = arith.constant 6 : i32
        %add3A_350 = arith.addi %mul3A_231, %add3A_349 : i32
        %swap3A_351 = arith.index_cast %add3A_350 : i32 to index
        %swap3A_352 = arith.constant 0 : index
        %swap3A_353 = tpu.vector_load %arg11[%swap3A_351, %swap3A_352] {strides = array<i32>} : memref<1024x16xf32, #tpu.memory_space<vmem>>, vector<1x16xf32>,
        %swap3A_354 = vector.shape_cast %swap3A_353 : vector<1x16xf32> to vector<16xf32>
        %swap3A_355 = vector.shape_cast %mul3A_348 : vector<16xf32> to vector<1x16xf32>
        tpu.vector_store %arg11[%swap3A_351, %swap3A_352], %swap3A_355 {strides = array<i32>} : memref<1024x16xf32, #tpu.memory_space<vmem>>, vector<1x16xf32>,
        %add3A_356 = arith.constant 7 : i32
        %add3A_357 = arith.addi %mul3A_231, %add3A_356 : i32
        %get3A_358 = arith.index_cast %add3A_357 : i32 to index
        %get3A_359 = arith.constant 0 : index
        %get3A_360 = tpu.vector_load %arg11[%get3A_358, %get3A_359] {strides = array<i32>} : memref<1024x16xf32, #tpu.memory_space<vmem>>, vector<1x16xf32>,
        %get3A_361 = vector.shape_cast %get3A_360 : vector<1x16xf32> to vector<16xf32>
        %get3A_362 = arith.index_cast %scan3A_229 : i32 to index
        %get3A_363 = arith.constant 112 : index
        %get3A_364 = tpu.vector_load %arg10[%get3A_362, %get3A_363] {strides = array<i32>} : memref<128x128xf32, #tpu.memory_space<vmem>>, vector<1x16xf32>,
        %get3A_365 = vector.shape_cast %get3A_364 : vector<1x16xf32> to vector<16xf32>
        %mul3A_366 = arith.mulf %get3A_361, %get3A_365 : vector<16xf32>
        %add3A_367 = arith.constant 7 : i32
        %add3A_368 = arith.addi %mul3A_231, %add3A_367 : i32
        %swap3A_369 = arith.index_cast %add3A_368 : i32 to index
        %swap3A_370 = arith.constant 0 : index
        %swap3A_371 = tpu.vector_load %arg11[%swap3A_369, %swap3A_370] {strides = array<i32>} : memref<1024x16xf32, #tpu.memory_space<vmem>>, vector<1x16xf32>,
        %swap3A_372 = vector.shape_cast %swap3A_371 : vector<1x16xf32> to vector<16xf32>
        %swap3A_373 = vector.shape_cast %mul3A_366 : vector<16xf32> to vector<1x16xf32>
        tpu.vector_store %arg11[%swap3A_369, %swap3A_370], %swap3A_373 {strides = array<i32>} : memref<1024x16xf32, #tpu.memory_space<vmem>>, vector<1x16xf32>,
      }
      %scan3A_221 = arith.constant 128 : i32
      %run_scoped3A = arith.constant 0 : i32
      "tpu.region"() ({
        %run_scoped3A_229 = tpu.sem_alloc : memref<!tpu.dma_semaphore, #tpu.memory_space<semaphore_mem>>
        %dma_start3A_230 = arith.constant 0 : i32
        %dma_start3A_231 = arith.constant 0 : i32
        %dma_start3A_232 = tpu.memref_slice %arg11[%dma_start3A_230, %dma_start3A_231] : memref<1024x16xf32, #tpu.memory_space<vmem>> -> memref<128x16xf32, #tpu.memory_space<vmem>>
        %dma_start3A_233 = arith.constant 0 : i32
        %dma_start3A_234 = tpu.memref_slice %arg9[%run_scoped3A, %dma_start3A_233] : memref<8x128xi32, #tpu.memory_space<vmem>> -> memref<1x128xi32, #tpu.memory_space<vmem>>
        %dma_start3A_235 = tpu.memref_squeeze %dma_start3A_234 : memref<1x128xi32, #tpu.memory_space<vmem>> -> memref<128xi32, #tpu.memory_space<vmem>>
        %dma_start3A_236 = arith.constant 0 : i32
        %dma_start3A_237 = arith.constant 0 : i32
        %dma_start3A_238 = tpu.memref_slice %arg12[%dma_start3A_236, %dma_start3A_237] : memref<50048x16xf32, #tpu.memory_space<vmem_shared>> -> memref<50048x16xf32, #tpu.memory_space<vmem_shared>>
        tpu.enqueue_indirect_dma source(%dma_start3A_232 : memref<128x16xf32, #tpu.memory_space<vmem>>) target(%dma_start3A_238 : memref<50048x16xf32, #tpu.memory_space<vmem_shared>>) offsets(%dma_start3A_235 : memref<128xi32, #tpu.memory_space<vmem>>) semaphore(%run_scoped3A_229 : memref<!tpu.dma_semaphore, #tpu.memory_space<semaphore_mem>>) {add = true}
        %dma_wait3A_239 = arith.constant 0 : i32
        %dma_wait3A_240 = arith.constant 0 : i32
        %dma_wait3A_241 = tpu.memref_slice %arg11[%dma_wait3A_239, %dma_wait3A_240] : memref<1024x16xf32, #tpu.memory_space<vmem>> -> memref<128x16xf32, #tpu.memory_space<vmem>>
        %dma_wait3A_242 = arith.constant 0 : i32
        %dma_wait3A_243 = tpu.memref_slice %arg9[%run_scoped3A, %dma_wait3A_242] : memref<8x128xi32, #tpu.memory_space<vmem>> -> memref<1x128xi32, #tpu.memory_space<vmem>>
        %dma_wait3A_244 = tpu.memref_squeeze %dma_wait3A_243 : memref<1x128xi32, #tpu.memory_space<vmem>> -> memref<128xi32, #tpu.memory_space<vmem>>
        %dma_wait3A_245 = arith.constant 0 : i32
        %dma_wait3A_246 = arith.constant 0 : i32
        %dma_wait3A_247 = tpu.memref_slice %arg12[%dma_wait3A_245, %dma_wait3A_246] : memref<50048x16xf32, #tpu.memory_space<vmem_shared>> -> memref<50048x16xf32, #tpu.memory_space<vmem_shared>>
        tpu.wait_indirect_dma semaphore(%run_scoped3A_229 : memref<!tpu.dma_semaphore, #tpu.memory_space<semaphore_mem>>) src(%dma_wait3A_241 : memref<128x16xf32, #tpu.memory_space<vmem>>) dst(%dma_wait3A_247 : memref<50048x16xf32, #tpu.memory_space<vmem_shared>>)
        tpu.yield
      }) : () -> ()
      %run_scoped3A_222 = arith.constant 1 : i32
      "tpu.region"() ({
        %run_scoped3A_229 = tpu.sem_alloc : memref<!tpu.dma_semaphore, #tpu.memory_space<semaphore_mem>>
        %dma_start3A_230 = arith.constant 128 : i32
        %dma_start3A_231 = arith.constant 0 : i32
        %dma_start3A_232 = tpu.memref_slice %arg11[%dma_start3A_230, %dma_start3A_231] : memref<1024x16xf32, #tpu.memory_space<vmem>> -> memref<128x16xf32, #tpu.memory_space<vmem>>
        %dma_start3A_233 = arith.constant 0 : i32
        %dma_start3A_234 = tpu.memref_slice %arg9[%run_scoped3A_222, %dma_start3A_233] : memref<8x128xi32, #tpu.memory_space<vmem>> -> memref<1x128xi32, #tpu.memory_space<vmem>>
        %dma_start3A_235 = tpu.memref_squeeze %dma_start3A_234 : memref<1x128xi32, #tpu.memory_space<vmem>> -> memref<128xi32, #tpu.memory_space<vmem>>
        %dma_start3A_236 = arith.constant 0 : i32
        %dma_start3A_237 = arith.constant 0 : i32
        %dma_start3A_238 = tpu.memref_slice %arg12[%dma_start3A_236, %dma_start3A_237] : memref<50048x16xf32, #tpu.memory_space<vmem_shared>> -> memref<50048x16xf32, #tpu.memory_space<vmem_shared>>
        tpu.enqueue_indirect_dma source(%dma_start3A_232 : memref<128x16xf32, #tpu.memory_space<vmem>>) target(%dma_start3A_238 : memref<50048x16xf32, #tpu.memory_space<vmem_shared>>) offsets(%dma_start3A_235 : memref<128xi32, #tpu.memory_space<vmem>>) semaphore(%run_scoped3A_229 : memref<!tpu.dma_semaphore, #tpu.memory_space<semaphore_mem>>) {add = true}
        %dma_wait3A_239 = arith.constant 128 : i32
        %dma_wait3A_240 = arith.constant 0 : i32
        %dma_wait3A_241 = tpu.memref_slice %arg11[%dma_wait3A_239, %dma_wait3A_240] : memref<1024x16xf32, #tpu.memory_space<vmem>> -> memref<128x16xf32, #tpu.memory_space<vmem>>
        %dma_wait3A_242 = arith.constant 0 : i32
        %dma_wait3A_243 = tpu.memref_slice %arg9[%run_scoped3A_222, %dma_wait3A_242] : memref<8x128xi32, #tpu.memory_space<vmem>> -> memref<1x128xi32, #tpu.memory_space<vmem>>
        %dma_wait3A_244 = tpu.memref_squeeze %dma_wait3A_243 : memref<1x128xi32, #tpu.memory_space<vmem>> -> memref<128xi32, #tpu.memory_space<vmem>>
        %dma_wait3A_245 = arith.constant 0 : i32
        %dma_wait3A_246 = arith.constant 0 : i32
        %dma_wait3A_247 = tpu.memref_slice %arg12[%dma_wait3A_245, %dma_wait3A_246] : memref<50048x16xf32, #tpu.memory_space<vmem_shared>> -> memref<50048x16xf32, #tpu.memory_space<vmem_shared>>
        tpu.wait_indirect_dma semaphore(%run_scoped3A_229 : memref<!tpu.dma_semaphore, #tpu.memory_space<semaphore_mem>>) src(%dma_wait3A_241 : memref<128x16xf32, #tpu.memory_space<vmem>>) dst(%dma_wait3A_247 : memref<50048x16xf32, #tpu.memory_space<vmem_shared>>)
        tpu.yield
      }) : () -> ()
      %run_scoped3A_223 = arith.constant 2 : i32
      "tpu.region"() ({
        %run_scoped3A_229 = tpu.sem_alloc : memref<!tpu.dma_semaphore, #tpu.memory_space<semaphore_mem>>
        %dma_start3A_230 = arith.constant 256 : i32
        %dma_start3A_231 = arith.constant 0 : i32
        %dma_start3A_232 = tpu.memref_slice %arg11[%dma_start3A_230, %dma_start3A_231] : memref<1024x16xf32, #tpu.memory_space<vmem>> -> memref<128x16xf32, #tpu.memory_space<vmem>>
        %dma_start3A_233 = arith.constant 0 : i32
        %dma_start3A_234 = tpu.memref_slice %arg9[%run_scoped3A_223, %dma_start3A_233] : memref<8x128xi32, #tpu.memory_space<vmem>> -> memref<1x128xi32, #tpu.memory_space<vmem>>
        %dma_start3A_235 = tpu.memref_squeeze %dma_start3A_234 : memref<1x128xi32, #tpu.memory_space<vmem>> -> memref<128xi32, #tpu.memory_space<vmem>>
        %dma_start3A_236 = arith.constant 0 : i32
        %dma_start3A_237 = arith.constant 0 : i32
        %dma_start3A_238 = tpu.memref_slice %arg12[%dma_start3A_236, %dma_start3A_237] : memref<50048x16xf32, #tpu.memory_space<vmem_shared>> -> memref<50048x16xf32, #tpu.memory_space<vmem_shared>>
        tpu.enqueue_indirect_dma source(%dma_start3A_232 : memref<128x16xf32, #tpu.memory_space<vmem>>) target(%dma_start3A_238 : memref<50048x16xf32, #tpu.memory_space<vmem_shared>>) offsets(%dma_start3A_235 : memref<128xi32, #tpu.memory_space<vmem>>) semaphore(%run_scoped3A_229 : memref<!tpu.dma_semaphore, #tpu.memory_space<semaphore_mem>>) {add = true}
        %dma_wait3A_239 = arith.constant 256 : i32
        %dma_wait3A_240 = arith.constant 0 : i32
        %dma_wait3A_241 = tpu.memref_slice %arg11[%dma_wait3A_239, %dma_wait3A_240] : memref<1024x16xf32, #tpu.memory_space<vmem>> -> memref<128x16xf32, #tpu.memory_space<vmem>>
        %dma_wait3A_242 = arith.constant 0 : i32
        %dma_wait3A_243 = tpu.memref_slice %arg9[%run_scoped3A_223, %dma_wait3A_242] : memref<8x128xi32, #tpu.memory_space<vmem>> -> memref<1x128xi32, #tpu.memory_space<vmem>>
        %dma_wait3A_244 = tpu.memref_squeeze %dma_wait3A_243 : memref<1x128xi32, #tpu.memory_space<vmem>> -> memref<128xi32, #tpu.memory_space<vmem>>
        %dma_wait3A_245 = arith.constant 0 : i32
        %dma_wait3A_246 = arith.constant 0 : i32
        %dma_wait3A_247 = tpu.memref_slice %arg12[%dma_wait3A_245, %dma_wait3A_246] : memref<50048x16xf32, #tpu.memory_space<vmem_shared>> -> memref<50048x16xf32, #tpu.memory_space<vmem_shared>>
        tpu.wait_indirect_dma semaphore(%run_scoped3A_229 : memref<!tpu.dma_semaphore, #tpu.memory_space<semaphore_mem>>) src(%dma_wait3A_241 : memref<128x16xf32, #tpu.memory_space<vmem>>) dst(%dma_wait3A_247 : memref<50048x16xf32, #tpu.memory_space<vmem_shared>>)
        tpu.yield
      }) : () -> ()
      %run_scoped3A_224 = arith.constant 3 : i32
      "tpu.region"() ({
        %run_scoped3A_229 = tpu.sem_alloc : memref<!tpu.dma_semaphore, #tpu.memory_space<semaphore_mem>>
        %dma_start3A_230 = arith.constant 384 : i32
        %dma_start3A_231 = arith.constant 0 : i32
        %dma_start3A_232 = tpu.memref_slice %arg11[%dma_start3A_230, %dma_start3A_231] : memref<1024x16xf32, #tpu.memory_space<vmem>> -> memref<128x16xf32, #tpu.memory_space<vmem>>
        %dma_start3A_233 = arith.constant 0 : i32
        %dma_start3A_234 = tpu.memref_slice %arg9[%run_scoped3A_224, %dma_start3A_233] : memref<8x128xi32, #tpu.memory_space<vmem>> -> memref<1x128xi32, #tpu.memory_space<vmem>>
        %dma_start3A_235 = tpu.memref_squeeze %dma_start3A_234 : memref<1x128xi32, #tpu.memory_space<vmem>> -> memref<128xi32, #tpu.memory_space<vmem>>
        %dma_start3A_236 = arith.constant 0 : i32
        %dma_start3A_237 = arith.constant 0 : i32
        %dma_start3A_238 = tpu.memref_slice %arg12[%dma_start3A_236, %dma_start3A_237] : memref<50048x16xf32, #tpu.memory_space<vmem_shared>> -> memref<50048x16xf32, #tpu.memory_space<vmem_shared>>
        tpu.enqueue_indirect_dma source(%dma_start3A_232 : memref<128x16xf32, #tpu.memory_space<vmem>>) target(%dma_start3A_238 : memref<50048x16xf32, #tpu.memory_space<vmem_shared>>) offsets(%dma_start3A_235 : memref<128xi32, #tpu.memory_space<vmem>>) semaphore(%run_scoped3A_229 : memref<!tpu.dma_semaphore, #tpu.memory_space<semaphore_mem>>) {add = true}
        %dma_wait3A_239 = arith.constant 384 : i32
        %dma_wait3A_240 = arith.constant 0 : i32
        %dma_wait3A_241 = tpu.memref_slice %arg11[%dma_wait3A_239, %dma_wait3A_240] : memref<1024x16xf32, #tpu.memory_space<vmem>> -> memref<128x16xf32, #tpu.memory_space<vmem>>
        %dma_wait3A_242 = arith.constant 0 : i32
        %dma_wait3A_243 = tpu.memref_slice %arg9[%run_scoped3A_224, %dma_wait3A_242] : memref<8x128xi32, #tpu.memory_space<vmem>> -> memref<1x128xi32, #tpu.memory_space<vmem>>
        %dma_wait3A_244 = tpu.memref_squeeze %dma_wait3A_243 : memref<1x128xi32, #tpu.memory_space<vmem>> -> memref<128xi32, #tpu.memory_space<vmem>>
        %dma_wait3A_245 = arith.constant 0 : i32
        %dma_wait3A_246 = arith.constant 0 : i32
        %dma_wait3A_247 = tpu.memref_slice %arg12[%dma_wait3A_245, %dma_wait3A_246] : memref<50048x16xf32, #tpu.memory_space<vmem_shared>> -> memref<50048x16xf32, #tpu.memory_space<vmem_shared>>
        tpu.wait_indirect_dma semaphore(%run_scoped3A_229 : memref<!tpu.dma_semaphore, #tpu.memory_space<semaphore_mem>>) src(%dma_wait3A_241 : memref<128x16xf32, #tpu.memory_space<vmem>>) dst(%dma_wait3A_247 : memref<50048x16xf32, #tpu.memory_space<vmem_shared>>)
        tpu.yield
      }) : () -> ()
      %run_scoped3A_225 = arith.constant 4 : i32
      "tpu.region"() ({
        %run_scoped3A_229 = tpu.sem_alloc : memref<!tpu.dma_semaphore, #tpu.memory_space<semaphore_mem>>
        %dma_start3A_230 = arith.constant 512 : i32
        %dma_start3A_231 = arith.constant 0 : i32
        %dma_start3A_232 = tpu.memref_slice %arg11[%dma_start3A_230, %dma_start3A_231] : memref<1024x16xf32, #tpu.memory_space<vmem>> -> memref<128x16xf32, #tpu.memory_space<vmem>>
        %dma_start3A_233 = arith.constant 0 : i32
        %dma_start3A_234 = tpu.memref_slice %arg9[%run_scoped3A_225, %dma_start3A_233] : memref<8x128xi32, #tpu.memory_space<vmem>> -> memref<1x128xi32, #tpu.memory_space<vmem>>
        %dma_start3A_235 = tpu.memref_squeeze %dma_start3A_234 : memref<1x128xi32, #tpu.memory_space<vmem>> -> memref<128xi32, #tpu.memory_space<vmem>>
        %dma_start3A_236 = arith.constant 0 : i32
        %dma_start3A_237 = arith.constant 0 : i32
        %dma_start3A_238 = tpu.memref_slice %arg12[%dma_start3A_236, %dma_start3A_237] : memref<50048x16xf32, #tpu.memory_space<vmem_shared>> -> memref<50048x16xf32, #tpu.memory_space<vmem_shared>>
        tpu.enqueue_indirect_dma source(%dma_start3A_232 : memref<128x16xf32, #tpu.memory_space<vmem>>) target(%dma_start3A_238 : memref<50048x16xf32, #tpu.memory_space<vmem_shared>>) offsets(%dma_start3A_235 : memref<128xi32, #tpu.memory_space<vmem>>) semaphore(%run_scoped3A_229 : memref<!tpu.dma_semaphore, #tpu.memory_space<semaphore_mem>>) {add = true}
        %dma_wait3A_239 = arith.constant 512 : i32
        %dma_wait3A_240 = arith.constant 0 : i32
        %dma_wait3A_241 = tpu.memref_slice %arg11[%dma_wait3A_239, %dma_wait3A_240] : memref<1024x16xf32, #tpu.memory_space<vmem>> -> memref<128x16xf32, #tpu.memory_space<vmem>>
        %dma_wait3A_242 = arith.constant 0 : i32
        %dma_wait3A_243 = tpu.memref_slice %arg9[%run_scoped3A_225, %dma_wait3A_242] : memref<8x128xi32, #tpu.memory_space<vmem>> -> memref<1x128xi32, #tpu.memory_space<vmem>>
        %dma_wait3A_244 = tpu.memref_squeeze %dma_wait3A_243 : memref<1x128xi32, #tpu.memory_space<vmem>> -> memref<128xi32, #tpu.memory_space<vmem>>
        %dma_wait3A_245 = arith.constant 0 : i32
        %dma_wait3A_246 = arith.constant 0 : i32
        %dma_wait3A_247 = tpu.memref_slice %arg12[%dma_wait3A_245, %dma_wait3A_246] : memref<50048x16xf32, #tpu.memory_space<vmem_shared>> -> memref<50048x16xf32, #tpu.memory_space<vmem_shared>>
        tpu.wait_indirect_dma semaphore(%run_scoped3A_229 : memref<!tpu.dma_semaphore, #tpu.memory_space<semaphore_mem>>) src(%dma_wait3A_241 : memref<128x16xf32, #tpu.memory_space<vmem>>) dst(%dma_wait3A_247 : memref<50048x16xf32, #tpu.memory_space<vmem_shared>>)
        tpu.yield
      }) : () -> ()
      %run_scoped3A_226 = arith.constant 5 : i32
      "tpu.region"() ({
        %run_scoped3A_229 = tpu.sem_alloc : memref<!tpu.dma_semaphore, #tpu.memory_space<semaphore_mem>>
        %dma_start3A_230 = arith.constant 640 : i32
        %dma_start3A_231 = arith.constant 0 : i32
        %dma_start3A_232 = tpu.memref_slice %arg11[%dma_start3A_230, %dma_start3A_231] : memref<1024x16xf32, #tpu.memory_space<vmem>> -> memref<128x16xf32, #tpu.memory_space<vmem>>
        %dma_start3A_233 = arith.constant 0 : i32
        %dma_start3A_234 = tpu.memref_slice %arg9[%run_scoped3A_226, %dma_start3A_233] : memref<8x128xi32, #tpu.memory_space<vmem>> -> memref<1x128xi32, #tpu.memory_space<vmem>>
        %dma_start3A_235 = tpu.memref_squeeze %dma_start3A_234 : memref<1x128xi32, #tpu.memory_space<vmem>> -> memref<128xi32, #tpu.memory_space<vmem>>
        %dma_start3A_236 = arith.constant 0 : i32
        %dma_start3A_237 = arith.constant 0 : i32
        %dma_start3A_238 = tpu.memref_slice %arg12[%dma_start3A_236, %dma_start3A_237] : memref<50048x16xf32, #tpu.memory_space<vmem_shared>> -> memref<50048x16xf32, #tpu.memory_space<vmem_shared>>
        tpu.enqueue_indirect_dma source(%dma_start3A_232 : memref<128x16xf32, #tpu.memory_space<vmem>>) target(%dma_start3A_238 : memref<50048x16xf32, #tpu.memory_space<vmem_shared>>) offsets(%dma_start3A_235 : memref<128xi32, #tpu.memory_space<vmem>>) semaphore(%run_scoped3A_229 : memref<!tpu.dma_semaphore, #tpu.memory_space<semaphore_mem>>) {add = true}
        %dma_wait3A_239 = arith.constant 640 : i32
        %dma_wait3A_240 = arith.constant 0 : i32
        %dma_wait3A_241 = tpu.memref_slice %arg11[%dma_wait3A_239, %dma_wait3A_240] : memref<1024x16xf32, #tpu.memory_space<vmem>> -> memref<128x16xf32, #tpu.memory_space<vmem>>
        %dma_wait3A_242 = arith.constant 0 : i32
        %dma_wait3A_243 = tpu.memref_slice %arg9[%run_scoped3A_226, %dma_wait3A_242] : memref<8x128xi32, #tpu.memory_space<vmem>> -> memref<1x128xi32, #tpu.memory_space<vmem>>
        %dma_wait3A_244 = tpu.memref_squeeze %dma_wait3A_243 : memref<1x128xi32, #tpu.memory_space<vmem>> -> memref<128xi32, #tpu.memory_space<vmem>>
        %dma_wait3A_245 = arith.constant 0 : i32
        %dma_wait3A_246 = arith.constant 0 : i32
        %dma_wait3A_247 = tpu.memref_slice %arg12[%dma_wait3A_245, %dma_wait3A_246] : memref<50048x16xf32, #tpu.memory_space<vmem_shared>> -> memref<50048x16xf32, #tpu.memory_space<vmem_shared>>
        tpu.wait_indirect_dma semaphore(%run_scoped3A_229 : memref<!tpu.dma_semaphore, #tpu.memory_space<semaphore_mem>>) src(%dma_wait3A_241 : memref<128x16xf32, #tpu.memory_space<vmem>>) dst(%dma_wait3A_247 : memref<50048x16xf32, #tpu.memory_space<vmem_shared>>)
        tpu.yield
      }) : () -> ()
      %run_scoped3A_227 = arith.constant 6 : i32
      "tpu.region"() ({
        %run_scoped3A_229 = tpu.sem_alloc : memref<!tpu.dma_semaphore, #tpu.memory_space<semaphore_mem>>
        %dma_start3A_230 = arith.constant 768 : i32
        %dma_start3A_231 = arith.constant 0 : i32
        %dma_start3A_232 = tpu.memref_slice %arg11[%dma_start3A_230, %dma_start3A_231] : memref<1024x16xf32, #tpu.memory_space<vmem>> -> memref<128x16xf32, #tpu.memory_space<vmem>>
        %dma_start3A_233 = arith.constant 0 : i32
        %dma_start3A_234 = tpu.memref_slice %arg9[%run_scoped3A_227, %dma_start3A_233] : memref<8x128xi32, #tpu.memory_space<vmem>> -> memref<1x128xi32, #tpu.memory_space<vmem>>
        %dma_start3A_235 = tpu.memref_squeeze %dma_start3A_234 : memref<1x128xi32, #tpu.memory_space<vmem>> -> memref<128xi32, #tpu.memory_space<vmem>>
        %dma_start3A_236 = arith.constant 0 : i32
        %dma_start3A_237 = arith.constant 0 : i32
        %dma_start3A_238 = tpu.memref_slice %arg12[%dma_start3A_236, %dma_start3A_237] : memref<50048x16xf32, #tpu.memory_space<vmem_shared>> -> memref<50048x16xf32, #tpu.memory_space<vmem_shared>>
        tpu.enqueue_indirect_dma source(%dma_start3A_232 : memref<128x16xf32, #tpu.memory_space<vmem>>) target(%dma_start3A_238 : memref<50048x16xf32, #tpu.memory_space<vmem_shared>>) offsets(%dma_start3A_235 : memref<128xi32, #tpu.memory_space<vmem>>) semaphore(%run_scoped3A_229 : memref<!tpu.dma_semaphore, #tpu.memory_space<semaphore_mem>>) {add = true}
        %dma_wait3A_239 = arith.constant 768 : i32
        %dma_wait3A_240 = arith.constant 0 : i32
        %dma_wait3A_241 = tpu.memref_slice %arg11[%dma_wait3A_239, %dma_wait3A_240] : memref<1024x16xf32, #tpu.memory_space<vmem>> -> memref<128x16xf32, #tpu.memory_space<vmem>>
        %dma_wait3A_242 = arith.constant 0 : i32
        %dma_wait3A_243 = tpu.memref_slice %arg9[%run_scoped3A_227, %dma_wait3A_242] : memref<8x128xi32, #tpu.memory_space<vmem>> -> memref<1x128xi32, #tpu.memory_space<vmem>>
        %dma_wait3A_244 = tpu.memref_squeeze %dma_wait3A_243 : memref<1x128xi32, #tpu.memory_space<vmem>> -> memref<128xi32, #tpu.memory_space<vmem>>
        %dma_wait3A_245 = arith.constant 0 : i32
        %dma_wait3A_246 = arith.constant 0 : i32
        %dma_wait3A_247 = tpu.memref_slice %arg12[%dma_wait3A_245, %dma_wait3A_246] : memref<50048x16xf32, #tpu.memory_space<vmem_shared>> -> memref<50048x16xf32, #tpu.memory_space<vmem_shared>>
        tpu.wait_indirect_dma semaphore(%run_scoped3A_229 : memref<!tpu.dma_semaphore, #tpu.memory_space<semaphore_mem>>) src(%dma_wait3A_241 : memref<128x16xf32, #tpu.memory_space<vmem>>) dst(%dma_wait3A_247 : memref<50048x16xf32, #tpu.memory_space<vmem_shared>>)
        tpu.yield
      }) : () -> ()
      %run_scoped3A_228 = arith.constant 7 : i32
      "tpu.region"() ({
        %run_scoped3A_229 = tpu.sem_alloc : memref<!tpu.dma_semaphore, #tpu.memory_space<semaphore_mem>>
        %dma_start3A_230 = arith.constant 896 : i32
        %dma_start3A_231 = arith.constant 0 : i32
        %dma_start3A_232 = tpu.memref_slice %arg11[%dma_start3A_230, %dma_start3A_231] : memref<1024x16xf32, #tpu.memory_space<vmem>> -> memref<128x16xf32, #tpu.memory_space<vmem>>
        %dma_start3A_233 = arith.constant 0 : i32
        %dma_start3A_234 = tpu.memref_slice %arg9[%run_scoped3A_228, %dma_start3A_233] : memref<8x128xi32, #tpu.memory_space<vmem>> -> memref<1x128xi32, #tpu.memory_space<vmem>>
        %dma_start3A_235 = tpu.memref_squeeze %dma_start3A_234 : memref<1x128xi32, #tpu.memory_space<vmem>> -> memref<128xi32, #tpu.memory_space<vmem>>
        %dma_start3A_236 = arith.constant 0 : i32
        %dma_start3A_237 = arith.constant 0 : i32
        %dma_start3A_238 = tpu.memref_slice %arg12[%dma_start3A_236, %dma_start3A_237] : memref<50048x16xf32, #tpu.memory_space<vmem_shared>> -> memref<50048x16xf32, #tpu.memory_space<vmem_shared>>
        tpu.enqueue_indirect_dma source(%dma_start3A_232 : memref<128x16xf32, #tpu.memory_space<vmem>>) target(%dma_start3A_238 : memref<50048x16xf32, #tpu.memory_space<vmem_shared>>) offsets(%dma_start3A_235 : memref<128xi32, #tpu.memory_space<vmem>>) semaphore(%run_scoped3A_229 : memref<!tpu.dma_semaphore, #tpu.memory_space<semaphore_mem>>) {add = true}
        %dma_wait3A_239 = arith.constant 896 : i32
        %dma_wait3A_240 = arith.constant 0 : i32
        %dma_wait3A_241 = tpu.memref_slice %arg11[%dma_wait3A_239, %dma_wait3A_240] : memref<1024x16xf32, #tpu.memory_space<vmem>> -> memref<128x16xf32, #tpu.memory_space<vmem>>
        %dma_wait3A_242 = arith.constant 0 : i32
        %dma_wait3A_243 = tpu.memref_slice %arg9[%run_scoped3A_228, %dma_wait3A_242] : memref<8x128xi32, #tpu.memory_space<vmem>> -> memref<1x128xi32, #tpu.memory_space<vmem>>
        %dma_wait3A_244 = tpu.memref_squeeze %dma_wait3A_243 : memref<1x128xi32, #tpu.memory_space<vmem>> -> memref<128xi32, #tpu.memory_space<vmem>>
        %dma_wait3A_245 = arith.constant 0 : i32
        %dma_wait3A_246 = arith.constant 0 : i32
        %dma_wait3A_247 = tpu.memref_slice %arg12[%dma_wait3A_245, %dma_wait3A_246] : memref<50048x16xf32, #tpu.memory_space<vmem_shared>> -> memref<50048x16xf32, #tpu.memory_space<vmem_shared>>
        tpu.wait_indirect_dma semaphore(%run_scoped3A_229 : memref<!tpu.dma_semaphore, #tpu.memory_space<semaphore_mem>>) src(%dma_wait3A_241 : memref<128x16xf32, #tpu.memory_space<vmem>>) dst(%dma_wait3A_247 : memref<50048x16xf32, #tpu.memory_space<vmem_shared>>)
        tpu.yield
      }) : () -> ()
    }
    %scan3A_7 = arith.constant 25 : i32
    %barrier3A_8 = arith.constant 0 : index
    tpu.barrier barrier_id(%barrier3A_8)
    "tpu.region"() ({
      %run_scoped3A = tpu.sem_alloc : memref<!tpu.dma_semaphore, #tpu.memory_space<semaphore_mem>>
      %dma_start3A = arith.constant 0 : i32
      %dma_start3A_9 = tpu.memref_slice %arg7[%arg0, %multiple_of3A, %dma_start3A] : memref<2x50048x16xf32, #tpu.memory_space<hbm>> -> memref<1x3128x16xf32, #tpu.memory_space<hbm>>
      %dma_start3A_10 = tpu.memref_squeeze %dma_start3A_9 : memref<1x3128x16xf32, #tpu.memory_space<hbm>> -> memref<3128x16xf32, #tpu.memory_space<hbm>>
      %dma_start3A_11 = arith.constant 0 : i32
      %dma_start3A_12 = tpu.memref_slice %arg12[%multiple_of3A, %dma_start3A_11] : memref<50048x16xf32, #tpu.memory_space<vmem_shared>> -> memref<3128x16xf32, #tpu.memory_space<vmem_shared>>
      tpu.enqueue_dma source(%dma_start3A_12 : memref<3128x16xf32, #tpu.memory_space<vmem_shared>>) target(%dma_start3A_10 : memref<3128x16xf32, #tpu.memory_space<hbm>>) target_semaphore(%run_scoped3A : memref<!tpu.dma_semaphore, #tpu.memory_space<semaphore_mem>>)
      %dma_wait3A = arith.constant 0 : i32
      %dma_wait3A_13 = tpu.memref_slice %arg7[%arg0, %multiple_of3A, %dma_wait3A] : memref<2x50048x16xf32, #tpu.memory_space<hbm>> -> memref<1x3128x16xf32, #tpu.memory_space<hbm>>
      %dma_wait3A_14 = tpu.memref_squeeze %dma_wait3A_13 : memref<1x3128x16xf32, #tpu.memory_space<hbm>> -> memref<3128x16xf32, #tpu.memory_space<hbm>>
      %dma_wait3A_15 = arith.constant 0 : i32
      %dma_wait3A_16 = tpu.memref_slice %arg12[%multiple_of3A, %dma_wait3A_15] : memref<50048x16xf32, #tpu.memory_space<vmem_shared>> -> memref<3128x16xf32, #tpu.memory_space<vmem_shared>>
      tpu.wait_dma2 semaphore(%run_scoped3A : memref<!tpu.dma_semaphore, #tpu.memory_space<semaphore_mem>>) src(%dma_wait3A_16 : memref<3128x16xf32, #tpu.memory_space<vmem_shared>>) dst(%dma_wait3A_14 : memref<3128x16xf32, #tpu.memory_space<hbm>>)
      tpu.yield
    }) : () -> ()
    return
  }
}

#map = affine_map<(d0, d1) -> (0, 0)>
#map1 = affine_map<(d0, d1) -> (0, 0, 0)>
module attributes {stable_mosaic.version = 14 : i64} {
  func.func @_sc_scatter_body(%arg0: i32, %arg1: i32, %arg2: memref<50048x16xf32, #tpu.memory_space<hbm>>, %arg3: memref<6400x128xi32, #tpu.memory_space<hbm>>, %arg4: memref<6400x128xi32, #tpu.memory_space<hbm>>, %arg5: memref<102400x128xf32, #tpu.memory_space<hbm>>, %arg6: memref<3128x16xf32, #tpu.memory_space<hbm>>, %arg7: memref<2x50048x16xf32, #tpu.memory_space<hbm>>, %arg8: memref<8x128xi32, #tpu.memory_space<vmem>>, %arg9: memref<8x128xi32, #tpu.memory_space<vmem>>, %arg10: memref<128x128xf32, #tpu.memory_space<vmem>>, %arg11: memref<1024x16xf32, #tpu.memory_space<vmem>>, %arg12: memref<50048x16xf32, #tpu.memory_space<vmem_shared>>, %arg13: memref<!tpu.dma_semaphore, #tpu.memory_space<semaphore_mem>>) attributes {dimension_semantics = [#tpu.dimension_semantics<core_parallel>, #tpu.dimension_semantics<subcore_parallel>], iteration_bounds = array<i64: 2, 16>, scalar_prefetch = 0 : i64, scratch_operands = 6 : i64, tpu.core_type = #tpu.core_type<sc_vector_subcore>, window_params = [{transform_indices = #map}, {transform_indices = #map}, {transform_indices = #map}, {transform_indices = #map}, {transform_indices = #map}, {transform_indices = #map1}]} {
    %mul3A = arith.constant 2 : i32
    %mul3A_0 = arith.muli %arg1, %mul3A : i32
    %add3A = arith.addi %mul3A_0, %arg0 : i32
    %mul3A_1 = arith.constant 3128 : i32
    %mul3A_2 = arith.muli %arg1, %mul3A_1 : i32
    %multiple_of3A = tpu.assume_multiple %mul3A_2, 8 : i32
    "tpu.region"() ({
      %run_scoped3A = tpu.sem_alloc : memref<!tpu.dma_semaphore, #tpu.memory_space<semaphore_mem>>
      %dma_start3A = arith.constant 0 : i32
      %dma_start3A_9 = tpu.memref_slice %arg12[%multiple_of3A, %dma_start3A] : memref<50048x16xf32, #tpu.memory_space<vmem_shared>> -> memref<3128x16xf32, #tpu.memory_space<vmem_shared>>
      tpu.enqueue_dma source(%arg6 : memref<3128x16xf32, #tpu.memory_space<hbm>>) target(%dma_start3A_9 : memref<3128x16xf32, #tpu.memory_space<vmem_shared>>) target_semaphore(%run_scoped3A : memref<!tpu.dma_semaphore, #tpu.memory_space<semaphore_mem>>)
      %dma_wait3A = arith.constant 0 : i32
      %dma_wait3A_10 = tpu.memref_slice %arg12[%multiple_of3A, %dma_wait3A] : memref<50048x16xf32, #tpu.memory_space<vmem_shared>> -> memref<3128x16xf32, #tpu.memory_space<vmem_shared>>
      tpu.wait_dma2 semaphore(%run_scoped3A : memref<!tpu.dma_semaphore, #tpu.memory_space<semaphore_mem>>) src(%arg6 : memref<3128x16xf32, #tpu.memory_space<hbm>>) dst(%dma_wait3A_10 : memref<3128x16xf32, #tpu.memory_space<vmem_shared>>)
      tpu.yield
    }) : () -> ()
    %barrier3A = arith.constant 0 : index
    tpu.barrier barrier_id(%barrier3A)
    %scan3A = arith.constant 0 : i32
    %scan3A_3 = arith.constant 0 : i32
    %scan3A_4 = arith.constant 25 : i32
    %scan3A_5 = arith.addi %scan3A_3, %scan3A_4 : i32
    %scan3A_6 = arith.constant 1 : i32
    scf.for %scan3A_9 = %scan3A_3 to %scan3A_5 step %scan3A_6  : i32 {
      %mul3A_10 = arith.constant 25600 : i32
      %mul3A_11 = arith.muli %add3A, %mul3A_10 : i32
      %mul3A_12 = arith.constant 1024 : i32
      %mul3A_13 = arith.muli %scan3A_9, %mul3A_12 : i32
      %add3A_14 = arith.addi %mul3A_11, %mul3A_13 : i32
      %multiple_of3A_15 = tpu.assume_multiple %add3A_14, 1024 : i32
      %jit3A = arith.constant 128 : i32
      %div3A = arith.divsi %multiple_of3A_15, %jit3A : i32
      %sign3A = arith.constant 0 : i32
      %sign3A_16 = arith.cmpi sgt, %multiple_of3A_15, %sign3A : i32
      %sign3A_17 = arith.extui %sign3A_16 : i1 to i32
      %sign3A_18 = arith.constant 0 : i32
      %sign3A_19 = arith.cmpi slt, %multiple_of3A_15, %sign3A_18 : i32
      %sign3A_20 = arith.extui %sign3A_19 : i1 to i32
      %sign3A_21 = arith.subi %sign3A_17, %sign3A_20 : i32
      %sign3A_22 = arith.constant 0 : i32
      %sign3A_23 = arith.cmpi sgt, %jit3A, %sign3A_22 : i32
      %sign3A_24 = arith.extui %sign3A_23 : i1 to i32
      %sign3A_25 = arith.constant 0 : i32
      %sign3A_26 = arith.cmpi slt, %jit3A, %sign3A_25 : i32
      %sign3A_27 = arith.extui %sign3A_26 : i1 to i32
      %sign3A_28 = arith.subi %sign3A_24, %sign3A_27 : i32
      %ne3A = arith.cmpi ne, %sign3A_21, %sign3A_28 : i32
      %rem3A = arith.remsi %multiple_of3A_15, %jit3A : i32
      %ne3A_29 = arith.constant 0 : i32
      %ne3A_30 = arith.cmpi ne, %rem3A, %ne3A_29 : i32
      %and3A = arith.andi %ne3A, %ne3A_30 : i1
      %sub3A = arith.constant 1 : i32
      %sub3A_31 = arith.subi %div3A, %sub3A : i32
      %select_n3A = arith.select %and3A, %sub3A_31, %div3A : i32
      %multiple_of3A_32 = tpu.assume_multiple %select_n3A, 8 : i32
      %jit3A_33 = arith.constant 8 : i32
      %div3A_34 = arith.divsi %multiple_of3A_15, %jit3A_33 : i32
      %sign3A_35 = arith.constant 0 : i32
      %sign3A_36 = arith.cmpi sgt, %multiple_of3A_15, %sign3A_35 : i32
      %sign3A_37 = arith.extui %sign3A_36 : i1 to i32
      %sign3A_38 = arith.constant 0 : i32
      %sign3A_39 = arith.cmpi slt, %multiple_of3A_15, %sign3A_38 : i32
      %sign3A_40 = arith.extui %sign3A_39 : i1 to i32
      %sign3A_41 = arith.subi %sign3A_37, %sign3A_40 : i32
      %sign3A_42 = arith.constant 0 : i32
      %sign3A_43 = arith.cmpi sgt, %jit3A_33, %sign3A_42 : i32
      %sign3A_44 = arith.extui %sign3A_43 : i1 to i32
      %sign3A_45 = arith.constant 0 : i32
      %sign3A_46 = arith.cmpi slt, %jit3A_33, %sign3A_45 : i32
      %sign3A_47 = arith.extui %sign3A_46 : i1 to i32
      %sign3A_48 = arith.subi %sign3A_44, %sign3A_47 : i32
      %ne3A_49 = arith.cmpi ne, %sign3A_41, %sign3A_48 : i32
      %rem3A_50 = arith.remsi %multiple_of3A_15, %jit3A_33 : i32
      %ne3A_51 = arith.constant 0 : i32
      %ne3A_52 = arith.cmpi ne, %rem3A_50, %ne3A_51 : i32
      %and3A_53 = arith.andi %ne3A_49, %ne3A_52 : i1
      %sub3A_54 = arith.constant 1 : i32
      %sub3A_55 = arith.subi %div3A_34, %sub3A_54 : i32
      %select_n3A_56 = arith.select %and3A_53, %sub3A_55, %div3A_34 : i32
      %multiple_of3A_57 = tpu.assume_multiple %select_n3A_56, 128 : i32
      "tpu.region"() ({
        %run_scoped3A_229 = tpu.sem_alloc : memref<!tpu.dma_semaphore, #tpu.memory_space<semaphore_mem>>
        %dma_start3A_230 = arith.constant 0 : i32
        %dma_start3A_231 = tpu.memref_slice %arg3[%multiple_of3A_32, %dma_start3A_230] : memref<6400x128xi32, #tpu.memory_space<hbm>> -> memref<8x128xi32, #tpu.memory_space<hbm>>
        %dma_start3A_232 = arith.constant 0 : i32
        %dma_start3A_233 = tpu.memref_slice %arg3[%multiple_of3A_32, %dma_start3A_232] : memref<6400x128xi32, #tpu.memory_space<hbm>> -> memref<8x128xi32, #tpu.memory_space<hbm>>
        tpu.enqueue_dma source(%dma_start3A_233 : memref<8x128xi32, #tpu.memory_space<hbm>>) target(%arg8 : memref<8x128xi32, #tpu.memory_space<vmem>>) target_semaphore(%run_scoped3A_229 : memref<!tpu.dma_semaphore, #tpu.memory_space<semaphore_mem>>)
        %dma_wait3A_234 = arith.constant 0 : i32
        %dma_wait3A_235 = tpu.memref_slice %arg3[%multiple_of3A_32, %dma_wait3A_234] : memref<6400x128xi32, #tpu.memory_space<hbm>> -> memref<8x128xi32, #tpu.memory_space<hbm>>
        %dma_wait3A_236 = arith.constant 0 : i32
        %dma_wait3A_237 = tpu.memref_slice %arg3[%multiple_of3A_32, %dma_wait3A_236] : memref<6400x128xi32, #tpu.memory_space<hbm>> -> memref<8x128xi32, #tpu.memory_space<hbm>>
        tpu.wait_dma2 semaphore(%run_scoped3A_229 : memref<!tpu.dma_semaphore, #tpu.memory_space<semaphore_mem>>) src(%dma_wait3A_237 : memref<8x128xi32, #tpu.memory_space<hbm>>) dst(%arg8 : memref<8x128xi32, #tpu.memory_space<vmem>>)
        tpu.yield
      }) : () -> ()
      "tpu.region"() ({
        %run_scoped3A_229 = tpu.sem_alloc : memref<!tpu.dma_semaphore, #tpu.memory_space<semaphore_mem>>
        %dma_start3A_230 = arith.constant 0 : i32
        %dma_start3A_231 = tpu.memref_slice %arg4[%multiple_of3A_32, %dma_start3A_230] : memref<6400x128xi32, #tpu.memory_space<hbm>> -> memref<8x128xi32, #tpu.memory_space<hbm>>
        %dma_start3A_232 = arith.constant 0 : i32
        %dma_start3A_233 = tpu.memref_slice %arg4[%multiple_of3A_32, %dma_start3A_232] : memref<6400x128xi32, #tpu.memory_space<hbm>> -> memref<8x128xi32, #tpu.memory_space<hbm>>
        tpu.enqueue_dma source(%dma_start3A_233 : memref<8x128xi32, #tpu.memory_space<hbm>>) target(%arg9 : memref<8x128xi32, #tpu.memory_space<vmem>>) target_semaphore(%run_scoped3A_229 : memref<!tpu.dma_semaphore, #tpu.memory_space<semaphore_mem>>)
        %dma_wait3A_234 = arith.constant 0 : i32
        %dma_wait3A_235 = tpu.memref_slice %arg4[%multiple_of3A_32, %dma_wait3A_234] : memref<6400x128xi32, #tpu.memory_space<hbm>> -> memref<8x128xi32, #tpu.memory_space<hbm>>
        %dma_wait3A_236 = arith.constant 0 : i32
        %dma_wait3A_237 = tpu.memref_slice %arg4[%multiple_of3A_32, %dma_wait3A_236] : memref<6400x128xi32, #tpu.memory_space<hbm>> -> memref<8x128xi32, #tpu.memory_space<hbm>>
        tpu.wait_dma2 semaphore(%run_scoped3A_229 : memref<!tpu.dma_semaphore, #tpu.memory_space<semaphore_mem>>) src(%dma_wait3A_237 : memref<8x128xi32, #tpu.memory_space<hbm>>) dst(%arg9 : memref<8x128xi32, #tpu.memory_space<vmem>>)
        tpu.yield
      }) : () -> ()
      "tpu.region"() ({
        %run_scoped3A_229 = tpu.sem_alloc : memref<!tpu.dma_semaphore, #tpu.memory_space<semaphore_mem>>
        %dma_start3A_230 = arith.constant 0 : i32
        %dma_start3A_231 = tpu.memref_slice %arg5[%multiple_of3A_57, %dma_start3A_230] : memref<102400x128xf32, #tpu.memory_space<hbm>> -> memref<128x128xf32, #tpu.memory_space<hbm>>
        %dma_start3A_232 = arith.constant 0 : i32
        %dma_start3A_233 = tpu.memref_slice %arg5[%multiple_of3A_57, %dma_start3A_232] : memref<102400x128xf32, #tpu.memory_space<hbm>> -> memref<128x128xf32, #tpu.memory_space<hbm>>
        tpu.enqueue_dma source(%dma_start3A_233 : memref<128x128xf32, #tpu.memory_space<hbm>>) target(%arg10 : memref<128x128xf32, #tpu.memory_space<vmem>>) target_semaphore(%run_scoped3A_229 : memref<!tpu.dma_semaphore, #tpu.memory_space<semaphore_mem>>)
        %dma_wait3A_234 = arith.constant 0 : i32
        %dma_wait3A_235 = tpu.memref_slice %arg5[%multiple_of3A_57, %dma_wait3A_234] : memref<102400x128xf32, #tpu.memory_space<hbm>> -> memref<128x128xf32, #tpu.memory_space<hbm>>
        %dma_wait3A_236 = arith.constant 0 : i32
        %dma_wait3A_237 = tpu.memref_slice %arg5[%multiple_of3A_57, %dma_wait3A_236] : memref<102400x128xf32, #tpu.memory_space<hbm>> -> memref<128x128xf32, #tpu.memory_space<hbm>>
        tpu.wait_dma2 semaphore(%run_scoped3A_229 : memref<!tpu.dma_semaphore, #tpu.memory_space<semaphore_mem>>) src(%dma_wait3A_237 : memref<128x128xf32, #tpu.memory_space<hbm>>) dst(%arg10 : memref<128x128xf32, #tpu.memory_space<vmem>>)
        tpu.yield
      }) : () -> ()
      %dma_start3A = arith.constant 0 : i32
      %dma_start3A_58 = arith.constant 0 : i32
      %dma_start3A_59 = arith.constant 0 : i32
      %dma_start3A_60 = tpu.memref_slice %arg11[%dma_start3A_58, %dma_start3A_59] : memref<1024x16xf32, #tpu.memory_space<vmem>> -> memref<128x16xf32, #tpu.memory_space<vmem>>
      %dma_start3A_61 = arith.constant 0 : i32
      %dma_start3A_62 = tpu.memref_slice %arg8[%dma_start3A, %dma_start3A_61] : memref<8x128xi32, #tpu.memory_space<vmem>> -> memref<1x128xi32, #tpu.memory_space<vmem>>
      %dma_start3A_63 = tpu.memref_squeeze %dma_start3A_62 : memref<1x128xi32, #tpu.memory_space<vmem>> -> memref<128xi32, #tpu.memory_space<vmem>>
      %dma_start3A_64 = arith.constant 0 : i32
      %dma_start3A_65 = arith.constant 0 : i32
      %dma_start3A_66 = tpu.memref_slice %arg2[%dma_start3A_64, %dma_start3A_65] : memref<50048x16xf32, #tpu.memory_space<hbm>> -> memref<50048x16xf32, #tpu.memory_space<hbm>>
      tpu.enqueue_indirect_dma source(%dma_start3A_66 : memref<50048x16xf32, #tpu.memory_space<hbm>>) target(%dma_start3A_60 : memref<128x16xf32, #tpu.memory_space<vmem>>) offsets(%dma_start3A_63 : memref<128xi32, #tpu.memory_space<vmem>>) semaphore(%arg13 : memref<!tpu.dma_semaphore, #tpu.memory_space<semaphore_mem>>)
      %dma_start3A_67 = arith.constant 1 : i32
      %dma_start3A_68 = arith.constant 128 : i32
      %dma_start3A_69 = arith.constant 0 : i32
      %dma_start3A_70 = tpu.memref_slice %arg11[%dma_start3A_68, %dma_start3A_69] : memref<1024x16xf32, #tpu.memory_space<vmem>> -> memref<128x16xf32, #tpu.memory_space<vmem>>
      %dma_start3A_71 = arith.constant 0 : i32
      %dma_start3A_72 = tpu.memref_slice %arg8[%dma_start3A_67, %dma_start3A_71] : memref<8x128xi32, #tpu.memory_space<vmem>> -> memref<1x128xi32, #tpu.memory_space<vmem>>
      %dma_start3A_73 = tpu.memref_squeeze %dma_start3A_72 : memref<1x128xi32, #tpu.memory_space<vmem>> -> memref<128xi32, #tpu.memory_space<vmem>>
      %dma_start3A_74 = arith.constant 0 : i32
      %dma_start3A_75 = arith.constant 0 : i32
      %dma_start3A_76 = tpu.memref_slice %arg2[%dma_start3A_74, %dma_start3A_75] : memref<50048x16xf32, #tpu.memory_space<hbm>> -> memref<50048x16xf32, #tpu.memory_space<hbm>>
      tpu.enqueue_indirect_dma source(%dma_start3A_76 : memref<50048x16xf32, #tpu.memory_space<hbm>>) target(%dma_start3A_70 : memref<128x16xf32, #tpu.memory_space<vmem>>) offsets(%dma_start3A_73 : memref<128xi32, #tpu.memory_space<vmem>>) semaphore(%arg13 : memref<!tpu.dma_semaphore, #tpu.memory_space<semaphore_mem>>)
      %dma_start3A_77 = arith.constant 2 : i32
      %dma_start3A_78 = arith.constant 256 : i32
      %dma_start3A_79 = arith.constant 0 : i32
      %dma_start3A_80 = tpu.memref_slice %arg11[%dma_start3A_78, %dma_start3A_79] : memref<1024x16xf32, #tpu.memory_space<vmem>> -> memref<128x16xf32, #tpu.memory_space<vmem>>
      %dma_start3A_81 = arith.constant 0 : i32
      %dma_start3A_82 = tpu.memref_slice %arg8[%dma_start3A_77, %dma_start3A_81] : memref<8x128xi32, #tpu.memory_space<vmem>> -> memref<1x128xi32, #tpu.memory_space<vmem>>
      %dma_start3A_83 = tpu.memref_squeeze %dma_start3A_82 : memref<1x128xi32, #tpu.memory_space<vmem>> -> memref<128xi32, #tpu.memory_space<vmem>>
      %dma_start3A_84 = arith.constant 0 : i32
      %dma_start3A_85 = arith.constant 0 : i32
      %dma_start3A_86 = tpu.memref_slice %arg2[%dma_start3A_84, %dma_start3A_85] : memref<50048x16xf32, #tpu.memory_space<hbm>> -> memref<50048x16xf32, #tpu.memory_space<hbm>>
      tpu.enqueue_indirect_dma source(%dma_start3A_86 : memref<50048x16xf32, #tpu.memory_space<hbm>>) target(%dma_start3A_80 : memref<128x16xf32, #tpu.memory_space<vmem>>) offsets(%dma_start3A_83 : memref<128xi32, #tpu.memory_space<vmem>>) semaphore(%arg13 : memref<!tpu.dma_semaphore, #tpu.memory_space<semaphore_mem>>)
      %dma_start3A_87 = arith.constant 3 : i32
      %dma_start3A_88 = arith.constant 384 : i32
      %dma_start3A_89 = arith.constant 0 : i32
      %dma_start3A_90 = tpu.memref_slice %arg11[%dma_start3A_88, %dma_start3A_89] : memref<1024x16xf32, #tpu.memory_space<vmem>> -> memref<128x16xf32, #tpu.memory_space<vmem>>
      %dma_start3A_91 = arith.constant 0 : i32
      %dma_start3A_92 = tpu.memref_slice %arg8[%dma_start3A_87, %dma_start3A_91] : memref<8x128xi32, #tpu.memory_space<vmem>> -> memref<1x128xi32, #tpu.memory_space<vmem>>
      %dma_start3A_93 = tpu.memref_squeeze %dma_start3A_92 : memref<1x128xi32, #tpu.memory_space<vmem>> -> memref<128xi32, #tpu.memory_space<vmem>>
      %dma_start3A_94 = arith.constant 0 : i32
      %dma_start3A_95 = arith.constant 0 : i32
      %dma_start3A_96 = tpu.memref_slice %arg2[%dma_start3A_94, %dma_start3A_95] : memref<50048x16xf32, #tpu.memory_space<hbm>> -> memref<50048x16xf32, #tpu.memory_space<hbm>>
      tpu.enqueue_indirect_dma source(%dma_start3A_96 : memref<50048x16xf32, #tpu.memory_space<hbm>>) target(%dma_start3A_90 : memref<128x16xf32, #tpu.memory_space<vmem>>) offsets(%dma_start3A_93 : memref<128xi32, #tpu.memory_space<vmem>>) semaphore(%arg13 : memref<!tpu.dma_semaphore, #tpu.memory_space<semaphore_mem>>)
      %dma_start3A_97 = arith.constant 4 : i32
      %dma_start3A_98 = arith.constant 512 : i32
      %dma_start3A_99 = arith.constant 0 : i32
      %dma_start3A_100 = tpu.memref_slice %arg11[%dma_start3A_98, %dma_start3A_99] : memref<1024x16xf32, #tpu.memory_space<vmem>> -> memref<128x16xf32, #tpu.memory_space<vmem>>
      %dma_start3A_101 = arith.constant 0 : i32
      %dma_start3A_102 = tpu.memref_slice %arg8[%dma_start3A_97, %dma_start3A_101] : memref<8x128xi32, #tpu.memory_space<vmem>> -> memref<1x128xi32, #tpu.memory_space<vmem>>
      %dma_start3A_103 = tpu.memref_squeeze %dma_start3A_102 : memref<1x128xi32, #tpu.memory_space<vmem>> -> memref<128xi32, #tpu.memory_space<vmem>>
      %dma_start3A_104 = arith.constant 0 : i32
      %dma_start3A_105 = arith.constant 0 : i32
      %dma_start3A_106 = tpu.memref_slice %arg2[%dma_start3A_104, %dma_start3A_105] : memref<50048x16xf32, #tpu.memory_space<hbm>> -> memref<50048x16xf32, #tpu.memory_space<hbm>>
      tpu.enqueue_indirect_dma source(%dma_start3A_106 : memref<50048x16xf32, #tpu.memory_space<hbm>>) target(%dma_start3A_100 : memref<128x16xf32, #tpu.memory_space<vmem>>) offsets(%dma_start3A_103 : memref<128xi32, #tpu.memory_space<vmem>>) semaphore(%arg13 : memref<!tpu.dma_semaphore, #tpu.memory_space<semaphore_mem>>)
      %dma_start3A_107 = arith.constant 5 : i32
      %dma_start3A_108 = arith.constant 640 : i32
      %dma_start3A_109 = arith.constant 0 : i32
      %dma_start3A_110 = tpu.memref_slice %arg11[%dma_start3A_108, %dma_start3A_109] : memref<1024x16xf32, #tpu.memory_space<vmem>> -> memref<128x16xf32, #tpu.memory_space<vmem>>
      %dma_start3A_111 = arith.constant 0 : i32
      %dma_start3A_112 = tpu.memref_slice %arg8[%dma_start3A_107, %dma_start3A_111] : memref<8x128xi32, #tpu.memory_space<vmem>> -> memref<1x128xi32, #tpu.memory_space<vmem>>
      %dma_start3A_113 = tpu.memref_squeeze %dma_start3A_112 : memref<1x128xi32, #tpu.memory_space<vmem>> -> memref<128xi32, #tpu.memory_space<vmem>>
      %dma_start3A_114 = arith.constant 0 : i32
      %dma_start3A_115 = arith.constant 0 : i32
      %dma_start3A_116 = tpu.memref_slice %arg2[%dma_start3A_114, %dma_start3A_115] : memref<50048x16xf32, #tpu.memory_space<hbm>> -> memref<50048x16xf32, #tpu.memory_space<hbm>>
      tpu.enqueue_indirect_dma source(%dma_start3A_116 : memref<50048x16xf32, #tpu.memory_space<hbm>>) target(%dma_start3A_110 : memref<128x16xf32, #tpu.memory_space<vmem>>) offsets(%dma_start3A_113 : memref<128xi32, #tpu.memory_space<vmem>>) semaphore(%arg13 : memref<!tpu.dma_semaphore, #tpu.memory_space<semaphore_mem>>)
      %dma_start3A_117 = arith.constant 6 : i32
      %dma_start3A_118 = arith.constant 768 : i32
      %dma_start3A_119 = arith.constant 0 : i32
      %dma_start3A_120 = tpu.memref_slice %arg11[%dma_start3A_118, %dma_start3A_119] : memref<1024x16xf32, #tpu.memory_space<vmem>> -> memref<128x16xf32, #tpu.memory_space<vmem>>
      %dma_start3A_121 = arith.constant 0 : i32
      %dma_start3A_122 = tpu.memref_slice %arg8[%dma_start3A_117, %dma_start3A_121] : memref<8x128xi32, #tpu.memory_space<vmem>> -> memref<1x128xi32, #tpu.memory_space<vmem>>
      %dma_start3A_123 = tpu.memref_squeeze %dma_start3A_122 : memref<1x128xi32, #tpu.memory_space<vmem>> -> memref<128xi32, #tpu.memory_space<vmem>>
      %dma_start3A_124 = arith.constant 0 : i32
      %dma_start3A_125 = arith.constant 0 : i32
      %dma_start3A_126 = tpu.memref_slice %arg2[%dma_start3A_124, %dma_start3A_125] : memref<50048x16xf32, #tpu.memory_space<hbm>> -> memref<50048x16xf32, #tpu.memory_space<hbm>>
      tpu.enqueue_indirect_dma source(%dma_start3A_126 : memref<50048x16xf32, #tpu.memory_space<hbm>>) target(%dma_start3A_120 : memref<128x16xf32, #tpu.memory_space<vmem>>) offsets(%dma_start3A_123 : memref<128xi32, #tpu.memory_space<vmem>>) semaphore(%arg13 : memref<!tpu.dma_semaphore, #tpu.memory_space<semaphore_mem>>)
      %dma_start3A_127 = arith.constant 7 : i32
      %dma_start3A_128 = arith.constant 896 : i32
      %dma_start3A_129 = arith.constant 0 : i32
      %dma_start3A_130 = tpu.memref_slice %arg11[%dma_start3A_128, %dma_start3A_129] : memref<1024x16xf32, #tpu.memory_space<vmem>> -> memref<128x16xf32, #tpu.memory_space<vmem>>
      %dma_start3A_131 = arith.constant 0 : i32
      %dma_start3A_132 = tpu.memref_slice %arg8[%dma_start3A_127, %dma_start3A_131] : memref<8x128xi32, #tpu.memory_space<vmem>> -> memref<1x128xi32, #tpu.memory_space<vmem>>
      %dma_start3A_133 = tpu.memref_squeeze %dma_start3A_132 : memref<1x128xi32, #tpu.memory_space<vmem>> -> memref<128xi32, #tpu.memory_space<vmem>>
      %dma_start3A_134 = arith.constant 0 : i32
      %dma_start3A_135 = arith.constant 0 : i32
      %dma_start3A_136 = tpu.memref_slice %arg2[%dma_start3A_134, %dma_start3A_135] : memref<50048x16xf32, #tpu.memory_space<hbm>> -> memref<50048x16xf32, #tpu.memory_space<hbm>>
      tpu.enqueue_indirect_dma source(%dma_start3A_136 : memref<50048x16xf32, #tpu.memory_space<hbm>>) target(%dma_start3A_130 : memref<128x16xf32, #tpu.memory_space<vmem>>) offsets(%dma_start3A_133 : memref<128xi32, #tpu.memory_space<vmem>>) semaphore(%arg13 : memref<!tpu.dma_semaphore, #tpu.memory_space<semaphore_mem>>)
      %dma_wait3A = arith.constant 0 : i32
      %dma_wait3A_137 = arith.constant 0 : i32
      %dma_wait3A_138 = arith.constant 0 : i32
      %dma_wait3A_139 = tpu.memref_slice %arg11[%dma_wait3A_137, %dma_wait3A_138] : memref<1024x16xf32, #tpu.memory_space<vmem>> -> memref<128x16xf32, #tpu.memory_space<vmem>>
      %dma_wait3A_140 = arith.constant 0 : i32
      %dma_wait3A_141 = tpu.memref_slice %arg8[%dma_wait3A, %dma_wait3A_140] : memref<8x128xi32, #tpu.memory_space<vmem>> -> memref<1x128xi32, #tpu.memory_space<vmem>>
      %dma_wait3A_142 = tpu.memref_squeeze %dma_wait3A_141 : memref<1x128xi32, #tpu.memory_space<vmem>> -> memref<128xi32, #tpu.memory_space<vmem>>
      %dma_wait3A_143 = arith.constant 0 : i32
      %dma_wait3A_144 = arith.constant 0 : i32
      %dma_wait3A_145 = tpu.memref_slice %arg2[%dma_wait3A_143, %dma_wait3A_144] : memref<50048x16xf32, #tpu.memory_space<hbm>> -> memref<50048x16xf32, #tpu.memory_space<hbm>>
      tpu.wait_indirect_dma semaphore(%arg13 : memref<!tpu.dma_semaphore, #tpu.memory_space<semaphore_mem>>) src(%dma_wait3A_145 : memref<50048x16xf32, #tpu.memory_space<hbm>>) dst(%dma_wait3A_139 : memref<128x16xf32, #tpu.memory_space<vmem>>)
      %dma_wait3A_146 = arith.constant 1 : i32
      %dma_wait3A_147 = arith.constant 128 : i32
      %dma_wait3A_148 = arith.constant 0 : i32
      %dma_wait3A_149 = tpu.memref_slice %arg11[%dma_wait3A_147, %dma_wait3A_148] : memref<1024x16xf32, #tpu.memory_space<vmem>> -> memref<128x16xf32, #tpu.memory_space<vmem>>
      %dma_wait3A_150 = arith.constant 0 : i32
      %dma_wait3A_151 = tpu.memref_slice %arg8[%dma_wait3A_146, %dma_wait3A_150] : memref<8x128xi32, #tpu.memory_space<vmem>> -> memref<1x128xi32, #tpu.memory_space<vmem>>
      %dma_wait3A_152 = tpu.memref_squeeze %dma_wait3A_151 : memref<1x128xi32, #tpu.memory_space<vmem>> -> memref<128xi32, #tpu.memory_space<vmem>>
      %dma_wait3A_153 = arith.constant 0 : i32
      %dma_wait3A_154 = arith.constant 0 : i32
      %dma_wait3A_155 = tpu.memref_slice %arg2[%dma_wait3A_153, %dma_wait3A_154] : memref<50048x16xf32, #tpu.memory_space<hbm>> -> memref<50048x16xf32, #tpu.memory_space<hbm>>
      tpu.wait_indirect_dma semaphore(%arg13 : memref<!tpu.dma_semaphore, #tpu.memory_space<semaphore_mem>>) src(%dma_wait3A_155 : memref<50048x16xf32, #tpu.memory_space<hbm>>) dst(%dma_wait3A_149 : memref<128x16xf32, #tpu.memory_space<vmem>>)
      %dma_wait3A_156 = arith.constant 2 : i32
      %dma_wait3A_157 = arith.constant 256 : i32
      %dma_wait3A_158 = arith.constant 0 : i32
      %dma_wait3A_159 = tpu.memref_slice %arg11[%dma_wait3A_157, %dma_wait3A_158] : memref<1024x16xf32, #tpu.memory_space<vmem>> -> memref<128x16xf32, #tpu.memory_space<vmem>>
      %dma_wait3A_160 = arith.constant 0 : i32
      %dma_wait3A_161 = tpu.memref_slice %arg8[%dma_wait3A_156, %dma_wait3A_160] : memref<8x128xi32, #tpu.memory_space<vmem>> -> memref<1x128xi32, #tpu.memory_space<vmem>>
      %dma_wait3A_162 = tpu.memref_squeeze %dma_wait3A_161 : memref<1x128xi32, #tpu.memory_space<vmem>> -> memref<128xi32, #tpu.memory_space<vmem>>
      %dma_wait3A_163 = arith.constant 0 : i32
      %dma_wait3A_164 = arith.constant 0 : i32
      %dma_wait3A_165 = tpu.memref_slice %arg2[%dma_wait3A_163, %dma_wait3A_164] : memref<50048x16xf32, #tpu.memory_space<hbm>> -> memref<50048x16xf32, #tpu.memory_space<hbm>>
      tpu.wait_indirect_dma semaphore(%arg13 : memref<!tpu.dma_semaphore, #tpu.memory_space<semaphore_mem>>) src(%dma_wait3A_165 : memref<50048x16xf32, #tpu.memory_space<hbm>>) dst(%dma_wait3A_159 : memref<128x16xf32, #tpu.memory_space<vmem>>)
      %dma_wait3A_166 = arith.constant 3 : i32
      %dma_wait3A_167 = arith.constant 384 : i32
      %dma_wait3A_168 = arith.constant 0 : i32
      %dma_wait3A_169 = tpu.memref_slice %arg11[%dma_wait3A_167, %dma_wait3A_168] : memref<1024x16xf32, #tpu.memory_space<vmem>> -> memref<128x16xf32, #tpu.memory_space<vmem>>
      %dma_wait3A_170 = arith.constant 0 : i32
      %dma_wait3A_171 = tpu.memref_slice %arg8[%dma_wait3A_166, %dma_wait3A_170] : memref<8x128xi32, #tpu.memory_space<vmem>> -> memref<1x128xi32, #tpu.memory_space<vmem>>
      %dma_wait3A_172 = tpu.memref_squeeze %dma_wait3A_171 : memref<1x128xi32, #tpu.memory_space<vmem>> -> memref<128xi32, #tpu.memory_space<vmem>>
      %dma_wait3A_173 = arith.constant 0 : i32
      %dma_wait3A_174 = arith.constant 0 : i32
      %dma_wait3A_175 = tpu.memref_slice %arg2[%dma_wait3A_173, %dma_wait3A_174] : memref<50048x16xf32, #tpu.memory_space<hbm>> -> memref<50048x16xf32, #tpu.memory_space<hbm>>
      tpu.wait_indirect_dma semaphore(%arg13 : memref<!tpu.dma_semaphore, #tpu.memory_space<semaphore_mem>>) src(%dma_wait3A_175 : memref<50048x16xf32, #tpu.memory_space<hbm>>) dst(%dma_wait3A_169 : memref<128x16xf32, #tpu.memory_space<vmem>>)
      %dma_wait3A_176 = arith.constant 4 : i32
      %dma_wait3A_177 = arith.constant 512 : i32
      %dma_wait3A_178 = arith.constant 0 : i32
      %dma_wait3A_179 = tpu.memref_slice %arg11[%dma_wait3A_177, %dma_wait3A_178] : memref<1024x16xf32, #tpu.memory_space<vmem>> -> memref<128x16xf32, #tpu.memory_space<vmem>>
      %dma_wait3A_180 = arith.constant 0 : i32
      %dma_wait3A_181 = tpu.memref_slice %arg8[%dma_wait3A_176, %dma_wait3A_180] : memref<8x128xi32, #tpu.memory_space<vmem>> -> memref<1x128xi32, #tpu.memory_space<vmem>>
      %dma_wait3A_182 = tpu.memref_squeeze %dma_wait3A_181 : memref<1x128xi32, #tpu.memory_space<vmem>> -> memref<128xi32, #tpu.memory_space<vmem>>
      %dma_wait3A_183 = arith.constant 0 : i32
      %dma_wait3A_184 = arith.constant 0 : i32
      %dma_wait3A_185 = tpu.memref_slice %arg2[%dma_wait3A_183, %dma_wait3A_184] : memref<50048x16xf32, #tpu.memory_space<hbm>> -> memref<50048x16xf32, #tpu.memory_space<hbm>>
      tpu.wait_indirect_dma semaphore(%arg13 : memref<!tpu.dma_semaphore, #tpu.memory_space<semaphore_mem>>) src(%dma_wait3A_185 : memref<50048x16xf32, #tpu.memory_space<hbm>>) dst(%dma_wait3A_179 : memref<128x16xf32, #tpu.memory_space<vmem>>)
      %dma_wait3A_186 = arith.constant 5 : i32
      %dma_wait3A_187 = arith.constant 640 : i32
      %dma_wait3A_188 = arith.constant 0 : i32
      %dma_wait3A_189 = tpu.memref_slice %arg11[%dma_wait3A_187, %dma_wait3A_188] : memref<1024x16xf32, #tpu.memory_space<vmem>> -> memref<128x16xf32, #tpu.memory_space<vmem>>
      %dma_wait3A_190 = arith.constant 0 : i32
      %dma_wait3A_191 = tpu.memref_slice %arg8[%dma_wait3A_186, %dma_wait3A_190] : memref<8x128xi32, #tpu.memory_space<vmem>> -> memref<1x128xi32, #tpu.memory_space<vmem>>
      %dma_wait3A_192 = tpu.memref_squeeze %dma_wait3A_191 : memref<1x128xi32, #tpu.memory_space<vmem>> -> memref<128xi32, #tpu.memory_space<vmem>>
      %dma_wait3A_193 = arith.constant 0 : i32
      %dma_wait3A_194 = arith.constant 0 : i32
      %dma_wait3A_195 = tpu.memref_slice %arg2[%dma_wait3A_193, %dma_wait3A_194] : memref<50048x16xf32, #tpu.memory_space<hbm>> -> memref<50048x16xf32, #tpu.memory_space<hbm>>
      tpu.wait_indirect_dma semaphore(%arg13 : memref<!tpu.dma_semaphore, #tpu.memory_space<semaphore_mem>>) src(%dma_wait3A_195 : memref<50048x16xf32, #tpu.memory_space<hbm>>) dst(%dma_wait3A_189 : memref<128x16xf32, #tpu.memory_space<vmem>>)
      %dma_wait3A_196 = arith.constant 6 : i32
      %dma_wait3A_197 = arith.constant 768 : i32
      %dma_wait3A_198 = arith.constant 0 : i32
      %dma_wait3A_199 = tpu.memref_slice %arg11[%dma_wait3A_197, %dma_wait3A_198] : memref<1024x16xf32, #tpu.memory_space<vmem>> -> memref<128x16xf32, #tpu.memory_space<vmem>>
      %dma_wait3A_200 = arith.constant 0 : i32
      %dma_wait3A_201 = tpu.memref_slice %arg8[%dma_wait3A_196, %dma_wait3A_200] : memref<8x128xi32, #tpu.memory_space<vmem>> -> memref<1x128xi32, #tpu.memory_space<vmem>>
      %dma_wait3A_202 = tpu.memref_squeeze %dma_wait3A_201 : memref<1x128xi32, #tpu.memory_space<vmem>> -> memref<128xi32, #tpu.memory_space<vmem>>
      %dma_wait3A_203 = arith.constant 0 : i32
      %dma_wait3A_204 = arith.constant 0 : i32
      %dma_wait3A_205 = tpu.memref_slice %arg2[%dma_wait3A_203, %dma_wait3A_204] : memref<50048x16xf32, #tpu.memory_space<hbm>> -> memref<50048x16xf32, #tpu.memory_space<hbm>>
      tpu.wait_indirect_dma semaphore(%arg13 : memref<!tpu.dma_semaphore, #tpu.memory_space<semaphore_mem>>) src(%dma_wait3A_205 : memref<50048x16xf32, #tpu.memory_space<hbm>>) dst(%dma_wait3A_199 : memref<128x16xf32, #tpu.memory_space<vmem>>)
      %dma_wait3A_206 = arith.constant 7 : i32
      %dma_wait3A_207 = arith.constant 896 : i32
      %dma_wait3A_208 = arith.constant 0 : i32
      %dma_wait3A_209 = tpu.memref_slice %arg11[%dma_wait3A_207, %dma_wait3A_208] : memref<1024x16xf32, #tpu.memory_space<vmem>> -> memref<128x16xf32, #tpu.memory_space<vmem>>
      %dma_wait3A_210 = arith.constant 0 : i32
      %dma_wait3A_211 = tpu.memref_slice %arg8[%dma_wait3A_206, %dma_wait3A_210] : memref<8x128xi32, #tpu.memory_space<vmem>> -> memref<1x128xi32, #tpu.memory_space<vmem>>
      %dma_wait3A_212 = tpu.memref_squeeze %dma_wait3A_211 : memref<1x128xi32, #tpu.memory_space<vmem>> -> memref<128xi32, #tpu.memory_space<vmem>>
      %dma_wait3A_213 = arith.constant 0 : i32
      %dma_wait3A_214 = arith.constant 0 : i32
      %dma_wait3A_215 = tpu.memref_slice %arg2[%dma_wait3A_213, %dma_wait3A_214] : memref<50048x16xf32, #tpu.memory_space<hbm>> -> memref<50048x16xf32, #tpu.memory_space<hbm>>
      tpu.wait_indirect_dma semaphore(%arg13 : memref<!tpu.dma_semaphore, #tpu.memory_space<semaphore_mem>>) src(%dma_wait3A_215 : memref<50048x16xf32, #tpu.memory_space<hbm>>) dst(%dma_wait3A_209 : memref<128x16xf32, #tpu.memory_space<vmem>>)
      %scan3A_216 = arith.constant 0 : i32
      %scan3A_217 = arith.constant 0 : i32
      %scan3A_218 = arith.constant 128 : i32
      %scan3A_219 = arith.addi %scan3A_217, %scan3A_218 : i32
      %scan3A_220 = arith.constant 1 : i32
      scf.for %scan3A_229 = %scan3A_217 to %scan3A_219 step %scan3A_220  : i32 {
        %mul3A_230 = arith.constant 8 : i32
        %mul3A_231 = arith.muli %scan3A_229, %mul3A_230 : i32
        %add3A_232 = arith.constant 0 : i32
        %add3A_233 = arith.addi %mul3A_231, %add3A_232 : i32
        %get3A = arith.index_cast %add3A_233 : i32 to index
        %get3A_234 = arith.constant 0 : index
        %get3A_235 = tpu.vector_load %arg11[%get3A, %get3A_234] {strides = array<i32>} : memref<1024x16xf32, #tpu.memory_space<vmem>>, vector<1x16xf32>,
        %get3A_236 = vector.shape_cast %get3A_235 : vector<1x16xf32> to vector<16xf32>
        %get3A_237 = arith.index_cast %scan3A_229 : i32 to index
        %get3A_238 = arith.constant 0 : index
        %get3A_239 = tpu.vector_load %arg10[%get3A_237, %get3A_238] {strides = array<i32>} : memref<128x128xf32, #tpu.memory_space<vmem>>, vector<1x16xf32>,
        %get3A_240 = vector.shape_cast %get3A_239 : vector<1x16xf32> to vector<16xf32>
        %mul3A_241 = arith.mulf %get3A_236, %get3A_240 : vector<16xf32>
        %add3A_242 = arith.constant 0 : i32
        %add3A_243 = arith.addi %mul3A_231, %add3A_242 : i32
        %swap3A = arith.index_cast %add3A_243 : i32 to index
        %swap3A_244 = arith.constant 0 : index
        %swap3A_245 = tpu.vector_load %arg11[%swap3A, %swap3A_244] {strides = array<i32>} : memref<1024x16xf32, #tpu.memory_space<vmem>>, vector<1x16xf32>,
        %swap3A_246 = vector.shape_cast %swap3A_245 : vector<1x16xf32> to vector<16xf32>
        %swap3A_247 = vector.shape_cast %mul3A_241 : vector<16xf32> to vector<1x16xf32>
        tpu.vector_store %arg11[%swap3A, %swap3A_244], %swap3A_247 {strides = array<i32>} : memref<1024x16xf32, #tpu.memory_space<vmem>>, vector<1x16xf32>,
        %add3A_248 = arith.constant 1 : i32
        %add3A_249 = arith.addi %mul3A_231, %add3A_248 : i32
        %get3A_250 = arith.index_cast %add3A_249 : i32 to index
        %get3A_251 = arith.constant 0 : index
        %get3A_252 = tpu.vector_load %arg11[%get3A_250, %get3A_251] {strides = array<i32>} : memref<1024x16xf32, #tpu.memory_space<vmem>>, vector<1x16xf32>,
        %get3A_253 = vector.shape_cast %get3A_252 : vector<1x16xf32> to vector<16xf32>
        %get3A_254 = arith.index_cast %scan3A_229 : i32 to index
        %get3A_255 = arith.constant 16 : index
        %get3A_256 = tpu.vector_load %arg10[%get3A_254, %get3A_255] {strides = array<i32>} : memref<128x128xf32, #tpu.memory_space<vmem>>, vector<1x16xf32>,
        %get3A_257 = vector.shape_cast %get3A_256 : vector<1x16xf32> to vector<16xf32>
        %mul3A_258 = arith.mulf %get3A_253, %get3A_257 : vector<16xf32>
        %add3A_259 = arith.constant 1 : i32
        %add3A_260 = arith.addi %mul3A_231, %add3A_259 : i32
        %swap3A_261 = arith.index_cast %add3A_260 : i32 to index
        %swap3A_262 = arith.constant 0 : index
        %swap3A_263 = tpu.vector_load %arg11[%swap3A_261, %swap3A_262] {strides = array<i32>} : memref<1024x16xf32, #tpu.memory_space<vmem>>, vector<1x16xf32>,
        %swap3A_264 = vector.shape_cast %swap3A_263 : vector<1x16xf32> to vector<16xf32>
        %swap3A_265 = vector.shape_cast %mul3A_258 : vector<16xf32> to vector<1x16xf32>
        tpu.vector_store %arg11[%swap3A_261, %swap3A_262], %swap3A_265 {strides = array<i32>} : memref<1024x16xf32, #tpu.memory_space<vmem>>, vector<1x16xf32>,
        %add3A_266 = arith.constant 2 : i32
        %add3A_267 = arith.addi %mul3A_231, %add3A_266 : i32
        %get3A_268 = arith.index_cast %add3A_267 : i32 to index
        %get3A_269 = arith.constant 0 : index
        %get3A_270 = tpu.vector_load %arg11[%get3A_268, %get3A_269] {strides = array<i32>} : memref<1024x16xf32, #tpu.memory_space<vmem>>, vector<1x16xf32>,
        %get3A_271 = vector.shape_cast %get3A_270 : vector<1x16xf32> to vector<16xf32>
        %get3A_272 = arith.index_cast %scan3A_229 : i32 to index
        %get3A_273 = arith.constant 32 : index
        %get3A_274 = tpu.vector_load %arg10[%get3A_272, %get3A_273] {strides = array<i32>} : memref<128x128xf32, #tpu.memory_space<vmem>>, vector<1x16xf32>,
        %get3A_275 = vector.shape_cast %get3A_274 : vector<1x16xf32> to vector<16xf32>
        %mul3A_276 = arith.mulf %get3A_271, %get3A_275 : vector<16xf32>
        %add3A_277 = arith.constant 2 : i32
        %add3A_278 = arith.addi %mul3A_231, %add3A_277 : i32
        %swap3A_279 = arith.index_cast %add3A_278 : i32 to index
        %swap3A_280 = arith.constant 0 : index
        %swap3A_281 = tpu.vector_load %arg11[%swap3A_279, %swap3A_280] {strides = array<i32>} : memref<1024x16xf32, #tpu.memory_space<vmem>>, vector<1x16xf32>,
        %swap3A_282 = vector.shape_cast %swap3A_281 : vector<1x16xf32> to vector<16xf32>
        %swap3A_283 = vector.shape_cast %mul3A_276 : vector<16xf32> to vector<1x16xf32>
        tpu.vector_store %arg11[%swap3A_279, %swap3A_280], %swap3A_283 {strides = array<i32>} : memref<1024x16xf32, #tpu.memory_space<vmem>>, vector<1x16xf32>,
        %add3A_284 = arith.constant 3 : i32
        %add3A_285 = arith.addi %mul3A_231, %add3A_284 : i32
        %get3A_286 = arith.index_cast %add3A_285 : i32 to index
        %get3A_287 = arith.constant 0 : index
        %get3A_288 = tpu.vector_load %arg11[%get3A_286, %get3A_287] {strides = array<i32>} : memref<1024x16xf32, #tpu.memory_space<vmem>>, vector<1x16xf32>,
        %get3A_289 = vector.shape_cast %get3A_288 : vector<1x16xf32> to vector<16xf32>
        %get3A_290 = arith.index_cast %scan3A_229 : i32 to index
        %get3A_291 = arith.constant 48 : index
        %get3A_292 = tpu.vector_load %arg10[%get3A_290, %get3A_291] {strides = array<i32>} : memref<128x128xf32, #tpu.memory_space<vmem>>, vector<1x16xf32>,
        %get3A_293 = vector.shape_cast %get3A_292 : vector<1x16xf32> to vector<16xf32>
        %mul3A_294 = arith.mulf %get3A_289, %get3A_293 : vector<16xf32>
        %add3A_295 = arith.constant 3 : i32
        %add3A_296 = arith.addi %mul3A_231, %add3A_295 : i32
        %swap3A_297 = arith.index_cast %add3A_296 : i32 to index
        %swap3A_298 = arith.constant 0 : index
        %swap3A_299 = tpu.vector_load %arg11[%swap3A_297, %swap3A_298] {strides = array<i32>} : memref<1024x16xf32, #tpu.memory_space<vmem>>, vector<1x16xf32>,
        %swap3A_300 = vector.shape_cast %swap3A_299 : vector<1x16xf32> to vector<16xf32>
        %swap3A_301 = vector.shape_cast %mul3A_294 : vector<16xf32> to vector<1x16xf32>
        tpu.vector_store %arg11[%swap3A_297, %swap3A_298], %swap3A_301 {strides = array<i32>} : memref<1024x16xf32, #tpu.memory_space<vmem>>, vector<1x16xf32>,
        %add3A_302 = arith.constant 4 : i32
        %add3A_303 = arith.addi %mul3A_231, %add3A_302 : i32
        %get3A_304 = arith.index_cast %add3A_303 : i32 to index
        %get3A_305 = arith.constant 0 : index
        %get3A_306 = tpu.vector_load %arg11[%get3A_304, %get3A_305] {strides = array<i32>} : memref<1024x16xf32, #tpu.memory_space<vmem>>, vector<1x16xf32>,
        %get3A_307 = vector.shape_cast %get3A_306 : vector<1x16xf32> to vector<16xf32>
        %get3A_308 = arith.index_cast %scan3A_229 : i32 to index
        %get3A_309 = arith.constant 64 : index
        %get3A_310 = tpu.vector_load %arg10[%get3A_308, %get3A_309] {strides = array<i32>} : memref<128x128xf32, #tpu.memory_space<vmem>>, vector<1x16xf32>,
        %get3A_311 = vector.shape_cast %get3A_310 : vector<1x16xf32> to vector<16xf32>
        %mul3A_312 = arith.mulf %get3A_307, %get3A_311 : vector<16xf32>
        %add3A_313 = arith.constant 4 : i32
        %add3A_314 = arith.addi %mul3A_231, %add3A_313 : i32
        %swap3A_315 = arith.index_cast %add3A_314 : i32 to index
        %swap3A_316 = arith.constant 0 : index
        %swap3A_317 = tpu.vector_load %arg11[%swap3A_315, %swap3A_316] {strides = array<i32>} : memref<1024x16xf32, #tpu.memory_space<vmem>>, vector<1x16xf32>,
        %swap3A_318 = vector.shape_cast %swap3A_317 : vector<1x16xf32> to vector<16xf32>
        %swap3A_319 = vector.shape_cast %mul3A_312 : vector<16xf32> to vector<1x16xf32>
        tpu.vector_store %arg11[%swap3A_315, %swap3A_316], %swap3A_319 {strides = array<i32>} : memref<1024x16xf32, #tpu.memory_space<vmem>>, vector<1x16xf32>,
        %add3A_320 = arith.constant 5 : i32
        %add3A_321 = arith.addi %mul3A_231, %add3A_320 : i32
        %get3A_322 = arith.index_cast %add3A_321 : i32 to index
        %get3A_323 = arith.constant 0 : index
        %get3A_324 = tpu.vector_load %arg11[%get3A_322, %get3A_323] {strides = array<i32>} : memref<1024x16xf32, #tpu.memory_space<vmem>>, vector<1x16xf32>,
        %get3A_325 = vector.shape_cast %get3A_324 : vector<1x16xf32> to vector<16xf32>
        %get3A_326 = arith.index_cast %scan3A_229 : i32 to index
        %get3A_327 = arith.constant 80 : index
        %get3A_328 = tpu.vector_load %arg10[%get3A_326, %get3A_327] {strides = array<i32>} : memref<128x128xf32, #tpu.memory_space<vmem>>, vector<1x16xf32>,
        %get3A_329 = vector.shape_cast %get3A_328 : vector<1x16xf32> to vector<16xf32>
        %mul3A_330 = arith.mulf %get3A_325, %get3A_329 : vector<16xf32>
        %add3A_331 = arith.constant 5 : i32
        %add3A_332 = arith.addi %mul3A_231, %add3A_331 : i32
        %swap3A_333 = arith.index_cast %add3A_332 : i32 to index
        %swap3A_334 = arith.constant 0 : index
        %swap3A_335 = tpu.vector_load %arg11[%swap3A_333, %swap3A_334] {strides = array<i32>} : memref<1024x16xf32, #tpu.memory_space<vmem>>, vector<1x16xf32>,
        %swap3A_336 = vector.shape_cast %swap3A_335 : vector<1x16xf32> to vector<16xf32>
        %swap3A_337 = vector.shape_cast %mul3A_330 : vector<16xf32> to vector<1x16xf32>
        tpu.vector_store %arg11[%swap3A_333, %swap3A_334], %swap3A_337 {strides = array<i32>} : memref<1024x16xf32, #tpu.memory_space<vmem>>, vector<1x16xf32>,
        %add3A_338 = arith.constant 6 : i32
        %add3A_339 = arith.addi %mul3A_231, %add3A_338 : i32
        %get3A_340 = arith.index_cast %add3A_339 : i32 to index
        %get3A_341 = arith.constant 0 : index
        %get3A_342 = tpu.vector_load %arg11[%get3A_340, %get3A_341] {strides = array<i32>} : memref<1024x16xf32, #tpu.memory_space<vmem>>, vector<1x16xf32>,
        %get3A_343 = vector.shape_cast %get3A_342 : vector<1x16xf32> to vector<16xf32>
        %get3A_344 = arith.index_cast %scan3A_229 : i32 to index
        %get3A_345 = arith.constant 96 : index
        %get3A_346 = tpu.vector_load %arg10[%get3A_344, %get3A_345] {strides = array<i32>} : memref<128x128xf32, #tpu.memory_space<vmem>>, vector<1x16xf32>,
        %get3A_347 = vector.shape_cast %get3A_346 : vector<1x16xf32> to vector<16xf32>
        %mul3A_348 = arith.mulf %get3A_343, %get3A_347 : vector<16xf32>
        %add3A_349 = arith.constant 6 : i32
        %add3A_350 = arith.addi %mul3A_231, %add3A_349 : i32
        %swap3A_351 = arith.index_cast %add3A_350 : i32 to index
        %swap3A_352 = arith.constant 0 : index
        %swap3A_353 = tpu.vector_load %arg11[%swap3A_351, %swap3A_352] {strides = array<i32>} : memref<1024x16xf32, #tpu.memory_space<vmem>>, vector<1x16xf32>,
        %swap3A_354 = vector.shape_cast %swap3A_353 : vector<1x16xf32> to vector<16xf32>
        %swap3A_355 = vector.shape_cast %mul3A_348 : vector<16xf32> to vector<1x16xf32>
        tpu.vector_store %arg11[%swap3A_351, %swap3A_352], %swap3A_355 {strides = array<i32>} : memref<1024x16xf32, #tpu.memory_space<vmem>>, vector<1x16xf32>,
        %add3A_356 = arith.constant 7 : i32
        %add3A_357 = arith.addi %mul3A_231, %add3A_356 : i32
        %get3A_358 = arith.index_cast %add3A_357 : i32 to index
        %get3A_359 = arith.constant 0 : index
        %get3A_360 = tpu.vector_load %arg11[%get3A_358, %get3A_359] {strides = array<i32>} : memref<1024x16xf32, #tpu.memory_space<vmem>>, vector<1x16xf32>,
        %get3A_361 = vector.shape_cast %get3A_360 : vector<1x16xf32> to vector<16xf32>
        %get3A_362 = arith.index_cast %scan3A_229 : i32 to index
        %get3A_363 = arith.constant 112 : index
        %get3A_364 = tpu.vector_load %arg10[%get3A_362, %get3A_363] {strides = array<i32>} : memref<128x128xf32, #tpu.memory_space<vmem>>, vector<1x16xf32>,
        %get3A_365 = vector.shape_cast %get3A_364 : vector<1x16xf32> to vector<16xf32>
        %mul3A_366 = arith.mulf %get3A_361, %get3A_365 : vector<16xf32>
        %add3A_367 = arith.constant 7 : i32
        %add3A_368 = arith.addi %mul3A_231, %add3A_367 : i32
        %swap3A_369 = arith.index_cast %add3A_368 : i32 to index
        %swap3A_370 = arith.constant 0 : index
        %swap3A_371 = tpu.vector_load %arg11[%swap3A_369, %swap3A_370] {strides = array<i32>} : memref<1024x16xf32, #tpu.memory_space<vmem>>, vector<1x16xf32>,
        %swap3A_372 = vector.shape_cast %swap3A_371 : vector<1x16xf32> to vector<16xf32>
        %swap3A_373 = vector.shape_cast %mul3A_366 : vector<16xf32> to vector<1x16xf32>
        tpu.vector_store %arg11[%swap3A_369, %swap3A_370], %swap3A_373 {strides = array<i32>} : memref<1024x16xf32, #tpu.memory_space<vmem>>, vector<1x16xf32>,
      }
      %scan3A_221 = arith.constant 128 : i32
      %run_scoped3A = arith.constant 0 : i32
      "tpu.region"() ({
        %run_scoped3A_229 = tpu.sem_alloc : memref<!tpu.dma_semaphore, #tpu.memory_space<semaphore_mem>>
        %dma_start3A_230 = arith.constant 0 : i32
        %dma_start3A_231 = arith.constant 0 : i32
        %dma_start3A_232 = tpu.memref_slice %arg11[%dma_start3A_230, %dma_start3A_231] : memref<1024x16xf32, #tpu.memory_space<vmem>> -> memref<128x16xf32, #tpu.memory_space<vmem>>
        %dma_start3A_233 = arith.constant 0 : i32
        %dma_start3A_234 = tpu.memref_slice %arg9[%run_scoped3A, %dma_start3A_233] : memref<8x128xi32, #tpu.memory_space<vmem>> -> memref<1x128xi32, #tpu.memory_space<vmem>>
        %dma_start3A_235 = tpu.memref_squeeze %dma_start3A_234 : memref<1x128xi32, #tpu.memory_space<vmem>> -> memref<128xi32, #tpu.memory_space<vmem>>
        %dma_start3A_236 = arith.constant 0 : i32
        %dma_start3A_237 = arith.constant 0 : i32
        %dma_start3A_238 = tpu.memref_slice %arg12[%dma_start3A_236, %dma_start3A_237] : memref<50048x16xf32, #tpu.memory_space<vmem_shared>> -> memref<50048x16xf32, #tpu.memory_space<vmem_shared>>
        tpu.enqueue_indirect_dma source(%dma_start3A_232 : memref<128x16xf32, #tpu.memory_space<vmem>>) target(%dma_start3A_238 : memref<50048x16xf32, #tpu.memory_space<vmem_shared>>) offsets(%dma_start3A_235 : memref<128xi32, #tpu.memory_space<vmem>>) semaphore(%run_scoped3A_229 : memref<!tpu.dma_semaphore, #tpu.memory_space<semaphore_mem>>) {add = true}
        %dma_wait3A_239 = arith.constant 0 : i32
        %dma_wait3A_240 = arith.constant 0 : i32
        %dma_wait3A_241 = tpu.memref_slice %arg11[%dma_wait3A_239, %dma_wait3A_240] : memref<1024x16xf32, #tpu.memory_space<vmem>> -> memref<128x16xf32, #tpu.memory_space<vmem>>
        %dma_wait3A_242 = arith.constant 0 : i32
        %dma_wait3A_243 = tpu.memref_slice %arg9[%run_scoped3A, %dma_wait3A_242] : memref<8x128xi32, #tpu.memory_space<vmem>> -> memref<1x128xi32, #tpu.memory_space<vmem>>
        %dma_wait3A_244 = tpu.memref_squeeze %dma_wait3A_243 : memref<1x128xi32, #tpu.memory_space<vmem>> -> memref<128xi32, #tpu.memory_space<vmem>>
        %dma_wait3A_245 = arith.constant 0 : i32
        %dma_wait3A_246 = arith.constant 0 : i32
        %dma_wait3A_247 = tpu.memref_slice %arg12[%dma_wait3A_245, %dma_wait3A_246] : memref<50048x16xf32, #tpu.memory_space<vmem_shared>> -> memref<50048x16xf32, #tpu.memory_space<vmem_shared>>
        tpu.wait_indirect_dma semaphore(%run_scoped3A_229 : memref<!tpu.dma_semaphore, #tpu.memory_space<semaphore_mem>>) src(%dma_wait3A_241 : memref<128x16xf32, #tpu.memory_space<vmem>>) dst(%dma_wait3A_247 : memref<50048x16xf32, #tpu.memory_space<vmem_shared>>)
        tpu.yield
      }) : () -> ()
      %run_scoped3A_222 = arith.constant 1 : i32
      "tpu.region"() ({
        %run_scoped3A_229 = tpu.sem_alloc : memref<!tpu.dma_semaphore, #tpu.memory_space<semaphore_mem>>
        %dma_start3A_230 = arith.constant 128 : i32
        %dma_start3A_231 = arith.constant 0 : i32
        %dma_start3A_232 = tpu.memref_slice %arg11[%dma_start3A_230, %dma_start3A_231] : memref<1024x16xf32, #tpu.memory_space<vmem>> -> memref<128x16xf32, #tpu.memory_space<vmem>>
        %dma_start3A_233 = arith.constant 0 : i32
        %dma_start3A_234 = tpu.memref_slice %arg9[%run_scoped3A_222, %dma_start3A_233] : memref<8x128xi32, #tpu.memory_space<vmem>> -> memref<1x128xi32, #tpu.memory_space<vmem>>
        %dma_start3A_235 = tpu.memref_squeeze %dma_start3A_234 : memref<1x128xi32, #tpu.memory_space<vmem>> -> memref<128xi32, #tpu.memory_space<vmem>>
        %dma_start3A_236 = arith.constant 0 : i32
        %dma_start3A_237 = arith.constant 0 : i32
        %dma_start3A_238 = tpu.memref_slice %arg12[%dma_start3A_236, %dma_start3A_237] : memref<50048x16xf32, #tpu.memory_space<vmem_shared>> -> memref<50048x16xf32, #tpu.memory_space<vmem_shared>>
        tpu.enqueue_indirect_dma source(%dma_start3A_232 : memref<128x16xf32, #tpu.memory_space<vmem>>) target(%dma_start3A_238 : memref<50048x16xf32, #tpu.memory_space<vmem_shared>>) offsets(%dma_start3A_235 : memref<128xi32, #tpu.memory_space<vmem>>) semaphore(%run_scoped3A_229 : memref<!tpu.dma_semaphore, #tpu.memory_space<semaphore_mem>>) {add = true}
        %dma_wait3A_239 = arith.constant 128 : i32
        %dma_wait3A_240 = arith.constant 0 : i32
        %dma_wait3A_241 = tpu.memref_slice %arg11[%dma_wait3A_239, %dma_wait3A_240] : memref<1024x16xf32, #tpu.memory_space<vmem>> -> memref<128x16xf32, #tpu.memory_space<vmem>>
        %dma_wait3A_242 = arith.constant 0 : i32
        %dma_wait3A_243 = tpu.memref_slice %arg9[%run_scoped3A_222, %dma_wait3A_242] : memref<8x128xi32, #tpu.memory_space<vmem>> -> memref<1x128xi32, #tpu.memory_space<vmem>>
        %dma_wait3A_244 = tpu.memref_squeeze %dma_wait3A_243 : memref<1x128xi32, #tpu.memory_space<vmem>> -> memref<128xi32, #tpu.memory_space<vmem>>
        %dma_wait3A_245 = arith.constant 0 : i32
        %dma_wait3A_246 = arith.constant 0 : i32
        %dma_wait3A_247 = tpu.memref_slice %arg12[%dma_wait3A_245, %dma_wait3A_246] : memref<50048x16xf32, #tpu.memory_space<vmem_shared>> -> memref<50048x16xf32, #tpu.memory_space<vmem_shared>>
        tpu.wait_indirect_dma semaphore(%run_scoped3A_229 : memref<!tpu.dma_semaphore, #tpu.memory_space<semaphore_mem>>) src(%dma_wait3A_241 : memref<128x16xf32, #tpu.memory_space<vmem>>) dst(%dma_wait3A_247 : memref<50048x16xf32, #tpu.memory_space<vmem_shared>>)
        tpu.yield
      }) : () -> ()
      %run_scoped3A_223 = arith.constant 2 : i32
      "tpu.region"() ({
        %run_scoped3A_229 = tpu.sem_alloc : memref<!tpu.dma_semaphore, #tpu.memory_space<semaphore_mem>>
        %dma_start3A_230 = arith.constant 256 : i32
        %dma_start3A_231 = arith.constant 0 : i32
        %dma_start3A_232 = tpu.memref_slice %arg11[%dma_start3A_230, %dma_start3A_231] : memref<1024x16xf32, #tpu.memory_space<vmem>> -> memref<128x16xf32, #tpu.memory_space<vmem>>
        %dma_start3A_233 = arith.constant 0 : i32
        %dma_start3A_234 = tpu.memref_slice %arg9[%run_scoped3A_223, %dma_start3A_233] : memref<8x128xi32, #tpu.memory_space<vmem>> -> memref<1x128xi32, #tpu.memory_space<vmem>>
        %dma_start3A_235 = tpu.memref_squeeze %dma_start3A_234 : memref<1x128xi32, #tpu.memory_space<vmem>> -> memref<128xi32, #tpu.memory_space<vmem>>
        %dma_start3A_236 = arith.constant 0 : i32
        %dma_start3A_237 = arith.constant 0 : i32
        %dma_start3A_238 = tpu.memref_slice %arg12[%dma_start3A_236, %dma_start3A_237] : memref<50048x16xf32, #tpu.memory_space<vmem_shared>> -> memref<50048x16xf32, #tpu.memory_space<vmem_shared>>
        tpu.enqueue_indirect_dma source(%dma_start3A_232 : memref<128x16xf32, #tpu.memory_space<vmem>>) target(%dma_start3A_238 : memref<50048x16xf32, #tpu.memory_space<vmem_shared>>) offsets(%dma_start3A_235 : memref<128xi32, #tpu.memory_space<vmem>>) semaphore(%run_scoped3A_229 : memref<!tpu.dma_semaphore, #tpu.memory_space<semaphore_mem>>) {add = true}
        %dma_wait3A_239 = arith.constant 256 : i32
        %dma_wait3A_240 = arith.constant 0 : i32
        %dma_wait3A_241 = tpu.memref_slice %arg11[%dma_wait3A_239, %dma_wait3A_240] : memref<1024x16xf32, #tpu.memory_space<vmem>> -> memref<128x16xf32, #tpu.memory_space<vmem>>
        %dma_wait3A_242 = arith.constant 0 : i32
        %dma_wait3A_243 = tpu.memref_slice %arg9[%run_scoped3A_223, %dma_wait3A_242] : memref<8x128xi32, #tpu.memory_space<vmem>> -> memref<1x128xi32, #tpu.memory_space<vmem>>
        %dma_wait3A_244 = tpu.memref_squeeze %dma_wait3A_243 : memref<1x128xi32, #tpu.memory_space<vmem>> -> memref<128xi32, #tpu.memory_space<vmem>>
        %dma_wait3A_245 = arith.constant 0 : i32
        %dma_wait3A_246 = arith.constant 0 : i32
        %dma_wait3A_247 = tpu.memref_slice %arg12[%dma_wait3A_245, %dma_wait3A_246] : memref<50048x16xf32, #tpu.memory_space<vmem_shared>> -> memref<50048x16xf32, #tpu.memory_space<vmem_shared>>
        tpu.wait_indirect_dma semaphore(%run_scoped3A_229 : memref<!tpu.dma_semaphore, #tpu.memory_space<semaphore_mem>>) src(%dma_wait3A_241 : memref<128x16xf32, #tpu.memory_space<vmem>>) dst(%dma_wait3A_247 : memref<50048x16xf32, #tpu.memory_space<vmem_shared>>)
        tpu.yield
      }) : () -> ()
      %run_scoped3A_224 = arith.constant 3 : i32
      "tpu.region"() ({
        %run_scoped3A_229 = tpu.sem_alloc : memref<!tpu.dma_semaphore, #tpu.memory_space<semaphore_mem>>
        %dma_start3A_230 = arith.constant 384 : i32
        %dma_start3A_231 = arith.constant 0 : i32
        %dma_start3A_232 = tpu.memref_slice %arg11[%dma_start3A_230, %dma_start3A_231] : memref<1024x16xf32, #tpu.memory_space<vmem>> -> memref<128x16xf32, #tpu.memory_space<vmem>>
        %dma_start3A_233 = arith.constant 0 : i32
        %dma_start3A_234 = tpu.memref_slice %arg9[%run_scoped3A_224, %dma_start3A_233] : memref<8x128xi32, #tpu.memory_space<vmem>> -> memref<1x128xi32, #tpu.memory_space<vmem>>
        %dma_start3A_235 = tpu.memref_squeeze %dma_start3A_234 : memref<1x128xi32, #tpu.memory_space<vmem>> -> memref<128xi32, #tpu.memory_space<vmem>>
        %dma_start3A_236 = arith.constant 0 : i32
        %dma_start3A_237 = arith.constant 0 : i32
        %dma_start3A_238 = tpu.memref_slice %arg12[%dma_start3A_236, %dma_start3A_237] : memref<50048x16xf32, #tpu.memory_space<vmem_shared>> -> memref<50048x16xf32, #tpu.memory_space<vmem_shared>>
        tpu.enqueue_indirect_dma source(%dma_start3A_232 : memref<128x16xf32, #tpu.memory_space<vmem>>) target(%dma_start3A_238 : memref<50048x16xf32, #tpu.memory_space<vmem_shared>>) offsets(%dma_start3A_235 : memref<128xi32, #tpu.memory_space<vmem>>) semaphore(%run_scoped3A_229 : memref<!tpu.dma_semaphore, #tpu.memory_space<semaphore_mem>>) {add = true}
        %dma_wait3A_239 = arith.constant 384 : i32
        %dma_wait3A_240 = arith.constant 0 : i32
        %dma_wait3A_241 = tpu.memref_slice %arg11[%dma_wait3A_239, %dma_wait3A_240] : memref<1024x16xf32, #tpu.memory_space<vmem>> -> memref<128x16xf32, #tpu.memory_space<vmem>>
        %dma_wait3A_242 = arith.constant 0 : i32
        %dma_wait3A_243 = tpu.memref_slice %arg9[%run_scoped3A_224, %dma_wait3A_242] : memref<8x128xi32, #tpu.memory_space<vmem>> -> memref<1x128xi32, #tpu.memory_space<vmem>>
        %dma_wait3A_244 = tpu.memref_squeeze %dma_wait3A_243 : memref<1x128xi32, #tpu.memory_space<vmem>> -> memref<128xi32, #tpu.memory_space<vmem>>
        %dma_wait3A_245 = arith.constant 0 : i32
        %dma_wait3A_246 = arith.constant 0 : i32
        %dma_wait3A_247 = tpu.memref_slice %arg12[%dma_wait3A_245, %dma_wait3A_246] : memref<50048x16xf32, #tpu.memory_space<vmem_shared>> -> memref<50048x16xf32, #tpu.memory_space<vmem_shared>>
        tpu.wait_indirect_dma semaphore(%run_scoped3A_229 : memref<!tpu.dma_semaphore, #tpu.memory_space<semaphore_mem>>) src(%dma_wait3A_241 : memref<128x16xf32, #tpu.memory_space<vmem>>) dst(%dma_wait3A_247 : memref<50048x16xf32, #tpu.memory_space<vmem_shared>>)
        tpu.yield
      }) : () -> ()
      %run_scoped3A_225 = arith.constant 4 : i32
      "tpu.region"() ({
        %run_scoped3A_229 = tpu.sem_alloc : memref<!tpu.dma_semaphore, #tpu.memory_space<semaphore_mem>>
        %dma_start3A_230 = arith.constant 512 : i32
        %dma_start3A_231 = arith.constant 0 : i32
        %dma_start3A_232 = tpu.memref_slice %arg11[%dma_start3A_230, %dma_start3A_231] : memref<1024x16xf32, #tpu.memory_space<vmem>> -> memref<128x16xf32, #tpu.memory_space<vmem>>
        %dma_start3A_233 = arith.constant 0 : i32
        %dma_start3A_234 = tpu.memref_slice %arg9[%run_scoped3A_225, %dma_start3A_233] : memref<8x128xi32, #tpu.memory_space<vmem>> -> memref<1x128xi32, #tpu.memory_space<vmem>>
        %dma_start3A_235 = tpu.memref_squeeze %dma_start3A_234 : memref<1x128xi32, #tpu.memory_space<vmem>> -> memref<128xi32, #tpu.memory_space<vmem>>
        %dma_start3A_236 = arith.constant 0 : i32
        %dma_start3A_237 = arith.constant 0 : i32
        %dma_start3A_238 = tpu.memref_slice %arg12[%dma_start3A_236, %dma_start3A_237] : memref<50048x16xf32, #tpu.memory_space<vmem_shared>> -> memref<50048x16xf32, #tpu.memory_space<vmem_shared>>
        tpu.enqueue_indirect_dma source(%dma_start3A_232 : memref<128x16xf32, #tpu.memory_space<vmem>>) target(%dma_start3A_238 : memref<50048x16xf32, #tpu.memory_space<vmem_shared>>) offsets(%dma_start3A_235 : memref<128xi32, #tpu.memory_space<vmem>>) semaphore(%run_scoped3A_229 : memref<!tpu.dma_semaphore, #tpu.memory_space<semaphore_mem>>) {add = true}
        %dma_wait3A_239 = arith.constant 512 : i32
        %dma_wait3A_240 = arith.constant 0 : i32
        %dma_wait3A_241 = tpu.memref_slice %arg11[%dma_wait3A_239, %dma_wait3A_240] : memref<1024x16xf32, #tpu.memory_space<vmem>> -> memref<128x16xf32, #tpu.memory_space<vmem>>
        %dma_wait3A_242 = arith.constant 0 : i32
        %dma_wait3A_243 = tpu.memref_slice %arg9[%run_scoped3A_225, %dma_wait3A_242] : memref<8x128xi32, #tpu.memory_space<vmem>> -> memref<1x128xi32, #tpu.memory_space<vmem>>
        %dma_wait3A_244 = tpu.memref_squeeze %dma_wait3A_243 : memref<1x128xi32, #tpu.memory_space<vmem>> -> memref<128xi32, #tpu.memory_space<vmem>>
        %dma_wait3A_245 = arith.constant 0 : i32
        %dma_wait3A_246 = arith.constant 0 : i32
        %dma_wait3A_247 = tpu.memref_slice %arg12[%dma_wait3A_245, %dma_wait3A_246] : memref<50048x16xf32, #tpu.memory_space<vmem_shared>> -> memref<50048x16xf32, #tpu.memory_space<vmem_shared>>
        tpu.wait_indirect_dma semaphore(%run_scoped3A_229 : memref<!tpu.dma_semaphore, #tpu.memory_space<semaphore_mem>>) src(%dma_wait3A_241 : memref<128x16xf32, #tpu.memory_space<vmem>>) dst(%dma_wait3A_247 : memref<50048x16xf32, #tpu.memory_space<vmem_shared>>)
        tpu.yield
      }) : () -> ()
      %run_scoped3A_226 = arith.constant 5 : i32
      "tpu.region"() ({
        %run_scoped3A_229 = tpu.sem_alloc : memref<!tpu.dma_semaphore, #tpu.memory_space<semaphore_mem>>
        %dma_start3A_230 = arith.constant 640 : i32
        %dma_start3A_231 = arith.constant 0 : i32
        %dma_start3A_232 = tpu.memref_slice %arg11[%dma_start3A_230, %dma_start3A_231] : memref<1024x16xf32, #tpu.memory_space<vmem>> -> memref<128x16xf32, #tpu.memory_space<vmem>>
        %dma_start3A_233 = arith.constant 0 : i32
        %dma_start3A_234 = tpu.memref_slice %arg9[%run_scoped3A_226, %dma_start3A_233] : memref<8x128xi32, #tpu.memory_space<vmem>> -> memref<1x128xi32, #tpu.memory_space<vmem>>
        %dma_start3A_235 = tpu.memref_squeeze %dma_start3A_234 : memref<1x128xi32, #tpu.memory_space<vmem>> -> memref<128xi32, #tpu.memory_space<vmem>>
        %dma_start3A_236 = arith.constant 0 : i32
        %dma_start3A_237 = arith.constant 0 : i32
        %dma_start3A_238 = tpu.memref_slice %arg12[%dma_start3A_236, %dma_start3A_237] : memref<50048x16xf32, #tpu.memory_space<vmem_shared>> -> memref<50048x16xf32, #tpu.memory_space<vmem_shared>>
        tpu.enqueue_indirect_dma source(%dma_start3A_232 : memref<128x16xf32, #tpu.memory_space<vmem>>) target(%dma_start3A_238 : memref<50048x16xf32, #tpu.memory_space<vmem_shared>>) offsets(%dma_start3A_235 : memref<128xi32, #tpu.memory_space<vmem>>) semaphore(%run_scoped3A_229 : memref<!tpu.dma_semaphore, #tpu.memory_space<semaphore_mem>>) {add = true}
        %dma_wait3A_239 = arith.constant 640 : i32
        %dma_wait3A_240 = arith.constant 0 : i32
        %dma_wait3A_241 = tpu.memref_slice %arg11[%dma_wait3A_239, %dma_wait3A_240] : memref<1024x16xf32, #tpu.memory_space<vmem>> -> memref<128x16xf32, #tpu.memory_space<vmem>>
        %dma_wait3A_242 = arith.constant 0 : i32
        %dma_wait3A_243 = tpu.memref_slice %arg9[%run_scoped3A_226, %dma_wait3A_242] : memref<8x128xi32, #tpu.memory_space<vmem>> -> memref<1x128xi32, #tpu.memory_space<vmem>>
        %dma_wait3A_244 = tpu.memref_squeeze %dma_wait3A_243 : memref<1x128xi32, #tpu.memory_space<vmem>> -> memref<128xi32, #tpu.memory_space<vmem>>
        %dma_wait3A_245 = arith.constant 0 : i32
        %dma_wait3A_246 = arith.constant 0 : i32
        %dma_wait3A_247 = tpu.memref_slice %arg12[%dma_wait3A_245, %dma_wait3A_246] : memref<50048x16xf32, #tpu.memory_space<vmem_shared>> -> memref<50048x16xf32, #tpu.memory_space<vmem_shared>>
        tpu.wait_indirect_dma semaphore(%run_scoped3A_229 : memref<!tpu.dma_semaphore, #tpu.memory_space<semaphore_mem>>) src(%dma_wait3A_241 : memref<128x16xf32, #tpu.memory_space<vmem>>) dst(%dma_wait3A_247 : memref<50048x16xf32, #tpu.memory_space<vmem_shared>>)
        tpu.yield
      }) : () -> ()
      %run_scoped3A_227 = arith.constant 6 : i32
      "tpu.region"() ({
        %run_scoped3A_229 = tpu.sem_alloc : memref<!tpu.dma_semaphore, #tpu.memory_space<semaphore_mem>>
        %dma_start3A_230 = arith.constant 768 : i32
        %dma_start3A_231 = arith.constant 0 : i32
        %dma_start3A_232 = tpu.memref_slice %arg11[%dma_start3A_230, %dma_start3A_231] : memref<1024x16xf32, #tpu.memory_space<vmem>> -> memref<128x16xf32, #tpu.memory_space<vmem>>
        %dma_start3A_233 = arith.constant 0 : i32
        %dma_start3A_234 = tpu.memref_slice %arg9[%run_scoped3A_227, %dma_start3A_233] : memref<8x128xi32, #tpu.memory_space<vmem>> -> memref<1x128xi32, #tpu.memory_space<vmem>>
        %dma_start3A_235 = tpu.memref_squeeze %dma_start3A_234 : memref<1x128xi32, #tpu.memory_space<vmem>> -> memref<128xi32, #tpu.memory_space<vmem>>
        %dma_start3A_236 = arith.constant 0 : i32
        %dma_start3A_237 = arith.constant 0 : i32
        %dma_start3A_238 = tpu.memref_slice %arg12[%dma_start3A_236, %dma_start3A_237] : memref<50048x16xf32, #tpu.memory_space<vmem_shared>> -> memref<50048x16xf32, #tpu.memory_space<vmem_shared>>
        tpu.enqueue_indirect_dma source(%dma_start3A_232 : memref<128x16xf32, #tpu.memory_space<vmem>>) target(%dma_start3A_238 : memref<50048x16xf32, #tpu.memory_space<vmem_shared>>) offsets(%dma_start3A_235 : memref<128xi32, #tpu.memory_space<vmem>>) semaphore(%run_scoped3A_229 : memref<!tpu.dma_semaphore, #tpu.memory_space<semaphore_mem>>) {add = true}
        %dma_wait3A_239 = arith.constant 768 : i32
        %dma_wait3A_240 = arith.constant 0 : i32
        %dma_wait3A_241 = tpu.memref_slice %arg11[%dma_wait3A_239, %dma_wait3A_240] : memref<1024x16xf32, #tpu.memory_space<vmem>> -> memref<128x16xf32, #tpu.memory_space<vmem>>
        %dma_wait3A_242 = arith.constant 0 : i32
        %dma_wait3A_243 = tpu.memref_slice %arg9[%run_scoped3A_227, %dma_wait3A_242] : memref<8x128xi32, #tpu.memory_space<vmem>> -> memref<1x128xi32, #tpu.memory_space<vmem>>
        %dma_wait3A_244 = tpu.memref_squeeze %dma_wait3A_243 : memref<1x128xi32, #tpu.memory_space<vmem>> -> memref<128xi32, #tpu.memory_space<vmem>>
        %dma_wait3A_245 = arith.constant 0 : i32
        %dma_wait3A_246 = arith.constant 0 : i32
        %dma_wait3A_247 = tpu.memref_slice %arg12[%dma_wait3A_245, %dma_wait3A_246] : memref<50048x16xf32, #tpu.memory_space<vmem_shared>> -> memref<50048x16xf32, #tpu.memory_space<vmem_shared>>
        tpu.wait_indirect_dma semaphore(%run_scoped3A_229 : memref<!tpu.dma_semaphore, #tpu.memory_space<semaphore_mem>>) src(%dma_wait3A_241 : memref<128x16xf32, #tpu.memory_space<vmem>>) dst(%dma_wait3A_247 : memref<50048x16xf32, #tpu.memory_space<vmem_shared>>)
        tpu.yield
      }) : () -> ()
      %run_scoped3A_228 = arith.constant 7 : i32
      "tpu.region"() ({
        %run_scoped3A_229 = tpu.sem_alloc : memref<!tpu.dma_semaphore, #tpu.memory_space<semaphore_mem>>
        %dma_start3A_230 = arith.constant 896 : i32
        %dma_start3A_231 = arith.constant 0 : i32
        %dma_start3A_232 = tpu.memref_slice %arg11[%dma_start3A_230, %dma_start3A_231] : memref<1024x16xf32, #tpu.memory_space<vmem>> -> memref<128x16xf32, #tpu.memory_space<vmem>>
        %dma_start3A_233 = arith.constant 0 : i32
        %dma_start3A_234 = tpu.memref_slice %arg9[%run_scoped3A_228, %dma_start3A_233] : memref<8x128xi32, #tpu.memory_space<vmem>> -> memref<1x128xi32, #tpu.memory_space<vmem>>
        %dma_start3A_235 = tpu.memref_squeeze %dma_start3A_234 : memref<1x128xi32, #tpu.memory_space<vmem>> -> memref<128xi32, #tpu.memory_space<vmem>>
        %dma_start3A_236 = arith.constant 0 : i32
        %dma_start3A_237 = arith.constant 0 : i32
        %dma_start3A_238 = tpu.memref_slice %arg12[%dma_start3A_236, %dma_start3A_237] : memref<50048x16xf32, #tpu.memory_space<vmem_shared>> -> memref<50048x16xf32, #tpu.memory_space<vmem_shared>>
        tpu.enqueue_indirect_dma source(%dma_start3A_232 : memref<128x16xf32, #tpu.memory_space<vmem>>) target(%dma_start3A_238 : memref<50048x16xf32, #tpu.memory_space<vmem_shared>>) offsets(%dma_start3A_235 : memref<128xi32, #tpu.memory_space<vmem>>) semaphore(%run_scoped3A_229 : memref<!tpu.dma_semaphore, #tpu.memory_space<semaphore_mem>>) {add = true}
        %dma_wait3A_239 = arith.constant 896 : i32
        %dma_wait3A_240 = arith.constant 0 : i32
        %dma_wait3A_241 = tpu.memref_slice %arg11[%dma_wait3A_239, %dma_wait3A_240] : memref<1024x16xf32, #tpu.memory_space<vmem>> -> memref<128x16xf32, #tpu.memory_space<vmem>>
        %dma_wait3A_242 = arith.constant 0 : i32
        %dma_wait3A_243 = tpu.memref_slice %arg9[%run_scoped3A_228, %dma_wait3A_242] : memref<8x128xi32, #tpu.memory_space<vmem>> -> memref<1x128xi32, #tpu.memory_space<vmem>>
        %dma_wait3A_244 = tpu.memref_squeeze %dma_wait3A_243 : memref<1x128xi32, #tpu.memory_space<vmem>> -> memref<128xi32, #tpu.memory_space<vmem>>
        %dma_wait3A_245 = arith.constant 0 : i32
        %dma_wait3A_246 = arith.constant 0 : i32
        %dma_wait3A_247 = tpu.memref_slice %arg12[%dma_wait3A_245, %dma_wait3A_246] : memref<50048x16xf32, #tpu.memory_space<vmem_shared>> -> memref<50048x16xf32, #tpu.memory_space<vmem_shared>>
        tpu.wait_indirect_dma semaphore(%run_scoped3A_229 : memref<!tpu.dma_semaphore, #tpu.memory_space<semaphore_mem>>) src(%dma_wait3A_241 : memref<128x16xf32, #tpu.memory_space<vmem>>) dst(%dma_wait3A_247 : memref<50048x16xf32, #tpu.memory_space<vmem_shared>>)
        tpu.yield
      }) : () -> ()
    }
    %scan3A_7 = arith.constant 25 : i32
    %barrier3A_8 = arith.constant 0 : index
    tpu.barrier barrier_id(%barrier3A_8)
    "tpu.region"() ({
      %run_scoped3A = tpu.sem_alloc : memref<!tpu.dma_semaphore, #tpu.memory_space<semaphore_mem>>
      %dma_start3A = arith.constant 0 : i32
      %dma_start3A_9 = tpu.memref_slice %arg7[%arg0, %multiple_of3A, %dma_start3A] : memref<2x50048x16xf32, #tpu.memory_space<hbm>> -> memref<1x3128x16xf32, #tpu.memory_space<hbm>>
      %dma_start3A_10 = tpu.memref_squeeze %dma_start3A_9 : memref<1x3128x16xf32, #tpu.memory_space<hbm>> -> memref<3128x16xf32, #tpu.memory_space<hbm>>
      %dma_start3A_11 = arith.constant 0 : i32
      %dma_start3A_12 = tpu.memref_slice %arg12[%multiple_of3A, %dma_start3A_11] : memref<50048x16xf32, #tpu.memory_space<vmem_shared>> -> memref<3128x16xf32, #tpu.memory_space<vmem_shared>>
      tpu.enqueue_dma source(%dma_start3A_12 : memref<3128x16xf32, #tpu.memory_space<vmem_shared>>) target(%dma_start3A_10 : memref<3128x16xf32, #tpu.memory_space<hbm>>) target_semaphore(%run_scoped3A : memref<!tpu.dma_semaphore, #tpu.memory_space<semaphore_mem>>)
      %dma_wait3A = arith.constant 0 : i32
      %dma_wait3A_13 = tpu.memref_slice %arg7[%arg0, %multiple_of3A, %dma_wait3A] : memref<2x50048x16xf32, #tpu.memory_space<hbm>> -> memref<1x3128x16xf32, #tpu.memory_space<hbm>>
      %dma_wait3A_14 = tpu.memref_squeeze %dma_wait3A_13 : memref<1x3128x16xf32, #tpu.memory_space<hbm>> -> memref<3128x16xf32, #tpu.memory_space<hbm>>
      %dma_wait3A_15 = arith.constant 0 : i32
      %dma_wait3A_16 = tpu.memref_slice %arg12[%multiple_of3A, %dma_wait3A_15] : memref<50048x16xf32, #tpu.memory_space<vmem_shared>> -> memref<3128x16xf32, #tpu.memory_space<vmem_shared>>
      tpu.wait_dma2 semaphore(%run_scoped3A : memref<!tpu.dma_semaphore, #tpu.memory_space<semaphore_mem>>) src(%dma_wait3A_16 : memref<3128x16xf32, #tpu.memory_space<vmem_shared>>) dst(%dma_wait3A_14 : memref<3128x16xf32, #tpu.memory_space<hbm>>)
      tpu.yield
    }) : () -> ()
    return
  }
}

module attributes {stable_mosaic.version = 14 : i64} {
  func.func @_g1_body(%arg0: i32, %arg1: memref<2x3128x16xf32, #tpu.memory_space<vmem>>, %arg2: memref<3128x16xf32, #tpu.memory_space<vmem>>, %arg3: memref<3128x16xf32, #tpu.memory_space<vmem>>, %arg4: memref<3128x16xf32, #tpu.memory_space<vmem>>) attributes {dimension_semantics = [#tpu.dimension_semantics<arbitrary>], iteration_bounds = array<i64: 16>, scalar_prefetch = 0 : i64, scratch_operands = 0 : i64, tpu.core_type = #tpu.core_type<tc>, window_params = [{transform_indices = @transform_0, window_bounds = array<i64: 2, 3128, 16>}, {transform_indices = @transform_1, window_bounds = array<i64: 3128, 16>}, {transform_indices = @transform_2, window_bounds = array<i64: 3128, 16>}, {transform_indices = @transform_3, window_bounds = array<i64: 3128, 16>}]} {
    %get3A = arith.constant 0 : index
    %get3A_0 = arith.constant 0 : index
    %get3A_1 = arith.constant 0 : index
    %get3A_2 = vector.load %arg1[%get3A, %get3A_0, %get3A_1] : memref<2x3128x16xf32, #tpu.memory_space<vmem>>, vector<1x3128x16xf32>
    %get3A_3 = vector.shape_cast %get3A_2 : vector<1x3128x16xf32> to vector<3128x16xf32>
    %get3A_4 = arith.constant 1 : index
    %get3A_5 = arith.constant 0 : index
    %get3A_6 = arith.constant 0 : index
    %get3A_7 = vector.load %arg1[%get3A_4, %get3A_5, %get3A_6] : memref<2x3128x16xf32, #tpu.memory_space<vmem>>, vector<1x3128x16xf32>
    %get3A_8 = vector.shape_cast %get3A_7 : vector<1x3128x16xf32> to vector<3128x16xf32>
    %add3A = arith.addf %get3A_3, %get3A_8 : vector<3128x16xf32>
    %get3A_9 = arith.constant 0 : index
    %get3A_10 = arith.constant 0 : index
    %get3A_11 = vector.load %arg2[%get3A_9, %get3A_10] : memref<3128x16xf32, #tpu.memory_space<vmem>>, vector<3128x16xf32>
    %add3A_12 = arith.addf %add3A, %get3A_11 : vector<3128x16xf32>
    %slice3A = vector.extract_strided_slice %add3A {offsets = [0, 12], sizes = [3128, 1], strides = [1, 1]} : vector<3128x16xf32> to vector<3128x1xf32>
    %get3A_13 = arith.constant 0 : index
    %get3A_14 = arith.constant 0 : index
    %get3A_15 = vector.load %arg3[%get3A_13, %get3A_14] : memref<3128x16xf32, #tpu.memory_space<vmem>>, vector<3128x16xf32>
    %mul3A = vector.broadcast %slice3A : vector<3128x1xf32> to vector<3128x16xf32>
    %mul3A_16 = arith.mulf %mul3A, %get3A_15 : vector<3128x16xf32>
    %add3A_17 = arith.addf %add3A_12, %mul3A_16 : vector<3128x16xf32>
    %swap3A = arith.constant 0 : index
    %swap3A_18 = arith.constant 0 : index
    %swap3A_19 = vector.load %arg4[%swap3A, %swap3A_18] : memref<3128x16xf32, #tpu.memory_space<vmem>>, vector<3128x16xf32>
    tpu.vector_store %arg4[%swap3A, %swap3A_18], %add3A_17 {strides = array<i32>} : memref<3128x16xf32, #tpu.memory_space<vmem>>, vector<3128x16xf32>,
    return
  }
  func.func @transform_0(%arg0: i32) -> (i32, i32, i32) {
    %c0_i32 = arith.constant 0 : i32
    %c0_i32_0 = arith.constant 0 : i32
    %c0_i32_1 = arith.constant 0 : i32
    return %c0_i32, %arg0, %c0_i32_0 : i32, i32, i32
  }
  func.func @transform_1(%arg0: i32) -> (i32, i32) {
    %c0_i32 = arith.constant 0 : i32
    %c0_i32_0 = arith.constant 0 : i32
    return %arg0, %c0_i32 : i32, i32
  }
  func.func @transform_2(%arg0: i32) -> (i32, i32) {
    %c0_i32 = arith.constant 0 : i32
    %c0_i32_0 = arith.constant 0 : i32
    return %arg0, %c0_i32 : i32, i32
  }
  func.func @transform_3(%arg0: i32) -> (i32, i32) {
    %c0_i32 = arith.constant 0 : i32
    %c0_i32_0 = arith.constant 0 : i32
    return %arg0, %c0_i32 : i32, i32
  }
}

module attributes {stable_mosaic.version = 14 : i64} {
  func.func @_q2_body(%arg0: i32, %arg1: memref<2x3128x16xf32, #tpu.memory_space<vmem>>, %arg2: memref<3128x16xf32, #tpu.memory_space<vmem>>, %arg3: memref<16x64xf32, #tpu.memory_space<vmem>>, %arg4: memref<16x64xf32, #tpu.memory_space<vmem>>, %arg5: memref<16x64xf32, #tpu.memory_space<vmem>>, %arg6: memref<3128x64xf32, #tpu.memory_space<vmem>>) attributes {dimension_semantics = [#tpu.dimension_semantics<arbitrary>], iteration_bounds = array<i64: 16>, scalar_prefetch = 0 : i64, scratch_operands = 0 : i64, tpu.core_type = #tpu.core_type<tc>, window_params = [{transform_indices = @transform_0, window_bounds = array<i64: 2, 3128, 16>}, {transform_indices = @transform_1, window_bounds = array<i64: 3128, 16>}, {pipeline_mode = #tpu.pipeline_mode<synchronous>, transform_indices = @transform_2, window_bounds = array<i64: 16, 64>}, {pipeline_mode = #tpu.pipeline_mode<synchronous>, transform_indices = @transform_3, window_bounds = array<i64: 16, 64>}, {pipeline_mode = #tpu.pipeline_mode<synchronous>, transform_indices = @transform_4, window_bounds = array<i64: 16, 64>}, {transform_indices = @transform_5, window_bounds = array<i64: 3128, 64>}]} {
    %get3A = arith.constant 0 : index
    %get3A_0 = arith.constant 0 : index
    %get3A_1 = arith.constant 0 : index
    %get3A_2 = vector.load %arg1[%get3A, %get3A_0, %get3A_1] : memref<2x3128x16xf32, #tpu.memory_space<vmem>>, vector<1x3128x16xf32>
    %get3A_3 = vector.shape_cast %get3A_2 : vector<1x3128x16xf32> to vector<3128x16xf32>
    %get3A_4 = arith.constant 1 : index
    %get3A_5 = arith.constant 0 : index
    %get3A_6 = arith.constant 0 : index
    %get3A_7 = vector.load %arg1[%get3A_4, %get3A_5, %get3A_6] : memref<2x3128x16xf32, #tpu.memory_space<vmem>>, vector<1x3128x16xf32>
    %get3A_8 = vector.shape_cast %get3A_7 : vector<1x3128x16xf32> to vector<3128x16xf32>
    %add3A = arith.addf %get3A_3, %get3A_8 : vector<3128x16xf32>
    %get3A_9 = arith.constant 0 : index
    %get3A_10 = arith.constant 0 : index
    %get3A_11 = vector.load %arg2[%get3A_9, %get3A_10] : memref<3128x16xf32, #tpu.memory_space<vmem>>, vector<3128x16xf32>
    %get3A_12 = arith.constant 0 : index
    %get3A_13 = arith.constant 0 : index
    %get3A_14 = vector.load %arg3[%get3A_12, %get3A_13] : memref<16x64xf32, #tpu.memory_space<vmem>>, vector<16x64xf32>
    %dot_general3A = arith.constant dense<0.000000e+00> : vector<3128x64xf32>
    %dot_general3A_15 = tpu.matmul %add3A, %get3A_14, %dot_general3A {dimension_numbers = #tpu.dot_dimension_numbers<[1], [0], [0], [1], [0, 0, 1, 1], [], []>, transpose_lhs_hint = false} : vector<3128x16xf32>, vector<16x64xf32>, vector<3128x64xf32> -> vector<3128x64xf32>
    %get3A_16 = arith.constant 0 : index
    %get3A_17 = arith.constant 0 : index
    %get3A_18 = vector.load %arg4[%get3A_16, %get3A_17] : memref<16x64xf32, #tpu.memory_space<vmem>>, vector<16x64xf32>
    %dot_general3A_19 = arith.constant dense<0.000000e+00> : vector<3128x64xf32>
    %dot_general3A_20 = tpu.matmul %get3A_11, %get3A_18, %dot_general3A_19 {dimension_numbers = #tpu.dot_dimension_numbers<[1], [0], [0], [1], [0, 0, 1, 1], [], []>, transpose_lhs_hint = false} : vector<3128x16xf32>, vector<16x64xf32>, vector<3128x64xf32> -> vector<3128x64xf32>
    %add3A_21 = arith.addf %dot_general3A_15, %dot_general3A_20 : vector<3128x64xf32>
    %slice3A = vector.extract_strided_slice %get3A_11 {offsets = [0, 12], sizes = [3128, 1], strides = [1, 1]} : vector<3128x16xf32> to vector<3128x1xf32>
    %mul3A = vector.broadcast %slice3A : vector<3128x1xf32> to vector<3128x16xf32>
    %mul3A_22 = arith.mulf %get3A_11, %mul3A : vector<3128x16xf32>
    %get3A_23 = arith.constant 0 : index
    %get3A_24 = arith.constant 0 : index
    %get3A_25 = vector.load %arg5[%get3A_23, %get3A_24] : memref<16x64xf32, #tpu.memory_space<vmem>>, vector<16x64xf32>
    %dot_general3A_26 = arith.constant dense<0.000000e+00> : vector<3128x64xf32>
    %dot_general3A_27 = tpu.matmul %mul3A_22, %get3A_25, %dot_general3A_26 {dimension_numbers = #tpu.dot_dimension_numbers<[1], [0], [0], [1], [0, 0, 1, 1], [], []>, transpose_lhs_hint = false} : vector<3128x16xf32>, vector<16x64xf32>, vector<3128x64xf32> -> vector<3128x64xf32>
    %add3A_28 = arith.addf %add3A_21, %dot_general3A_27 : vector<3128x64xf32>
    %swap3A = arith.constant 0 : index
    %swap3A_29 = arith.constant 0 : index
    %swap3A_30 = vector.load %arg6[%swap3A, %swap3A_29] : memref<3128x64xf32, #tpu.memory_space<vmem>>, vector<3128x64xf32>
    tpu.vector_store %arg6[%swap3A, %swap3A_29], %add3A_28 {strides = array<i32>} : memref<3128x64xf32, #tpu.memory_space<vmem>>, vector<3128x64xf32>,
    return
  }
  func.func @transform_0(%arg0: i32) -> (i32, i32, i32) {
    %c0_i32 = arith.constant 0 : i32
    %c0_i32_0 = arith.constant 0 : i32
    %c0_i32_1 = arith.constant 0 : i32
    return %c0_i32, %arg0, %c0_i32_0 : i32, i32, i32
  }
  func.func @transform_1(%arg0: i32) -> (i32, i32) {
    %c0_i32 = arith.constant 0 : i32
    %c0_i32_0 = arith.constant 0 : i32
    return %arg0, %c0_i32 : i32, i32
  }
  func.func @transform_2(%arg0: i32) -> (i32, i32) {
    %c0_i32 = arith.constant 0 : i32
    %c0_i32_0 = arith.constant 0 : i32
    %c0_i32_1 = arith.constant 0 : i32
    return %c0_i32, %c0_i32_0 : i32, i32
  }
  func.func @transform_3(%arg0: i32) -> (i32, i32) {
    %c0_i32 = arith.constant 0 : i32
    %c0_i32_0 = arith.constant 0 : i32
    %c0_i32_1 = arith.constant 0 : i32
    return %c0_i32, %c0_i32_0 : i32, i32
  }
  func.func @transform_4(%arg0: i32) -> (i32, i32) {
    %c0_i32 = arith.constant 0 : i32
    %c0_i32_0 = arith.constant 0 : i32
    %c0_i32_1 = arith.constant 0 : i32
    return %c0_i32, %c0_i32_0 : i32, i32
  }
  func.func @transform_5(%arg0: i32) -> (i32, i32) {
    %c0_i32 = arith.constant 0 : i32
    %c0_i32_0 = arith.constant 0 : i32
    return %arg0, %c0_i32 : i32, i32
  }
}

module attributes {stable_mosaic.version = 14 : i64} {
  func.func @_head_body(%arg0: i32, %arg1: memref<8000x128xf32, #tpu.memory_space<vmem>>, %arg2: memref<128x256xf32, #tpu.memory_space<vmem>>, %arg3: memref<1x256xf32, #tpu.memory_space<vmem>>, %arg4: memref<256x4xf32, #tpu.memory_space<vmem>>, %arg5: memref<1x4xf32, #tpu.memory_space<vmem>>, %arg6: memref<8000x4xf32, #tpu.memory_space<vmem>>) attributes {dimension_semantics = [#tpu.dimension_semantics<arbitrary>], iteration_bounds = array<i64: 100>, scalar_prefetch = 0 : i64, scratch_operands = 0 : i64, tpu.core_type = #tpu.core_type<tc>, window_params = [{transform_indices = @transform_0, window_bounds = array<i64: 8000, 128>}, {pipeline_mode = #tpu.pipeline_mode<synchronous>, transform_indices = @transform_1, window_bounds = array<i64: 128, 256>}, {pipeline_mode = #tpu.pipeline_mode<synchronous>, transform_indices = @transform_2, window_bounds = array<i64: 1, 256>}, {pipeline_mode = #tpu.pipeline_mode<synchronous>, transform_indices = @transform_3, window_bounds = array<i64: 256, 4>}, {pipeline_mode = #tpu.pipeline_mode<synchronous>, transform_indices = @transform_4, window_bounds = array<i64: 1, 4>}, {transform_indices = @transform_5, window_bounds = array<i64: 8000, 4>}]} {
    %get3A = arith.constant 0 : index
    %get3A_0 = arith.constant 0 : index
    %get3A_1 = vector.load %arg1[%get3A, %get3A_0] : memref<8000x128xf32, #tpu.memory_space<vmem>>, vector<8000x128xf32>
    %get3A_2 = arith.constant 0 : index
    %get3A_3 = arith.constant 0 : index
    %get3A_4 = vector.load %arg2[%get3A_2, %get3A_3] : memref<128x256xf32, #tpu.memory_space<vmem>>, vector<128x256xf32>
    %dot_general3A = arith.constant dense<0.000000e+00> : vector<8000x256xf32>
    %dot_general3A_5 = tpu.matmul %get3A_1, %get3A_4, %dot_general3A {dimension_numbers = #tpu.dot_dimension_numbers<[1], [0], [0], [1], [0, 0, 1, 1], [], []>, transpose_lhs_hint = false} : vector<8000x128xf32>, vector<128x256xf32>, vector<8000x256xf32> -> vector<8000x256xf32>
    %get3A_6 = arith.constant 0 : index
    %get3A_7 = arith.constant 0 : index
    %get3A_8 = vector.load %arg3[%get3A_6, %get3A_7] : memref<1x256xf32, #tpu.memory_space<vmem>>, vector<1x256xf32>
    %add3A = vector.broadcast %get3A_8 : vector<1x256xf32> to vector<8000x256xf32>
    %add3A_9 = arith.addf %dot_general3A_5, %add3A : vector<8000x256xf32>
    %max3A = arith.constant 0.000000e+00 : f32
    %max3A_10 = vector.broadcast %max3A : f32 to vector<8000x256xf32>
    %max3A_11 = arith.maximumf %add3A_9, %max3A_10 : vector<8000x256xf32>
    %get3A_12 = arith.constant 0 : index
    %get3A_13 = arith.constant 0 : index
    %get3A_14 = vector.load %arg4[%get3A_12, %get3A_13] : memref<256x4xf32, #tpu.memory_space<vmem>>, vector<256x4xf32>
    %dot_general3A_15 = arith.constant dense<0.000000e+00> : vector<8000x4xf32>
    %dot_general3A_16 = tpu.matmul %max3A_11, %get3A_14, %dot_general3A_15 {dimension_numbers = #tpu.dot_dimension_numbers<[1], [0], [0], [1], [0, 0, 1, 1], [], []>, transpose_lhs_hint = false} : vector<8000x256xf32>, vector<256x4xf32>, vector<8000x4xf32> -> vector<8000x4xf32>
    %get3A_17 = arith.constant 0 : index
    %get3A_18 = arith.constant 0 : index
    %get3A_19 = vector.load %arg5[%get3A_17, %get3A_18] : memref<1x4xf32, #tpu.memory_space<vmem>>, vector<1x4xf32>
    %add3A_20 = vector.broadcast %get3A_19 : vector<1x4xf32> to vector<8000x4xf32>
    %add3A_21 = arith.addf %dot_general3A_16, %add3A_20 : vector<8000x4xf32>
    %swap3A = arith.constant 0 : index
    %swap3A_22 = arith.constant 0 : index
    %swap3A_23 = vector.load %arg6[%swap3A, %swap3A_22] : memref<8000x4xf32, #tpu.memory_space<vmem>>, vector<8000x4xf32>
    tpu.vector_store %arg6[%swap3A, %swap3A_22], %add3A_21 {strides = array<i32>} : memref<8000x4xf32, #tpu.memory_space<vmem>>, vector<8000x4xf32>,
    return
  }
  func.func @transform_0(%arg0: i32) -> (i32, i32) {
    %c0_i32 = arith.constant 0 : i32
    %c0_i32_0 = arith.constant 0 : i32
    return %arg0, %c0_i32 : i32, i32
  }
  func.func @transform_1(%arg0: i32) -> (i32, i32) {
    %c0_i32 = arith.constant 0 : i32
    %c0_i32_0 = arith.constant 0 : i32
    %c0_i32_1 = arith.constant 0 : i32
    return %c0_i32, %c0_i32_0 : i32, i32
  }
  func.func @transform_2(%arg0: i32) -> (i32, i32) {
    %c0_i32 = arith.constant 0 : i32
    %c0_i32_0 = arith.constant 0 : i32
    %c0_i32_1 = arith.constant 0 : i32
    return %c0_i32, %c0_i32_0 : i32, i32
  }
  func.func @transform_3(%arg0: i32) -> (i32, i32) {
    %c0_i32 = arith.constant 0 : i32
    %c0_i32_0 = arith.constant 0 : i32
    %c0_i32_1 = arith.constant 0 : i32
    return %c0_i32, %c0_i32_0 : i32, i32
  }
  func.func @transform_4(%arg0: i32) -> (i32, i32) {
    %c0_i32 = arith.constant 0 : i32
    %c0_i32_0 = arith.constant 0 : i32
    %c0_i32_1 = arith.constant 0 : i32
    return %c0_i32, %c0_i32_0 : i32, i32
  }
  func.func @transform_5(%arg0: i32) -> (i32, i32) {
    %c0_i32 = arith.constant 0 : i32
    %c0_i32_0 = arith.constant 0 : i32
    return %arg0, %c0_i32 : i32, i32
  }
}

</mosaic_0001>

<sc_bundles>
// kernel: kernel.11.cloned.1.call-start
scs
__scs_entry_jumppad:
0x0: {  	(pc) =	sbr.rel $0x88, $3  }
0x1: {  	(tag) =	ssettag $0x0;
	lr =	simm.s32 $0x1  }
0x2: {  	[smem:$0x3F90] =	sst lr;
	_ =	strace $0xD0000000  }
0x3: {  	_ = 	snop  }
0x4: {  	_ = 	snop  }
0x5: {  	_ = 	snop  }
0x6: {  	_ = 	snop  }
0x7: {  	_ = 	snop  }
__scs_overlays_trampoline_lowered:
0x8: {  	[smem:$0x3F9F] =	sst s0  }
0x9: {  	[smem:$0x3FA0] =	sst s1  }
0xa: {  	[smem:$0x3FA1] =	sst s2  }
0xb: {  	[smem:$0x3FA2] =	sst s3  }
0xc: {  	[smem:$0x3FA3] =	sst s4  }
0xd: {  	[smem:$0x3FA4] =	sst s5  }
0xe: {  	[smem:$0x3FA5] =	sst s6  }
0xf: {  	[smem:$0x3FA6] =	sst s7  }
0x10: {  	[smem:$0x3FA7] =	sst s8  }
0x11: {  	[smem:$0x3FA8] =	sst s9;
	s0 =	simm.s32 @!p0 $0x0  }
0x12: {  	s1 =	sld [smem:$0x3F8E];
	s0 =	simm.s32 @p0 $0x1  }
0x13: {  	[smem:$0x3FA9] =	sst s0;
	s0 =	simm.s32 @!p1 $0x0  }
0x14: {  	s2 =	sld [smem:$0x3F8D];
	s0 =	simm.s32 @p1 $0x1  }
0x15: {  	[smem:$0x3FAA] =	sst s0;
	s0 =	simm.s32 @!p2 $0x0  }
0x16: {  	s3 =	sld [smem:$0x3FDB];
	s0 =	simm.s32 @p2 $0x1  }
0x17: {  	s4 =	simm.s32 $0x1BF5;
	[smem:$0x3FAC] =	sst s0  }
0x18: {  	s0 =	sld [smem:$0x3F8F];
	_ =	swait.ge [sflag:s4], $0x0  }
0x19: {  	s7 =	sld [smem:$0x3F90]  }
0x1a: {  	s8 =	sadd.s32 $0xFFFFE003, lr  }
0x1b: {  	s9 =	sadd.s32 $0xFFFFFEF7, lr;
	s5 =	simm.s32 $0xFFFFFFFF;
	p2 =	slt.u32 s8, $0xFFFFF086  }
0x1c: {  	p1 =	slt.u32 s9, $0xF7A;
	s5 =	simm.s32 @!p2 $0x0  }
0x1d: {  	s5 =	simm.s32 @p1 $0x1;
	p0 =	seq.s32 s7, s2  }
0x1e: {  	s7 =	smul.u32 @!p0 $0xF7A, s2;
	p2 =	seq.s32 @!p0 s5, $0x0  }
0x1f: {  	s9 =	smul.u32 $0xF7A, s1;
	s8 =	simm.s32 @!p0 $0x1BF5;
	p2 =	por !p2, p0  }
0x20: {  	[sflag:s8] =	ssyncset.s32 @!p0 $0xFFFFF086;
	s6 =	sadd.s32 @!p0 s3, s7;
	s7 =	simm.s32 @!p0 $0x108  }
0x21: {  	s3 =	sadd.s32 s3, s9;
	s6 =	sadd.s32 @!p0 $0x88, s6;
	s7 =	simm.s32 @p2 $0x1082  }
0x22: {  	[simem:s7], [sflag:s8] =	dma.local @!p0 [hbm:s6], $0xF7A  }
0x23: {  	s9 =	sor.u32 $0xD0000000, s2;
	s6 =	simm.s32 $0x108;
	_ =	swait.ge @!p0 [sflag:s8], $0x0  }
0x24: {  	s3 =	sadd.s32 $0x88, s3;
	s6 =	simm.s32 @!p1 $0x1082;
	[sflag:s4] =	ssyncset.s32 $0xFFFFF086  }
0x25: {  	[simem:s6], [sflag:s4] =	dma.local [hbm:s3], $0xF7A  }
0x26: {  	[smem:$0x3F90] =	sst s1;
	(tag) =	ssettag s2;
	_ =	strace s9  }
0x27: {  	s1 =	sld [smem:$0x3FA0]  }
0x28: {  	s2 =	sld [smem:$0x3FA1]  }
0x29: {  	s4 =	sld [smem:$0x3FA3]  }
0x2a: {  	p0 =	seq.s32 s5, $0x0;
	s5 =	sld [smem:$0x3FA4]  }
0x2b: {  	s6 =	sld [smem:$0x3FA5]  }
0x2c: {  	s7 =	sld [smem:$0x3FA6]  }
0x2d: {  	s3 =	simm.s32 $0x108;
	s8 =	sld [smem:$0x3FA7]  }
0x2e: {  	s3 =	simm.s32 @!p0 $0x1082;
	s9 =	sld [smem:$0x3FA8]  }
0x2f: {  	lr =	sadd.s32 s0, s3;
	s0 =	sld [smem:$0x3F9F]  }
0x30: {  	s3 =	sld [smem:$0x3FA2]  }
0x31: {  	[smem:$0x3FAB] =	sst s10  }
0x32: {  	s10 =	sld [smem:$0x3FA9];
	_ =	sdelay $0x3  }
0x33: {  	p0 =	seq.s32 s10, $0x1;
	s10 =	sld [smem:$0x3FAB];
	_ =	sdelay $0x3  }
0x34: {  	[smem:$0x3FAB] =	sst s10  }
0x35: {  	s10 =	sld [smem:$0x3FAA];
	_ =	sdelay $0x3  }
0x36: {  	p1 =	seq.s32 s10, $0x1;
	s10 =	sld [smem:$0x3FAB];
	_ =	sdelay $0x3  }
0x37: {  	[smem:$0x3FAB] =	sst s10  }
0x38: {  	s10 =	sld [smem:$0x3FAC]  }
0x39: {  	_ = 	snop;
	(pc) =	sbr.ind lr, $3  }
0x3a: {  	_ = 	snop  }
0x3b: {  	_ = 	snop  }
0x3c: {  	p2 =	seq.s32 s10, $0x1;
	s10 =	sld [smem:$0x3FAB]  }
0x3d: {  	_ =	shalt  }
0x3e: {  	_ =	shalt  }
0x3f: {  	_ =	shalt  }
0x40: {  	_ =	shalt  }
0x41: {  	_ =	shalt  }
0x42: {  	_ =	shalt  }
0x43: {  	_ =	shalt  }
0x44: {  	_ =	shalt  }
0x45: {  	_ =	shalt  }
0x46: {  	_ =	shalt  }
0x47: {  	_ =	shalt  }
0x48: {  	_ =	shalt  }
0x49: {  	_ =	shalt  }
0x4a: {  	_ =	shalt  }
0x4b: {  	_ =	shalt  }
0x4c: {  	_ =	shalt  }
0x4d: {  	_ =	shalt  }
0x4e: {  	_ =	shalt  }
0x4f: {  	_ =	shalt  }
0x50: {  	_ =	shalt  }
0x51: {  	_ =	shalt  }
0x52: {  	_ =	shalt  }
0x53: {  	_ =	shalt  }
0x54: {  	_ =	shalt  }
0x55: {  	_ =	shalt  }
0x56: {  	_ =	shalt  }
0x57: {  	_ =	shalt  }
0x58: {  	_ =	shalt  }
0x59: {  	_ =	shalt  }
0x5a: {  	_ =	shalt  }
0x5b: {  	_ =	shalt  }
0x5c: {  	_ =	shalt  }
0x5d: {  	_ =	shalt  }
0x5e: {  	_ =	shalt  }
0x5f: {  	_ =	shalt  }
0x60: {  	_ =	shalt  }
0x61: {  	_ =	shalt  }
0x62: {  	_ =	shalt  }
0x63: {  	_ =	shalt  }
0x64: {  	_ =	shalt  }
0x65: {  	_ =	shalt  }
0x66: {  	_ =	shalt  }
0x67: {  	_ =	shalt  }
0x68: {  	_ =	shalt  }
0x69: {  	_ =	shalt  }
0x6a: {  	_ =	shalt  }
0x6b: {  	_ =	shalt  }
0x6c: {  	_ =	shalt  }
0x6d: {  	_ =	shalt  }
0x6e: {  	_ =	shalt  }
0x6f: {  	_ =	shalt  }
0x70: {  	_ =	shalt  }
0x71: {  	_ =	shalt  }
0x72: {  	_ =	shalt  }
0x73: {  	_ =	shalt  }
0x74: {  	_ =	shalt  }
0x75: {  	_ =	shalt  }
0x76: {  	_ =	shalt  }
0x77: {  	_ =	shalt  }
0x78: {  	_ =	shalt  }
0x79: {  	_ =	shalt  }
0x7a: {  	_ =	shalt  }
0x7b: {  	_ =	shalt  }
0x7c: {  	_ =	shalt  }
0x7d: {  	_ =	shalt  }
0x7e: {  	_ =	shalt  }
0x7f: {  	_ =	shalt  }
0x80: {  	_ =	shalt  }
0x81: {  	_ =	shalt  }
0x82: {  	_ =	shalt  }
0x83: {  	_ =	shalt  }
0x84: {  	_ =	shalt  }
0x85: {  	_ =	shalt  }
0x86: {  	_ =	shalt  }
0x87: {  	_ =	shalt  }
.Lfunc_end0:
.L_simem_size_0:
called_computation.2_lowered:
.L_overlay_start_0:
0x88: {  	s2 =	sld [smem:$0x3FD9]  }
0x89: {  	s3 =	sld [smem:$0x3FFE];
	_ =	sdelay $0x1  }
0x8a: {  	s1 =	srdreg.scid  }
0x8b: {  	s0 =	sand.u32 $0x1, s1  }
0x8c: {  	s17 =	sshll.u32 s0, $0xA;
	s2 =	sadd.s32 s3, s2  }
0x8d: {  	s2 =	sadd.s32 s2, s17  }
0x8e: {  	[smem:$0x3FB7] =	sst s2  }
0x8f: {  	_ = 	snop  }
0x90: {  	s2 =	sld [smem:$0x3FD0];
	(tm) =	ssettm $0x1  }
0x91: {  	s18 =	sld [smem:$0x3FFB];
	_ =	sdelay $0x3  }
0x92: {  	_ =	strace s18  }
0x93: {  	s3 =	sld [smem:$0x3FFC];
	_ =	sdelay $0x3  }
0x94: {  	_ =	strace s3  }
0x95: {  	s3 =	sld [smem:$0x3FFD];
	_ =	sdelay $0x3  }
0x96: {  	_ =	strace s3  }
0x97: {  	_ =	strace $0x8FFFFFFF  }
0x98: {  	s19 =	sld [smem:$0x3FDB];
	_ =	sdelay $0x1  }
0x99: {  	s4 =	simm.s32 $_scs_section_size  }
0x9a: {  	s5 =	simm.s32 $_size__tile_overlayer_lowered;
	s6 =	simm.s32 $_tile_overlayer_lowered  }
0x9b: {  	s22 =	simm.s32 $0x1BFF;
	s21 =	sshll.u32 s6, $0x1;
	s3 =	sadd.s32 s4, s19  }
0x9c: {  	s7 =	simm.s32 $0x0;
	s20 =	sshll.u32 s5, $0x1;
	s5 =	sadd.s32 s21, s3  }
0x9d: {  	[timem:s7], [sflag:s22] =	dma.local [hbm:s5], s20  }
0x9e: {  	_ =	swait.ge [sflag:s22], s20  }
0x9f: {  	s4 =	ssub.s32 $0x0, s20;
	[sflag:s22] =	ssyncset.done $0x0  }
0xa0: {  	[sflag:s22] =	ssyncadd.s32 s4;
	_ =	sdelay $0x1  }
0xa1: {  	s23 =	simm.s32 $0x1B8B  }
0xa2: {  	_ =	swait.ge [sflag:s23], $0x1  }
0xa3: {  	[sflag:s23] =	ssyncset.done $0x0  }
0xa4: {  	s25 =	simm.s32 $0x1B8E;
	s24 =	sld [smem:$0x3FFE];
	[sflag:s23] =	ssyncadd.s32 $0xFFFFFFFF  }
0xa5: {  	s26 =	simm.s32 $execute0_lowered;
	[smem:$0x3FD2] =	sst s25  }
0xa6: {  	s5 =	sshll.u32 s26, $0x1;
	_ =	strace $0x8000004C;
	[dreg:$0x1] =	wrdreg $0xFFFFFFFF  }
0xa7: {  	s28 =	simm.s32 $_size_execute0_lowered;
	s3 =	sadd.s32 s3, s5;
	[dreg:$0x0] =	wrdreg $0x0  }
0xa8: {  	s5 =	sshll.u32 s28, $0x1;
	[dreg:$0x2] =	wrdreg s3  }
0xa9: {  	[dreg:$0x3] =	wrdreg s5  }
0xaa: {  	[dreg:$0x4] =	wrdreg $0xC0  }
0xab: {  	_ =	task [dreg:s7], $0x5FFFF  }
0xac: {  	[dreg:$0x1] =	wrdreg $0xFFFFFFFF  }
0xad: {  	[dreg:$0x0] =	wrdreg $0x60  }
0xae: {  	[dreg:$0x2] =	wrdreg s24  }
0xaf: {  	[dreg:$0x3] =	wrdreg s2  }
0xb0: {  	[dreg:$0x4] =	wrdreg $0x88000  }
0xb1: {  	[dreg:$0x5] =	wrdreg $0x9  }
0xb2: {  	_ =	task.clear_ibuf [dreg:s7], $0x6FFFF;
	_ =	strace $0x9000004C  }
0xb3: {  	s29 =	simm.s32 $0x9;
	_ =	strace $0x8000004E  }
0xb4: {  	_ =	swait.ge [sflag:s29], $0x1  }
0xb5: {  	[sflag:s29] =	ssyncadd.s32 $0xFFFFFFFF  }
0xb6: {  	_ =	strace $0x9000004E  }
0xb7: {  	_ =	sfence  }
0xb8: {  	s30 =	sld [smem:$0x0];
	_ =	sdelay $0x2  }
0xb9: {  	s31 =	sshll.u32 s1, $0xD;
	s1 =	sshrl.u32 s1, $0x2  }
0xba: {  	s3 =	sand.u32 $0x4000, s31;
	s1 =	sadd.s32 s1, s30  }
0xbb: {  	s0 =	sor.u32 s3, s0;
	s1 =	sshll.u32 s1, $0x11  }
0xbc: {  	s0 =	sor.u32 s1, s0  }
0xbd: {  	s0 =	sadd.s32 $0x8F2B, s0  }
0xbe: {  	[sflag:s0] =	ssyncadd.remote.s32 $0x1  }
0xbf: {  	_ =	sfence.sel $0xFFFF  }
0xc0: {  	[dreg:$0x0] =	wrdreg $0xFFFFFFFF;
	(pc) =	sbr.abs _section_cstart, $3  }
0xc1: {  	[dreg:$0x1] =	wrdreg $0xFFFFFFFF  }
0xc2: {  	_ =	task.clear_ibuf [dreg:s7], $0x2FFFF;
	_ =	strace $0x9FFFFFFF  }
0xc3: {  	(tm) =	ssettm $0x7FFFFFFF  }
tec
execute0_lowered:
.L_overlay_start_1:
0x0: {  	(tag) =	ssettag $0x1  }
0x1: {  	s0 =	rddreg [dreg:$0x0]  }
0x2: {  	s2 =	rddreg [dreg:$0x1]  }
0x3: {  	s1 =	rddreg [dreg:$0x2];
	s20 =	simm.s32 $0x0;
	s3 =	srdreg.scid  }
0x4: {  	s12 =	stileid.u32;
	s14 =	simm.s32 $0x2;
	s15 =	simm.s32 $0x400  }
0x5: {  	s17 =	simm.s32 $0x80;
	s18 =	simm.s32 $0x4800;
	s19 =	simm.s32 $0x5000  }
0x6: {  	s28 =	simm.s32 $0x7000;
	s30 =	simm.s32 $0x7800;
	s31 =	simm.s32 $0x380  }
0x7: {  	s13 =	simm.s32 $0x680;
	s16 =	simm.s32 $0x780;
	[smem:$0x7FF] =	sst s20  }
0x8: {  	s29 =	simm.s32 $0x0;
	s4 =	sadd.s32 $0x355200, s0;
	s5 =	sadd.s32 $0x33C200, s0  }
0x9: {  	s3 =	sand.u32 $0x1, s3;
	s6 =	sadd.s32 $0x323200, s0;
	s9 =	smul.u32 $0xC380, s12  }
0xa: {  	s7 =	sadd.s32 $0x193200, s0;
	s0 =	sadd.s32 $0x3200, s0;
	s23 =	sshll.u32 s12, $0x1  }
0xb: {  	s24 =	sshll.u32 s12, $0x6;
	s12 =	simm.s32 $0x580;
	_ =	strace $0x8000004D  }
0xc: {  	s8 =	ssub.s32 $0x2, s3;
	s11 =	smul.u32 $0xC3800, s3;
	[dreg:$0x5] =	wrdreg s0  }
0xd: {  	s3 =	sor.u32 s3, s23;
	s22 =	sor.u32 $0x1C02, s24;
	s10 =	sshrl.u32 s8, $0x1  }
0xe: {  	s23 =	simm.s32 $0x6000;
	[dreg:$0x6] =	wrdreg s22;
	s21 =	ssub.s32 s8, s10  }
0xf: {  	s25 =	sadd.s32 s9, s11;
	s9 =	sadd.s32 s9, s1;
	s10 =	smul.u32 $0x6400, s3  }
0x10: {  	s3 =	simm.s32 $0x1;
	s8 =	simm.s32 $0x480;
	s11 =	simm.s32 $0x500  }
0x11: {  	s26 =	sshrl.u32 s25, $0x3;
	s0 =	smax.u32 s21, $0x1;
	s21 =	simm.s32 $0x5800  }
0x12: {  	s25 =	simm.s32 $0x6800;
	s2 =	sadd.s32 s2, s26;
	[dreg:$0x8] =	wrdreg s0  }
0x13: {  	s26 =	sshrl.u32 s9, $0x3;
	s0 =	simm.s32 $0x8000;
	[dreg:$0x7] =	wrdreg s2  }
0x14: {  	s9 =	simm.s32 $0x600;
	s2 =	simm.s32 $0x700;
	[dreg:$0x9] =	wrdreg s26  }
.LBB2_1:
0x15: {  	[dreg:$0x4] =	wrdreg s20  }
0x16: {  	s24 =	rddreg [dreg:$0x5]  }
0x17: {  	[spmem:s26], [sflag:s22] =	dma.local [hbm:s24], $0x1870  }
0x18: {  	_ =	swait.ge [sflag:s14], $0x1870  }
0x19: {  	[sflag:s14] =	ssyncset.done $0x0  }
0x1a: {  	[sflag:s14] =	ssyncadd.s32 $0xFFFFE790  }
0x1b: {  	s20 =	simm.s32 $0x0;
	[bflag:$0x0] =	sbarrier.arrive $0xFFFF  }
.LBB2_2:
0x1c: {  	s22 =	sshll.u32 s20, $0xA  }
0x1d: {  	s22 =	sadd.s32 s10, s22  }
0x1e: {  	s24 =	sshrl.u32 s22, $0x3  }
0x1f: {  	s26 =	sadd.s32 s5, s24  }
0x20: {  	[tilespmem:s29], [sflag:$0x2] =	stream.linear.gather [hbm4b:s26+s29], $0x400, $0x38;
	[tilespmem:$0x14B80] =	vst v63  }
0x21: {  	_ =	swait.ge [sflag:s14], $0x400  }
0x22: {  	[sflag:s14] =	ssyncset.done $0x0  }
0x23: {  	s24 =	sadd.s32 s6, s24;
	[sflag:s14] =	ssyncadd.s32 $0xFFFFFC00  }
0x24: {  	[tilespmem:s15], [sflag:$0x2] =	stream.linear.gather [hbm4b:s24+s29], $0x400, $0x38;
	[tilespmem:$0x14B80] =	vst v63  }
0x25: {  	_ =	swait.ge [sflag:s14], $0x400  }
0x26: {  	s22 =	sshll.u32 s22, $0x1;
	[sflag:s14] =	ssyncset.done $0x0  }
0x27: {  	s22 =	sadd.s32 s7, s22;
	s26 =	simm.s32 $0x800;
	[sflag:s14] =	ssyncadd.s32 $0xFFFFFC00  }
0x28: {  	[tilespmem:s26], [sflag:$0x2] =	stream.linear.gather [hbm4b:s22+s29], $0x4000, $0x38;
	[tilespmem:$0x14B80] =	vst v63  }
0x29: {  	_ =	swait.ge [sflag:s14], $0x4000  }
0x2a: {  	[sflag:s14] =	ssyncset.done $0x0  }
0x2b: {  	[sflag:s14] =	ssyncadd.s32 $0xFFFFC000  }
0x2c: {  	[tilespmem:s18], [sflag:$0x1] =	stream.indirect.gather [hbm4b:s4+s17], $0x10, s29, s17, $0xb8;
	[tilespmem:$0x14B80] =	vst v63  }
0x2d: {  	_ = 	snop  }
0x2e: {  	[tilespmem:s19], [sflag:$0x1] =	stream.indirect.gather [hbm4b:s4+s17], $0x10, s17, s17, $0xb8;
	[tilespmem:$0x14B80] =	vst v63  }
0x2f: {  	s26 =	simm.s32 $0x100  }
0x30: {  	[tilespmem:s21], [sflag:$0x1] =	stream.indirect.gather [hbm4b:s4+s17], $0x10, s26, s17, $0xb8;
	[tilespmem:$0x14B80] =	vst v63  }
0x31: {  	s24 =	simm.s32 $0x180  }
0x32: {  	[tilespmem:s23], [sflag:$0x1] =	stream.indirect.gather [hbm4b:s4+s17], $0x10, s24, s17, $0xb8;
	[tilespmem:$0x14B80] =	vst v63  }
0x33: {  	s26 =	simm.s32 $0x200  }
0x34: {  	[tilespmem:s25], [sflag:$0x1] =	stream.indirect.gather [hbm4b:s4+s17], $0x10, s26, s17, $0xb8;
	[tilespmem:$0x14B80] =	vst v63  }
0x35: {  	s24 =	simm.s32 $0x280  }
0x36: {  	[tilespmem:s28], [sflag:$0x1] =	stream.indirect.gather [hbm4b:s4+s17], $0x10, s24, s17, $0xb8;
	[tilespmem:$0x14B80] =	vst v63  }
0x37: {  	s26 =	simm.s32 $0x300  }
0x38: {  	[tilespmem:s30], [sflag:$0x1] =	stream.indirect.gather [hbm4b:s4+s17], $0x10, s26, s17, $0xb8;
	[tilespmem:$0x14B80] =	vst v63  }
0x39: {  	_ = 	snop  }
0x3a: {  	[tilespmem:s0], [sflag:$0x1] =	stream.indirect.gather [hbm4b:s4+s17], $0x10, s31, s17, $0xb8;
	[tilespmem:$0x14B80] =	vst v63  }
0x3b: {  	_ =	swait.ge [sflag:s3], $0x800  }
0x3c: {  	[sflag:s3] =	ssyncset.done $0x0  }
0x3d: {  	[sflag:s3] =	ssyncadd.s32 $0xFFFFF800  }
0x3e: {  	_ =	swait.ge [sflag:s3], $0x800  }
0x3f: {  	[sflag:s3] =	ssyncset.done $0x0  }
0x40: {  	[sflag:s3] =	ssyncadd.s32 $0xFFFFF800  }
0x41: {  	_ =	swait.ge [sflag:s3], $0x800  }
0x42: {  	[sflag:s3] =	ssyncset.done $0x0  }
0x43: {  	[sflag:s3] =	ssyncadd.s32 $0xFFFFF800  }
0x44: {  	_ =	swait.ge [sflag:s3], $0x800  }
0x45: {  	[sflag:s3] =	ssyncset.done $0x0  }
0x46: {  	[sflag:s3] =	ssyncadd.s32 $0xFFFFF800  }
0x47: {  	_ =	swait.ge [sflag:s3], $0x800  }
0x48: {  	[sflag:s3] =	ssyncset.done $0x0  }
0x49: {  	[sflag:s3] =	ssyncadd.s32 $0xFFFFF800  }
0x4a: {  	_ =	swait.ge [sflag:s3], $0x800  }
0x4b: {  	[sflag:s3] =	ssyncset.done $0x0  }
0x4c: {  	[sflag:s3] =	ssyncadd.s32 $0xFFFFF800  }
0x4d: {  	_ =	swait.ge [sflag:s3], $0x800  }
0x4e: {  	[sflag:s3] =	ssyncset.done $0x0  }
0x4f: {  	[sflag:s3] =	ssyncadd.s32 $0xFFFFF800  }
0x50: {  	_ =	swait.ge [sflag:s3], $0x800  }
0x51: {  	[sflag:s3] =	ssyncset.done $0x0  }
0x52: {  	s22 =	simm.s32 $0x0;
	[sflag:s3] =	ssyncadd.s32 $0xFFFFF800  }
0x53: {  	v7 =	vld [tilespmem:s22+$0x800]  }
0x54: {  	v11 =	vld [tilespmem:s22+$0x810]  }
0x55: {  	v5 =	vld [tilespmem:s22+$0x820]  }
0x56: {  	v4 =	vld [tilespmem:s22+$0x830]  }
0x57: {  	v3 =	vld [tilespmem:s22+$0x840]  }
0x58: {  	v2 =	vld [tilespmem:s22+$0x850]  }
0x59: {  	v1 =	vld [tilespmem:s22+$0x860]  }
0x5a: {  	v0 =	vld [tilespmem:s22+$0x870]  }
0x5b: {  	v12 =	vld [tilespmem:s22+$0x4800]  }
0x5c: {  	v13 =	vld [tilespmem:s22+$0x4810]  }
0x5d: {  	v10 =	vld [tilespmem:s22+$0x4820]  }
0x5e: {  	v9 =	vld [tilespmem:s22+$0x4830]  }
0x5f: {  	v8 =	vld [tilespmem:s22+$0x4840]  }
0x60: {  	v6 =	vld [tilespmem:s22+$0x4850];
	v12 =	vmul.f32 v7, v12  }
0x61: {  	s24 =	simm.s32 $0x200;
	v11 =	vmul.f32 v11, v13;
	v7 =	vld [tilespmem:s22+$0x4860]  }
.LBB2_3:
0x62: {  	s26 =	sshra.s32 s24, $0x2;
	p0 =	sne.s32 s24, $0xFE00;
	[tilespmem:s22+$0x4800] =	vst v12;
	v5 =	vmul.f32 v5, v10;
	v10 =	vld [tilespmem:s22+$0x4870]  }
0x63: {  	v12 =	vld [tilespmem:s26+$0x800];
	[tilespmem:s22+$0x4810] =	vst v11;
	v4 =	vmul.f32 v4, v9  }
0x64: {  	v11 =	vld [tilespmem:s26+$0x810];
	[tilespmem:s22+$0x4820] =	vst v5;
	v3 =	vmul.f32 v3, v8  }
0x65: {  	v5 =	vld [tilespmem:s26+$0x820];
	[tilespmem:s22+$0x4830] =	vst v4;
	v2 =	vmul.f32 v2, v6  }
0x66: {  	v4 =	vld [tilespmem:s26+$0x830];
	[tilespmem:s22+$0x4840] =	vst v3;
	v1 =	vmul.f32 v1, v7  }
0x67: {  	v3 =	vld [tilespmem:s26+$0x840];
	[tilespmem:s22+$0x4850] =	vst v2;
	v0 =	vmul.f32 v0, v10  }
0x68: {  	v2 =	vld [tilespmem:s26+$0x850];
	[tilespmem:s22+$0x4860] =	vst v1  }
0x69: {  	v1 =	vld [tilespmem:s26+$0x860];
	[tilespmem:s22+$0x4870] =	vst v0;
	s22 =	smov.u32 s26  }
0x6a: {  	v0 =	vld [tilespmem:s22+$0x870]  }
0x6b: {  	v6 =	vld [tilespmem:s22+$0x4800]  }
0x6c: {  	v7 =	vld [tilespmem:s22+$0x4810]  }
.Ltmp0:
0x6d: {  	v10 =	vld [tilespmem:s22+$0x4820];
	(pc) =	sbr.rel @p0 .LBB2_3-.Ltmp0, $4  }
0x6e: {  	v9 =	vld [tilespmem:s22+$0x4830]  }
0x6f: {  	v8 =	vld [tilespmem:s22+$0x4840]  }
0x70: {  	v12 =	vmul.f32 v12, v6;
	v6 =	vld [tilespmem:s22+$0x4850]  }
0x71: {  	s24 =	sadd.s32 $0x200, s24;
	v11 =	vmul.f32 v11, v7;
	v7 =	vld [tilespmem:s22+$0x4860]  }
0x72: {  	[tilespmem:s22+$0x4800] =	vst v12;
	v5 =	vmul.f32 v5, v10;
	v63 =	vld [tilespmem:s22+$0x4870]  }
0x73: {  	[tilespmem:s22+$0x4810] =	vst v11;
	v4 =	vmul.f32 v4, v9  }
0x74: {  	[tilespmem:s22+$0x4820] =	vst v5;
	v3 =	vmul.f32 v3, v8  }
0x75: {  	[tilespmem:s22+$0x4830] =	vst v4;
	v2 =	vmul.f32 v2, v6  }
0x76: {  	[tilespmem:s22+$0x4840] =	vst v3;
	v1 =	vmul.f32 v1, v7  }
0x77: {  	[tilespmem:s22+$0x4850] =	vst v2;
	v0 =	vmul.f32 v0, v63  }
0x78: {  	[tilespmem:s22+$0x4860] =	vst v1  }
0x79: {  	[tilespmem:s22+$0x4870] =	vst v0  }
0x7a: {  	[spmem:s1] =	stream.indirect.scatter.add.f32 [tilespmem:s18], [sflag:$0x2], $0x10, s15, s17, $0xb8;
	[tilespmem:$0x14B80] =	vst v63  }
0x7b: {  	_ =	swait.ge [sflag:s14], $0x800  }
0x7c: {  	[sflag:s14] =	ssyncset.done $0x0  }
0x7d: {  	[sflag:s14] =	ssyncadd.s32 $0xFFFFF800  }
0x7e: {  	[spmem:s1] =	stream.indirect.scatter.add.f32 [tilespmem:s19], [sflag:$0x2], $0x10, s8, s17, $0xb8;
	[tilespmem:$0x14B80] =	vst v63  }
0x7f: {  	_ =	swait.ge [sflag:s14], $0x800  }
0x80: {  	[sflag:s14] =	ssyncset.done $0x0  }
0x81: {  	[sflag:s14] =	ssyncadd.s32 $0xFFFFF800  }
0x82: {  	[spmem:s1] =	stream.indirect.scatter.add.f32 [tilespmem:s21], [sflag:$0x2], $0x10, s11, s17, $0xb8;
	[tilespmem:$0x14B80] =	vst v63  }
0x83: {  	_ =	swait.ge [sflag:s14], $0x800  }
0x84: {  	[sflag:s14] =	ssyncset.done $0x0  }
0x85: {  	[sflag:s14] =	ssyncadd.s32 $0xFFFFF800  }
0x86: {  	[spmem:s1] =	stream.indirect.scatter.add.f32 [tilespmem:s23], [sflag:$0x2], $0x10, s12, s17, $0xb8;
	[tilespmem:$0x14B80] =	vst v63  }
0x87: {  	_ =	swait.ge [sflag:s14], $0x800  }
0x88: {  	[sflag:s14] =	ssyncset.done $0x0  }
0x89: {  	[sflag:s14] =	ssyncadd.s32 $0xFFFFF800  }
0x8a: {  	[spmem:s1] =	stream.indirect.scatter.add.f32 [tilespmem:s25], [sflag:$0x2], $0x10, s9, s17, $0xb8;
	[tilespmem:$0x14B80] =	vst v63  }
0x8b: {  	_ =	swait.ge [sflag:s14], $0x800  }
0x8c: {  	[sflag:s14] =	ssyncset.done $0x0  }
0x8d: {  	[sflag:s14] =	ssyncadd.s32 $0xFFFFF800  }
0x8e: {  	[spmem:s1] =	stream.indirect.scatter.add.f32 [tilespmem:s28], [sflag:$0x2], $0x10, s13, s17, $0xb8;
	[tilespmem:$0x14B80] =	vst v63  }
0x8f: {  	_ =	swait.ge [sflag:s14], $0x800  }
0x90: {  	[sflag:s14] =	ssyncset.done $0x0  }
0x91: {  	[sflag:s14] =	ssyncadd.s32 $0xFFFFF800  }
0x92: {  	[spmem:s1] =	stream.indirect.scatter.add.f32 [tilespmem:s30], [sflag:$0x2], $0x10, s2, s17, $0xb8;
	[tilespmem:$0x14B80] =	vst v63  }
0x93: {  	s20 =	sadd.s32 $0x1, s20;
	_ =	swait.ge [sflag:s14], $0x800  }
0x94: {  	p0 =	sne.s32 s20, $0x19;
	[sflag:s14] =	ssyncset.done $0x0  }
.Ltmp1:
0x95: {  	[sflag:s14] =	ssyncadd.s32 $0xFFFFF800;
	(pc) =	sbr.rel @p0 .LBB2_2-.Ltmp1, $4  }
0x96: {  	[spmem:s1] =	stream.indirect.scatter.add.f32 [tilespmem:s0], [sflag:$0x2], $0x10, s16, s17, $0xb8;
	[tilespmem:$0x14B80] =	vst v63  }
0x97: {  	_ =	swait.ge [sflag:s14], $0x800  }
0x98: {  	[sflag:s14] =	ssyncset.done $0x0  }
0x99: {  	[sflag:s14] =	ssyncadd.s32 $0xFFFFF800  }
0x9a: {  	[bflag:$0x0] =	sbarrier.arrive $0xFFFF  }
0x9b: {  	s22 =	rddreg [dreg:$0x6]  }
0x9c: {  	s20 =	rddreg [dreg:$0x7]  }
0x9d: {  	s26 =	rddreg [dreg:$0x9]  }
0x9e: {  	[hbm:s20], [sflag:s22] =	dma.local [spmem:s26], $0x1870  }
0x9f: {  	_ =	swait.ge [sflag:s14], $0x1870  }
0xa0: {  	s24 =	rddreg [dreg:$0x4]  }
0xa1: {  	s20 =	sadd.s32 $0x1, s24;
	s24 =	rddreg [dreg:$0x8]  }
0xa2: {  	p0 =	sne.s32 s20, s24  }
.Ltmp2:
0xa3: {  	_ = 	snop;
	(pc) =	sbr.rel @p0 .LBB2_1-.Ltmp2, $3  }
0xa4: {  	_ =	sdelay $0x1  }
0xa5: {  	[sflag:s14] =	ssyncset.done $0x0  }
0xa6: {  	[sflag:s14] =	ssyncadd.s32 $0xFFFFE790  }
0xa7: {  	_ =	sfence.sel $0x180000  }
0xa8: {  	[bflag:$0x0] =	sbarrier.arrive $0xFFFF  }
0xa9: {  	_ =	strace $0x9000004D  }
0xaa: {  	s0 =	stileid.u32;
	[bflag:$0x2] =	sbarrier.arrive $0xFFFF  }
0xab: {  	p0 =	sne.s32 s0, $0x0;
	s0 =	rddreg [dreg:$0x3]  }
0xac: {  	s0 =	sadd.s32 @!p0 $0x100000, s0  }
0xad: {  	[sflag:s0] =	ssyncadd.tile.s32 @!p0 $0x1;
	_ =	shalt  }
.Lfunc_end2:
_tile_overlayer_lowered:
.L_overlay_start_2:
0xae: {  	(tag) =	ssettag $0x2  }
0xaf: {  	s0 =	rddreg [dreg:$0x0];
	s2 =	stileid.u32  }
0xb0: {  	s1 =	rddreg [dreg:$0x1];
	p0 =	sne.s32 s2, $0x0  }
0xb1: {  	s3 =	rddreg [dreg:$0x2];
	[bflag:$0x3] =	sbarrier.arrive $0xFFFF;
	s2 =	simm.s32 @!p0 $0x1C02  }
0xb2: {  	[timem:s3], [sflag:s2] =	dma.local @!p0 [hbm:s0], s1  }
0xb3: {  	s0 =	simm.s32 @!p0 $0x2  }
0xb4: {  	_ =	swait.ge @!p0 [sflag:s0], s1  }
0xb5: {  	s1 =	ssub.s32 @!p0 $0x0, s1;
	[sflag:s0] =	ssyncset.done @!p0 $0x0  }
0xb6: {  	[sflag:s0] =	ssyncadd.s32 @!p0 s1  }
0xb7: {  	[bflag:$0x3] =	sbarrier.arrive $0xFFFF  }
0xb8: {  	_ =	shalt  }

// kernel: kernel.14.cloned.1.call-start
scs
__scs_entry_jumppad:
0x0: {  	(pc) =	sbr.rel $0x88, $3  }
0x1: {  	(tag) =	ssettag $0x0;
	lr =	simm.s32 $0x1  }
0x2: {  	[smem:$0x3F90] =	sst lr;
	_ =	strace $0xD0000000  }
0x3: {  	_ = 	snop  }
0x4: {  	_ = 	snop  }
0x5: {  	_ = 	snop  }
0x6: {  	_ = 	snop  }
0x7: {  	_ = 	snop  }
__scs_overlays_trampoline_lowered:
0x8: {  	[smem:$0x3F9F] =	sst s0  }
0x9: {  	[smem:$0x3FA0] =	sst s1  }
0xa: {  	[smem:$0x3FA1] =	sst s2  }
0xb: {  	[smem:$0x3FA2] =	sst s3  }
0xc: {  	[smem:$0x3FA3] =	sst s4  }
0xd: {  	[smem:$0x3FA4] =	sst s5  }
0xe: {  	[smem:$0x3FA5] =	sst s6  }
0xf: {  	[smem:$0x3FA6] =	sst s7  }
0x10: {  	[smem:$0x3FA7] =	sst s8  }
0x11: {  	[smem:$0x3FA8] =	sst s9;
	s0 =	simm.s32 @!p0 $0x0  }
0x12: {  	s1 =	sld [smem:$0x3F8E];
	s0 =	simm.s32 @p0 $0x1  }
0x13: {  	[smem:$0x3FA9] =	sst s0;
	s0 =	simm.s32 @!p1 $0x0  }
0x14: {  	s2 =	sld [smem:$0x3F8D];
	s0 =	simm.s32 @p1 $0x1  }
0x15: {  	[smem:$0x3FAA] =	sst s0;
	s0 =	simm.s32 @!p2 $0x0  }
0x16: {  	s3 =	sld [smem:$0x3FDB];
	s0 =	simm.s32 @p2 $0x1  }
0x17: {  	s4 =	simm.s32 $0x1BF5;
	[smem:$0x3FAC] =	sst s0  }
0x18: {  	s0 =	sld [smem:$0x3F8F];
	_ =	swait.ge [sflag:s4], $0x0  }
0x19: {  	s7 =	sld [smem:$0x3F90]  }
0x1a: {  	s8 =	sadd.s32 $0xFFFFE003, lr  }
0x1b: {  	s9 =	sadd.s32 $0xFFFFFEF7, lr;
	s5 =	simm.s32 $0xFFFFFFFF;
	p2 =	slt.u32 s8, $0xFFFFF086  }
0x1c: {  	p1 =	slt.u32 s9, $0xF7A;
	s5 =	simm.s32 @!p2 $0x0  }
0x1d: {  	s5 =	simm.s32 @p1 $0x1;
	p0 =	seq.s32 s7, s2  }
0x1e: {  	s7 =	smul.u32 @!p0 $0xF7A, s2;
	p2 =	seq.s32 @!p0 s5, $0x0  }
0x1f: {  	s9 =	smul.u32 $0xF7A, s1;
	s8 =	simm.s32 @!p0 $0x1BF5;
	p2 =	por !p2, p0  }
0x20: {  	[sflag:s8] =	ssyncset.s32 @!p0 $0xFFFFF086;
	s6 =	sadd.s32 @!p0 s3, s7;
	s7 =	simm.s32 @!p0 $0x108  }
0x21: {  	s3 =	sadd.s32 s3, s9;
	s6 =	sadd.s32 @!p0 $0x88, s6;
	s7 =	simm.s32 @p2 $0x1082  }
0x22: {  	[simem:s7], [sflag:s8] =	dma.local @!p0 [hbm:s6], $0xF7A  }
0x23: {  	s9 =	sor.u32 $0xD0000000, s2;
	s6 =	simm.s32 $0x108;
	_ =	swait.ge @!p0 [sflag:s8], $0x0  }
0x24: {  	s3 =	sadd.s32 $0x88, s3;
	s6 =	simm.s32 @!p1 $0x1082;
	[sflag:s4] =	ssyncset.s32 $0xFFFFF086  }
0x25: {  	[simem:s6], [sflag:s4] =	dma.local [hbm:s3], $0xF7A  }
0x26: {  	[smem:$0x3F90] =	sst s1;
	(tag) =	ssettag s2;
	_ =	strace s9  }
0x27: {  	s1 =	sld [smem:$0x3FA0]  }
0x28: {  	s2 =	sld [smem:$0x3FA1]  }
0x29: {  	s4 =	sld [smem:$0x3FA3]  }
0x2a: {  	p0 =	seq.s32 s5, $0x0;
	s5 =	sld [smem:$0x3FA4]  }
0x2b: {  	s6 =	sld [smem:$0x3FA5]  }
0x2c: {  	s7 =	sld [smem:$0x3FA6]  }
0x2d: {  	s3 =	simm.s32 $0x108;
	s8 =	sld [smem:$0x3FA7]  }
0x2e: {  	s3 =	simm.s32 @!p0 $0x1082;
	s9 =	sld [smem:$0x3FA8]  }
0x2f: {  	lr =	sadd.s32 s0, s3;
	s0 =	sld [smem:$0x3F9F]  }
0x30: {  	s3 =	sld [smem:$0x3FA2]  }
0x31: {  	[smem:$0x3FAB] =	sst s10  }
0x32: {  	s10 =	sld [smem:$0x3FA9];
	_ =	sdelay $0x3  }
0x33: {  	p0 =	seq.s32 s10, $0x1;
	s10 =	sld [smem:$0x3FAB];
	_ =	sdelay $0x3  }
0x34: {  	[smem:$0x3FAB] =	sst s10  }
0x35: {  	s10 =	sld [smem:$0x3FAA];
	_ =	sdelay $0x3  }
0x36: {  	p1 =	seq.s32 s10, $0x1;
	s10 =	sld [smem:$0x3FAB];
	_ =	sdelay $0x3  }
0x37: {  	[smem:$0x3FAB] =	sst s10  }
0x38: {  	s10 =	sld [smem:$0x3FAC]  }
0x39: {  	_ = 	snop;
	(pc) =	sbr.ind lr, $3  }
0x3a: {  	_ = 	snop  }
0x3b: {  	_ = 	snop  }
0x3c: {  	p2 =	seq.s32 s10, $0x1;
	s10 =	sld [smem:$0x3FAB]  }
0x3d: {  	_ =	shalt  }
0x3e: {  	_ =	shalt  }
0x3f: {  	_ =	shalt  }
0x40: {  	_ =	shalt  }
0x41: {  	_ =	shalt  }
0x42: {  	_ =	shalt  }
0x43: {  	_ =	shalt  }
0x44: {  	_ =	shalt  }
0x45: {  	_ =	shalt  }
0x46: {  	_ =	shalt  }
0x47: {  	_ =	shalt  }
0x48: {  	_ =	shalt  }
0x49: {  	_ =	shalt  }
0x4a: {  	_ =	shalt  }
0x4b: {  	_ =	shalt  }
0x4c: {  	_ =	shalt  }
0x4d: {  	_ =	shalt  }
0x4e: {  	_ =	shalt  }
0x4f: {  	_ =	shalt  }
0x50: {  	_ =	shalt  }
0x51: {  	_ =	shalt  }
0x52: {  	_ =	shalt  }
0x53: {  	_ =	shalt  }
0x54: {  	_ =	shalt  }
0x55: {  	_ =	shalt  }
0x56: {  	_ =	shalt  }
0x57: {  	_ =	shalt  }
0x58: {  	_ =	shalt  }
0x59: {  	_ =	shalt  }
0x5a: {  	_ =	shalt  }
0x5b: {  	_ =	shalt  }
0x5c: {  	_ =	shalt  }
0x5d: {  	_ =	shalt  }
0x5e: {  	_ =	shalt  }
0x5f: {  	_ =	shalt  }
0x60: {  	_ =	shalt  }
0x61: {  	_ =	shalt  }
0x62: {  	_ =	shalt  }
0x63: {  	_ =	shalt  }
0x64: {  	_ =	shalt  }
0x65: {  	_ =	shalt  }
0x66: {  	_ =	shalt  }
0x67: {  	_ =	shalt  }
0x68: {  	_ =	shalt  }
0x69: {  	_ =	shalt  }
0x6a: {  	_ =	shalt  }
0x6b: {  	_ =	shalt  }
0x6c: {  	_ =	shalt  }
0x6d: {  	_ =	shalt  }
0x6e: {  	_ =	shalt  }
0x6f: {  	_ =	shalt  }
0x70: {  	_ =	shalt  }
0x71: {  	_ =	shalt  }
0x72: {  	_ =	shalt  }
0x73: {  	_ =	shalt  }
0x74: {  	_ =	shalt  }
0x75: {  	_ =	shalt  }
0x76: {  	_ =	shalt  }
0x77: {  	_ =	shalt  }
0x78: {  	_ =	shalt  }
0x79: {  	_ =	shalt  }
0x7a: {  	_ =	shalt  }
0x7b: {  	_ =	shalt  }
0x7c: {  	_ =	shalt  }
0x7d: {  	_ =	shalt  }
0x7e: {  	_ =	shalt  }
0x7f: {  	_ =	shalt  }
0x80: {  	_ =	shalt  }
0x81: {  	_ =	shalt  }
0x82: {  	_ =	shalt  }
0x83: {  	_ =	shalt  }
0x84: {  	_ =	shalt  }
0x85: {  	_ =	shalt  }
0x86: {  	_ =	shalt  }
0x87: {  	_ =	shalt  }
.Lfunc_end0:
.L_simem_size_0:
called_computation.3_lowered:
.L_overlay_start_0:
0x88: {  	s2 =	sld [smem:$0x3FD9]  }
0x89: {  	s3 =	sld [smem:$0x3FFE];
	_ =	sdelay $0x1  }
0x8a: {  	s1 =	srdreg.scid  }
0x8b: {  	s0 =	sand.u32 $0x1, s1  }
0x8c: {  	s16 =	sshll.u32 s0, $0xA;
	s2 =	sadd.s32 s3, s2  }
0x8d: {  	s2 =	sadd.s32 s2, s16  }
0x8e: {  	[smem:$0x3FB7] =	sst s2  }
0x8f: {  	_ = 	snop  }
0x90: {  	(tm) =	ssettm $0x1  }
0x91: {  	s17 =	sld [smem:$0x3FFB];
	_ =	sdelay $0x3  }
0x92: {  	_ =	strace s17  }
0x93: {  	s2 =	sld [smem:$0x3FFC];
	_ =	sdelay $0x3  }
0x94: {  	_ =	strace s2  }
0x95: {  	s2 =	sld [smem:$0x3FFD];
	_ =	sdelay $0x3  }
0x96: {  	_ =	strace s2  }
0x97: {  	_ =	strace $0x8FFFFFFF  }
0x98: {  	s18 =	sld [smem:$0x3FDB];
	_ =	sdelay $0x1  }
0x99: {  	s19 =	simm.s32 $_scs_section_size  }
0x9a: {  	s4 =	simm.s32 $_size__tile_overlayer_lowered;
	s5 =	simm.s32 $_tile_overlayer_lowered  }
0x9b: {  	s22 =	simm.s32 $0x1BFF;
	s21 =	sshll.u32 s5, $0x1;
	s2 =	sadd.s32 s19, s18  }
0x9c: {  	s6 =	simm.s32 $0x0;
	s20 =	sshll.u32 s4, $0x1;
	s4 =	sadd.s32 s21, s2  }
0x9d: {  	[timem:s6], [sflag:s22] =	dma.local [hbm:s4], s20  }
0x9e: {  	_ =	swait.ge [sflag:s22], s20  }
0x9f: {  	s3 =	ssub.s32 $0x0, s20;
	[sflag:s22] =	ssyncset.done $0x0  }
0xa0: {  	[sflag:s22] =	ssyncadd.s32 s3;
	_ =	sdelay $0x1  }
0xa1: {  	s23 =	simm.s32 $0x1B8B  }
0xa2: {  	_ =	swait.ge [sflag:s23], $0x1  }
0xa3: {  	[sflag:s23] =	ssyncset.done $0x0  }
0xa4: {  	s25 =	simm.s32 $0x1B8E;
	s24 =	sld [smem:$0x3FFE];
	[sflag:s23] =	ssyncadd.s32 $0xFFFFFFFF  }
0xa5: {  	s26 =	simm.s32 $execute0_lowered;
	[smem:$0x3FD2] =	sst s25  }
0xa6: {  	s4 =	sshll.u32 s26, $0x1;
	_ =	strace $0x8000004F;
	[dreg:$0x1] =	wrdreg $0xFFFFFFFF  }
0xa7: {  	s28 =	simm.s32 $_size_execute0_lowered;
	s2 =	sadd.s32 s2, s4;
	[dreg:$0x0] =	wrdreg $0x0  }
0xa8: {  	s4 =	sshll.u32 s28, $0x1;
	[dreg:$0x2] =	wrdreg s2  }
0xa9: {  	[dreg:$0x3] =	wrdreg s4  }
0xaa: {  	[dreg:$0x4] =	wrdreg $0xC0  }
0xab: {  	_ =	task [dreg:s6], $0x5FFFF  }
0xac: {  	[dreg:$0x1] =	wrdreg $0xFFFFFFFF  }
0xad: {  	[dreg:$0x0] =	wrdreg $0x60  }
0xae: {  	[dreg:$0x2] =	wrdreg s24  }
0xaf: {  	[dreg:$0x3] =	wrdreg $0x9  }
0xb0: {  	_ =	task.clear_ibuf [dreg:s6], $0x4FFFF;
	_ =	strace $0x9000004F  }
0xb1: {  	s29 =	simm.s32 $0x9;
	_ =	strace $0x80000051  }
0xb2: {  	_ =	swait.ge [sflag:s29], $0x1  }
0xb3: {  	[sflag:s29] =	ssyncadd.s32 $0xFFFFFFFF  }
0xb4: {  	_ =	strace $0x90000051  }
0xb5: {  	_ =	sfence  }
0xb6: {  	s30 =	sld [smem:$0x0];
	_ =	sdelay $0x2  }
0xb7: {  	s31 =	sshll.u32 s1, $0xD;
	s1 =	sshrl.u32 s1, $0x2  }
0xb8: {  	s3 =	sand.u32 $0x4000, s31;
	s1 =	sadd.s32 s1, s30  }
0xb9: {  	s0 =	sor.u32 s3, s0;
	s1 =	sshll.u32 s1, $0x11  }
0xba: {  	s0 =	sor.u32 s1, s0  }
0xbb: {  	s0 =	sadd.s32 $0x8F2B, s0  }
0xbc: {  	[sflag:s0] =	ssyncadd.remote.s32 $0x1  }
0xbd: {  	_ =	sfence.sel $0xFFFF  }
0xbe: {  	[dreg:$0x0] =	wrdreg $0xFFFFFFFF;
	(pc) =	sbr.abs _section_cstart, $3  }
0xbf: {  	[dreg:$0x1] =	wrdreg $0xFFFFFFFF  }
0xc0: {  	_ =	task.clear_ibuf [dreg:s6], $0x2FFFF;
	_ =	strace $0x9FFFFFFF  }
0xc1: {  	(tm) =	ssettm $0x7FFFFFFF  }
tec
execute0_lowered:
.L_overlay_start_1:
0x0: {  	(tag) =	ssettag $0x1  }
0x1: {  	s0 =	rddreg [dreg:$0x0]  }
0x2: {  	s3 =	srdreg.scid;
	s1 =	stileid.u32;
	s2 =	simm.s32 $0x0  }
0x3: {  	s9 =	simm.s32 $0x80;
	s10 =	simm.s32 $0x400;
	s11 =	simm.s32 $0x2400  }
0x4: {  	s12 =	simm.s32 $0x100;
	s13 =	simm.s32 $0x4400;
	s14 =	simm.s32 $0x180  }
0x5: {  	s15 =	simm.s32 $0x6400;
	s16 =	simm.s32 $0x200;
	s17 =	simm.s32 $0x8400  }
0x6: {  	s18 =	simm.s32 $0x280;
	s19 =	simm.s32 $0xA400;
	s20 =	simm.s32 $0x300  }
0x7: {  	s21 =	simm.s32 $0xC400;
	s22 =	simm.s32 $0x380;
	s23 =	simm.s32 $0xE400  }
0x8: {  	s24 =	simm.s32 $0x1;
	s25 =	simm.s32 $0x40;
	s5 =	smul.u32 $0xC800, s1  }
0x9: {  	s26 =	simm.s32 $0x0;
	s4 =	sand.u32 $0x1, s3;
	s7 =	smul.u32 $0xC8000, s1  }
0xa: {  	[smem:$0x7FF] =	sst s2;
	s3 =	sadd.s32 $0xC6A00, s0;
	s6 =	smul.u32 $0x6400, s4  }
0xb: {  	_ =	strace $0x80000050;
	s8 =	ssub.s32 $0x2, s4;
	s4 =	smul.u32 $0x64000, s4  }
0xc: {  	s30 =	sadd.s32 s7, s0;
	s31 =	sshrl.u32 s8, $0x1;
	s5 =	sadd.s32 s6, s5  }
0xd: {  	s7 =	ssub.s32 s8, s31;
	s6 =	sadd.s32 s4, s30;
	s5 =	sshrl.u32 s5, $0x3  }
0xe: {  	s8 =	simm.s32 $0x2;
	s0 =	sadd.s32 s5, s0;
	s5 =	sadd.s32 $0x355208, s6  }
0xf: {  	s4 =	smax.u32 s7, $0x1;
	s6 =	sadd.s32 $0x323200, s0;
	s7 =	sadd.s32 $0x33C200, s0  }
.LBB2_1:
0x10: {  	s0 =	sadd.s32 $0x0, s7  }
0x11: {  	[tilespmem:s2], [sflag:$0x2] =	stream.linear.gather [hbm4b:s0+s2], $0x400, $0x38;
	[tilespmem:$0x10400] =	vst v63  }
0x12: {  	_ =	swait.ge [sflag:s8], $0x400  }
0x13: {  	[sflag:s8] =	ssyncset.done $0x0  }
0x14: {  	[sflag:s8] =	ssyncadd.s32 $0xFFFFFC00  }
0x15: {  	[tilespmem:s10], [sflag:$0x1] =	stream.indirect.gather [hbm4b:s3+s9], $0x40, s2, s9, $0xb8;
	[tilespmem:$0x10400] =	vst v63  }
0x16: {  	_ = 	snop  }
0x17: {  	[tilespmem:s11], [sflag:$0x1] =	stream.indirect.gather [hbm4b:s3+s9], $0x40, s9, s9, $0xb8;
	[tilespmem:$0x10400] =	vst v63  }
0x18: {  	_ = 	snop  }
0x19: {  	[tilespmem:s13], [sflag:$0x1] =	stream.indirect.gather [hbm4b:s3+s9], $0x40, s12, s9, $0xb8;
	[tilespmem:$0x10400] =	vst v63  }
0x1a: {  	_ = 	snop  }
0x1b: {  	[tilespmem:s15], [sflag:$0x1] =	stream.indirect.gather [hbm4b:s3+s9], $0x40, s14, s9, $0xb8;
	[tilespmem:$0x10400] =	vst v63  }
0x1c: {  	_ = 	snop  }
0x1d: {  	[tilespmem:s17], [sflag:$0x1] =	stream.indirect.gather [hbm4b:s3+s9], $0x40, s16, s9, $0xb8;
	[tilespmem:$0x10400] =	vst v63  }
0x1e: {  	_ = 	snop  }
0x1f: {  	[tilespmem:s19], [sflag:$0x1] =	stream.indirect.gather [hbm4b:s3+s9], $0x40, s18, s9, $0xb8;
	[tilespmem:$0x10400] =	vst v63  }
0x20: {  	_ = 	snop  }
0x21: {  	[tilespmem:s21], [sflag:$0x1] =	stream.indirect.gather [hbm4b:s3+s9], $0x40, s20, s9, $0xb8;
	[tilespmem:$0x10400] =	vst v63  }
0x22: {  	_ = 	snop  }
0x23: {  	[tilespmem:s23], [sflag:$0x1] =	stream.indirect.gather [hbm4b:s3+s9], $0x40, s22, s9, $0xb8;
	[tilespmem:$0x10400] =	vst v63  }
0x24: {  	_ =	swait.ge [sflag:s24], $0x2000  }
0x25: {  	[sflag:s24] =	ssyncset.done $0x0  }
0x26: {  	[sflag:s24] =	ssyncadd.s32 $0xFFFFE000  }
0x27: {  	_ =	swait.ge [sflag:s24], $0x2000  }
0x28: {  	[sflag:s24] =	ssyncset.done $0x0  }
0x29: {  	[sflag:s24] =	ssyncadd.s32 $0xFFFFE000  }
0x2a: {  	_ =	swait.ge [sflag:s24], $0x2000  }
0x2b: {  	[sflag:s24] =	ssyncset.done $0x0  }
0x2c: {  	[sflag:s24] =	ssyncadd.s32 $0xFFFFE000  }
0x2d: {  	_ =	swait.ge [sflag:s24], $0x2000  }
0x2e: {  	[sflag:s24] =	ssyncset.done $0x0  }
0x2f: {  	[sflag:s24] =	ssyncadd.s32 $0xFFFFE000  }
0x30: {  	_ =	swait.ge [sflag:s24], $0x2000  }
0x31: {  	[sflag:s24] =	ssyncset.done $0x0  }
0x32: {  	[sflag:s24] =	ssyncadd.s32 $0xFFFFE000  }
0x33: {  	_ =	swait.ge [sflag:s24], $0x2000  }
0x34: {  	[sflag:s24] =	ssyncset.done $0x0  }
0x35: {  	[sflag:s24] =	ssyncadd.s32 $0xFFFFE000  }
0x36: {  	_ =	swait.ge [sflag:s24], $0x2000  }
0x37: {  	[sflag:s24] =	ssyncset.done $0x0  }
0x38: {  	[sflag:s24] =	ssyncadd.s32 $0xFFFFE000  }
0x39: {  	_ =	swait.ge [sflag:s24], $0x2000  }
0x3a: {  	[sflag:s24] =	ssyncset.done $0x0  }
0x3b: {  	s1 =	sadd.s32 $0xFFFFFFF8, s5;
	[sflag:s24] =	ssyncadd.s32 $0xFFFFE000  }
0x3c: {  	[hbm4b:s1+s25] =	stream.strided.scatter [tilespmem:s10], [sflag:$0x2], $0x10000, s9, s25, $0x38;
	[tilespmem:$0x10400] =	vst v63  }
0x3d: {  	_ =	swait.ge [sflag:s8], $0x10000  }
0x3e: {  	[sflag:s8] =	ssyncset.done $0x0  }
0x3f: {  	s31 =	sadd.s32 $0x0, s6;
	[sflag:s8] =	ssyncadd.s32 $0xFFFF0000  }
0x40: {  	[tilespmem:s2], [sflag:$0x2] =	stream.linear.gather [hbm4b:s31+s2], $0x400, $0x38;
	[tilespmem:$0x10400] =	vst v63  }
0x41: {  	_ =	swait.ge [sflag:s8], $0x400  }
0x42: {  	[sflag:s8] =	ssyncset.done $0x0  }
0x43: {  	[sflag:s8] =	ssyncadd.s32 $0xFFFFFC00  }
0x44: {  	[tilespmem:s10], [sflag:$0x1] =	stream.indirect.gather [hbm4b:s3+s9], $0x40, s2, s9, $0xb8;
	[tilespmem:$0x10400] =	vst v63  }
0x45: {  	_ = 	snop  }
0x46: {  	[tilespmem:s11], [sflag:$0x1] =	stream.indirect.gather [hbm4b:s3+s9], $0x40, s9, s9, $0xb8;
	[tilespmem:$0x10400] =	vst v63  }
0x47: {  	_ = 	snop  }
0x48: {  	[tilespmem:s13], [sflag:$0x1] =	stream.indirect.gather [hbm4b:s3+s9], $0x40, s12, s9, $0xb8;
	[tilespmem:$0x10400] =	vst v63  }
0x49: {  	_ = 	snop  }
0x4a: {  	[tilespmem:s15], [sflag:$0x1] =	stream.indirect.gather [hbm4b:s3+s9], $0x40, s14, s9, $0xb8;
	[tilespmem:$0x10400] =	vst v63  }
0x4b: {  	_ = 	snop  }
0x4c: {  	[tilespmem:s17], [sflag:$0x1] =	stream.indirect.gather [hbm4b:s3+s9], $0x40, s16, s9, $0xb8;
	[tilespmem:$0x10400] =	vst v63  }
0x4d: {  	_ = 	snop  }
0x4e: {  	[tilespmem:s19], [sflag:$0x1] =	stream.indirect.gather [hbm4b:s3+s9], $0x40, s18, s9, $0xb8;
	[tilespmem:$0x10400] =	vst v63  }
0x4f: {  	_ = 	snop  }
0x50: {  	[tilespmem:s21], [sflag:$0x1] =	stream.indirect.gather [hbm4b:s3+s9], $0x40, s20, s9, $0xb8;
	[tilespmem:$0x10400] =	vst v63  }
0x51: {  	_ = 	snop  }
0x52: {  	[tilespmem:s23], [sflag:$0x1] =	stream.indirect.gather [hbm4b:s3+s9], $0x40, s22, s9, $0xb8;
	[tilespmem:$0x10400] =	vst v63  }
0x53: {  	_ =	swait.ge [sflag:s24], $0x2000  }
0x54: {  	[sflag:s24] =	ssyncset.done $0x0  }
0x55: {  	[sflag:s24] =	ssyncadd.s32 $0xFFFFE000  }
0x56: {  	_ =	swait.ge [sflag:s24], $0x2000  }
0x57: {  	[sflag:s24] =	ssyncset.done $0x0  }
0x58: {  	[sflag:s24] =	ssyncadd.s32 $0xFFFFE000  }
0x59: {  	_ =	swait.ge [sflag:s24], $0x2000  }
0x5a: {  	[sflag:s24] =	ssyncset.done $0x0  }
0x5b: {  	[sflag:s24] =	ssyncadd.s32 $0xFFFFE000  }
0x5c: {  	_ =	swait.ge [sflag:s24], $0x2000  }
0x5d: {  	[sflag:s24] =	ssyncset.done $0x0  }
0x5e: {  	[sflag:s24] =	ssyncadd.s32 $0xFFFFE000  }
0x5f: {  	_ =	swait.ge [sflag:s24], $0x2000  }
0x60: {  	[sflag:s24] =	ssyncset.done $0x0  }
0x61: {  	[sflag:s24] =	ssyncadd.s32 $0xFFFFE000  }
0x62: {  	_ =	swait.ge [sflag:s24], $0x2000  }
0x63: {  	[sflag:s24] =	ssyncset.done $0x0  }
0x64: {  	[sflag:s24] =	ssyncadd.s32 $0xFFFFE000  }
0x65: {  	_ =	swait.ge [sflag:s24], $0x2000  }
0x66: {  	[sflag:s24] =	ssyncset.done $0x0  }
0x67: {  	[sflag:s24] =	ssyncadd.s32 $0xFFFFE000  }
0x68: {  	_ =	swait.ge [sflag:s24], $0x2000  }
0x69: {  	[sflag:s24] =	ssyncset.done $0x0  }
0x6a: {  	[sflag:s24] =	ssyncadd.s32 $0xFFFFE000  }
0x6b: {  	[hbm4b:s5+s25] =	stream.strided.scatter [tilespmem:s10], [sflag:$0x2], $0x10000, s9, s25, $0x38;
	[tilespmem:$0x10400] =	vst v63  }
0x6c: {  	s29 =	simm.s32 $0x80;
	_ =	swait.ge [sflag:s8], $0x10000  }
0x6d: {  	s30 =	simm.s32 $0x100;
	s28 =	sadd.s32 $0x4000, s5;
	[sflag:s8] =	ssyncset.done $0x0  }
.LBB2_2:
0x6e: {  	s1 =	sadd.s32 s29, s7  }
0x6f: {  	[sflag:s8] =	ssyncadd.s32 $0xFFFF0000;
	s31 =	smov.u32 s30;
	s0 =	sadd.s32 $0x80, s30  }
0x70: {  	[tilespmem:s2], [sflag:$0x2] =	stream.linear.gather [hbm4b:s1+s2], $0x400, $0x38;
	[tilespmem:$0x10400] =	vst v63  }
0x71: {  	p0 =	sne.s32 s30, $0xC00;
	_ =	swait.ge [sflag:s8], $0x400  }
0x72: {  	[sflag:s8] =	ssyncset.done $0x0  }
0x73: {  	[sflag:s8] =	ssyncadd.s32 $0xFFFFFC00  }
0x74: {  	[tilespmem:s10], [sflag:$0x1] =	stream.indirect.gather [hbm4b:s3+s9], $0x40, s2, s9, $0xb8;
	[tilespmem:$0x10400] =	vst v63  }
0x75: {  	_ = 	snop  }
0x76: {  	[tilespmem:s11], [sflag:$0x1] =	stream.indirect.gather [hbm4b:s3+s9], $0x40, s9, s9, $0xb8;
	[tilespmem:$0x10400] =	vst v63  }
0x77: {  	_ = 	snop  }
0x78: {  	[tilespmem:s13], [sflag:$0x1] =	stream.indirect.gather [hbm4b:s3+s9], $0x40, s12, s9, $0xb8;
	[tilespmem:$0x10400] =	vst v63  }
0x79: {  	_ = 	snop  }
0x7a: {  	[tilespmem:s15], [sflag:$0x1] =	stream.indirect.gather [hbm4b:s3+s9], $0x40, s14, s9, $0xb8;
	[tilespmem:$0x10400] =	vst v63  }
0x7b: {  	_ = 	snop  }
0x7c: {  	[tilespmem:s17], [sflag:$0x1] =	stream.indirect.gather [hbm4b:s3+s9], $0x40, s16, s9, $0xb8;
	[tilespmem:$0x10400] =	vst v63  }
0x7d: {  	_ = 	snop  }
0x7e: {  	[tilespmem:s19], [sflag:$0x1] =	stream.indirect.gather [hbm4b:s3+s9], $0x40, s18, s9, $0xb8;
	[tilespmem:$0x10400] =	vst v63  }
0x7f: {  	_ = 	snop  }
0x80: {  	[tilespmem:s21], [sflag:$0x1] =	stream.indirect.gather [hbm4b:s3+s9], $0x40, s20, s9, $0xb8;
	[tilespmem:$0x10400] =	vst v63  }
0x81: {  	_ = 	snop  }
0x82: {  	[tilespmem:s23], [sflag:$0x1] =	stream.indirect.gather [hbm4b:s3+s9], $0x40, s22, s9, $0xb8;
	[tilespmem:$0x10400] =	vst v63  }
0x83: {  	_ =	swait.ge [sflag:s24], $0x2000  }
0x84: {  	[sflag:s24] =	ssyncset.done $0x0  }
0x85: {  	[sflag:s24] =	ssyncadd.s32 $0xFFFFE000  }
0x86: {  	_ =	swait.ge [sflag:s24], $0x2000  }
0x87: {  	[sflag:s24] =	ssyncset.done $0x0  }
0x88: {  	[sflag:s24] =	ssyncadd.s32 $0xFFFFE000  }
0x89: {  	_ =	swait.ge [sflag:s24], $0x2000  }
0x8a: {  	[sflag:s24] =	ssyncset.done $0x0  }
0x8b: {  	[sflag:s24] =	ssyncadd.s32 $0xFFFFE000  }
0x8c: {  	_ =	swait.ge [sflag:s24], $0x2000  }
0x8d: {  	[sflag:s24] =	ssyncset.done $0x0  }
0x8e: {  	[sflag:s24] =	ssyncadd.s32 $0xFFFFE000  }
0x8f: {  	_ =	swait.ge [sflag:s24], $0x2000  }
0x90: {  	[sflag:s24] =	ssyncset.done $0x0  }
0x91: {  	[sflag:s24] =	ssyncadd.s32 $0xFFFFE000  }
0x92: {  	_ =	swait.ge [sflag:s24], $0x2000  }
0x93: {  	[sflag:s24] =	ssyncset.done $0x0  }
0x94: {  	[sflag:s24] =	ssyncadd.s32 $0xFFFFE000  }
0x95: {  	_ =	swait.ge [sflag:s24], $0x2000  }
0x96: {  	[sflag:s24] =	ssyncset.done $0x0  }
0x97: {  	[sflag:s24] =	ssyncadd.s32 $0xFFFFE000  }
0x98: {  	_ =	swait.ge [sflag:s24], $0x2000  }
0x99: {  	[sflag:s24] =	ssyncset.done $0x0  }
0x9a: {  	s1 =	sadd.s32 $0xFFFFFFF8, s28;
	[sflag:s24] =	ssyncadd.s32 $0xFFFFE000  }
0x9b: {  	[hbm4b:s1+s25] =	stream.strided.scatter [tilespmem:s10], [sflag:$0x2], $0x10000, s9, s25, $0x38;
	[tilespmem:$0x10400] =	vst v63  }
0x9c: {  	_ =	swait.ge [sflag:s8], $0x10000  }
0x9d: {  	[sflag:s8] =	ssyncset.done $0x0  }
0x9e: {  	s1 =	sadd.s32 s29, s6;
	s29 =	smov.u32 s31;
	[sflag:s8] =	ssyncadd.s32 $0xFFFF0000  }
0x9f: {  	[tilespmem:s2], [sflag:$0x2] =	stream.linear.gather [hbm4b:s1+s2], $0x400, $0x38;
	[tilespmem:$0x10400] =	vst v63  }
0xa0: {  	_ =	swait.ge [sflag:s8], $0x400  }
0xa1: {  	[sflag:s8] =	ssyncset.done $0x0  }
0xa2: {  	[sflag:s8] =	ssyncadd.s32 $0xFFFFFC00  }
0xa3: {  	[tilespmem:s10], [sflag:$0x1] =	stream.indirect.gather [hbm4b:s3+s9], $0x40, s2, s9, $0xb8;
	[tilespmem:$0x10400] =	vst v63  }
0xa4: {  	_ = 	snop  }
0xa5: {  	[tilespmem:s11], [sflag:$0x1] =	stream.indirect.gather [hbm4b:s3+s9], $0x40, s9, s9, $0xb8;
	[tilespmem:$0x10400] =	vst v63  }
0xa6: {  	_ = 	snop  }
0xa7: {  	[tilespmem:s13], [sflag:$0x1] =	stream.indirect.gather [hbm4b:s3+s9], $0x40, s12, s9, $0xb8;
	[tilespmem:$0x10400] =	vst v63  }
0xa8: {  	_ = 	snop  }
0xa9: {  	[tilespmem:s15], [sflag:$0x1] =	stream.indirect.gather [hbm4b:s3+s9], $0x40, s14, s9, $0xb8;
	[tilespmem:$0x10400] =	vst v63  }
0xaa: {  	_ = 	snop  }
0xab: {  	[tilespmem:s17], [sflag:$0x1] =	stream.indirect.gather [hbm4b:s3+s9], $0x40, s16, s9, $0xb8;
	[tilespmem:$0x10400] =	vst v63  }
0xac: {  	_ = 	snop  }
0xad: {  	[tilespmem:s19], [sflag:$0x1] =	stream.indirect.gather [hbm4b:s3+s9], $0x40, s18, s9, $0xb8;
	[tilespmem:$0x10400] =	vst v63  }
0xae: {  	_ = 	snop  }
0xaf: {  	[tilespmem:s21], [sflag:$0x1] =	stream.indirect.gather [hbm4b:s3+s9], $0x40, s20, s9, $0xb8;
	[tilespmem:$0x10400] =	vst v63  }
0xb0: {  	_ = 	snop  }
0xb1: {  	[tilespmem:s23], [sflag:$0x1] =	stream.indirect.gather [hbm4b:s3+s9], $0x40, s22, s9, $0xb8;
	[tilespmem:$0x10400] =	vst v63  }
0xb2: {  	_ =	swait.ge [sflag:s24], $0x2000  }
0xb3: {  	[sflag:s24] =	ssyncset.done $0x0  }
0xb4: {  	[sflag:s24] =	ssyncadd.s32 $0xFFFFE000  }
0xb5: {  	_ =	swait.ge [sflag:s24], $0x2000  }
0xb6: {  	[sflag:s24] =	ssyncset.done $0x0  }
0xb7: {  	[sflag:s24] =	ssyncadd.s32 $0xFFFFE000  }
0xb8: {  	_ =	swait.ge [sflag:s24], $0x2000  }
0xb9: {  	[sflag:s24] =	ssyncset.done $0x0  }
0xba: {  	[sflag:s24] =	ssyncadd.s32 $0xFFFFE000  }
0xbb: {  	_ =	swait.ge [sflag:s24], $0x2000  }
0xbc: {  	[sflag:s24] =	ssyncset.done $0x0  }
0xbd: {  	[sflag:s24] =	ssyncadd.s32 $0xFFFFE000  }
0xbe: {  	_ =	swait.ge [sflag:s24], $0x2000  }
0xbf: {  	[sflag:s24] =	ssyncset.done $0x0  }
0xc0: {  	[sflag:s24] =	ssyncadd.s32 $0xFFFFE000  }
0xc1: {  	_ =	swait.ge [sflag:s24], $0x2000  }
0xc2: {  	[sflag:s24] =	ssyncset.done $0x0  }
0xc3: {  	[sflag:s24] =	ssyncadd.s32 $0xFFFFE000  }
0xc4: {  	_ =	swait.ge [sflag:s24], $0x2000  }
0xc5: {  	[sflag:s24] =	ssyncset.done $0x0  }
0xc6: {  	[sflag:s24] =	ssyncadd.s32 $0xFFFFE000  }
0xc7: {  	_ =	swait.ge [sflag:s24], $0x2000  }
.Ltmp0:
0xc8: {  	[sflag:s24] =	ssyncset.done $0x0;
	(pc) =	sbr.rel @p0 .LBB2_2-.Ltmp0, $4  }
0xc9: {  	[sflag:s24] =	ssyncadd.s32 $0xFFFFE000  }
0xca: {  	[hbm4b:s28+s25] =	stream.strided.scatter [tilespmem:s10], [sflag:$0x2], $0x10000, s9, s25, $0x38;
	[tilespmem:$0x10400] =	vst v63  }
0xcb: {  	_ =	swait.ge [sflag:s8], $0x10000  }
0xcc: {  	s30 =	smov.u32 s0;
	s28 =	sadd.s32 $0x4000, s28;
	[sflag:s8] =	ssyncset.done $0x0  }
0xcd: {  	s0 =	sadd.s32 s29, s7;
	[sflag:s8] =	ssyncadd.s32 $0xFFFF0000  }
0xce: {  	[tilespmem:s2], [sflag:$0x2] =	stream.linear.gather [hbm4b:s0+s2], $0x400, $0x38;
	[tilespmem:$0x10400] =	vst v63  }
0xcf: {  	_ =	swait.ge [sflag:s8], $0x400  }
0xd0: {  	[sflag:s8] =	ssyncset.done $0x0  }
0xd1: {  	[sflag:s8] =	ssyncadd.s32 $0xFFFFFC00  }
0xd2: {  	[tilespmem:s10], [sflag:$0x1] =	stream.indirect.gather [hbm4b:s3+s9], $0x40, s2, s9, $0xb8;
	[tilespmem:$0x10400] =	vst v63  }
0xd3: {  	_ = 	snop  }
0xd4: {  	[tilespmem:s11], [sflag:$0x1] =	stream.indirect.gather [hbm4b:s3+s9], $0x40, s9, s9, $0xb8;
	[tilespmem:$0x10400] =	vst v63  }
0xd5: {  	_ = 	snop  }
0xd6: {  	[tilespmem:s13], [sflag:$0x1] =	stream.indirect.gather [hbm4b:s3+s9], $0x40, s12, s9, $0xb8;
	[tilespmem:$0x10400] =	vst v63  }
0xd7: {  	_ = 	snop  }
0xd8: {  	[tilespmem:s15], [sflag:$0x1] =	stream.indirect.gather [hbm4b:s3+s9], $0x40, s14, s9, $0xb8;
	[tilespmem:$0x10400] =	vst v63  }
0xd9: {  	_ = 	snop  }
0xda: {  	[tilespmem:s17], [sflag:$0x1] =	stream.indirect.gather [hbm4b:s3+s9], $0x40, s16, s9, $0xb8;
	[tilespmem:$0x10400] =	vst v63  }
0xdb: {  	_ = 	snop  }
0xdc: {  	[tilespmem:s19], [sflag:$0x1] =	stream.indirect.gather [hbm4b:s3+s9], $0x40, s18, s9, $0xb8;
	[tilespmem:$0x10400] =	vst v63  }
0xdd: {  	_ = 	snop  }
0xde: {  	[tilespmem:s21], [sflag:$0x1] =	stream.indirect.gather [hbm4b:s3+s9], $0x40, s20, s9, $0xb8;
	[tilespmem:$0x10400] =	vst v63  }
0xdf: {  	_ = 	snop  }
0xe0: {  	[tilespmem:s23], [sflag:$0x1] =	stream.indirect.gather [hbm4b:s3+s9], $0x40, s22, s9, $0xb8;
	[tilespmem:$0x10400] =	vst v63  }
0xe1: {  	_ =	swait.ge [sflag:s24], $0x2000  }
0xe2: {  	[sflag:s24] =	ssyncset.done $0x0  }
0xe3: {  	[sflag:s24] =	ssyncadd.s32 $0xFFFFE000  }
0xe4: {  	_ =	swait.ge [sflag:s24], $0x2000  }
0xe5: {  	[sflag:s24] =	ssyncset.done $0x0  }
0xe6: {  	[sflag:s24] =	ssyncadd.s32 $0xFFFFE000  }
0xe7: {  	_ =	swait.ge [sflag:s24], $0x2000  }
0xe8: {  	[sflag:s24] =	ssyncset.done $0x0  }
0xe9: {  	[sflag:s24] =	ssyncadd.s32 $0xFFFFE000  }
0xea: {  	_ =	swait.ge [sflag:s24], $0x2000  }
0xeb: {  	[sflag:s24] =	ssyncset.done $0x0  }
0xec: {  	[sflag:s24] =	ssyncadd.s32 $0xFFFFE000  }
0xed: {  	_ =	swait.ge [sflag:s24], $0x2000  }
0xee: {  	[sflag:s24] =	ssyncset.done $0x0  }
0xef: {  	[sflag:s24] =	ssyncadd.s32 $0xFFFFE000  }
0xf0: {  	_ =	swait.ge [sflag:s24], $0x2000  }
0xf1: {  	[sflag:s24] =	ssyncset.done $0x0  }
0xf2: {  	[sflag:s24] =	ssyncadd.s32 $0xFFFFE000  }
0xf3: {  	_ =	swait.ge [sflag:s24], $0x2000  }
0xf4: {  	[sflag:s24] =	ssyncset.done $0x0  }
0xf5: {  	[sflag:s24] =	ssyncadd.s32 $0xFFFFE000  }
0xf6: {  	_ =	swait.ge [sflag:s24], $0x2000  }
0xf7: {  	[sflag:s24] =	ssyncset.done $0x0  }
0xf8: {  	s30 =	sadd.s32 $0xFFFFFFF8, s28;
	[sflag:s24] =	ssyncadd.s32 $0xFFFFE000  }
0xf9: {  	[hbm4b:s30+s25] =	stream.strided.scatter [tilespmem:s10], [sflag:$0x2], $0x10000, s9, s25, $0x38;
	[tilespmem:$0x10400] =	vst v63  }
0xfa: {  	_ =	swait.ge [sflag:s8], $0x10000  }
0xfb: {  	[sflag:s8] =	ssyncset.done $0x0  }
0xfc: {  	s31 =	sadd.s32 s29, s6;
	[sflag:s8] =	ssyncadd.s32 $0xFFFF0000  }
0xfd: {  	[tilespmem:s2], [sflag:$0x2] =	stream.linear.gather [hbm4b:s31+s2], $0x400, $0x38;
	[tilespmem:$0x10400] =	vst v63  }
0xfe: {  	_ =	swait.ge [sflag:s8], $0x400  }
0xff: {  	[sflag:s8] =	ssyncset.done $0x0  }
0x100: {  	[sflag:s8] =	ssyncadd.s32 $0xFFFFFC00  }
0x101: {  	[tilespmem:s10], [sflag:$0x1] =	stream.indirect.gather [hbm4b:s3+s9], $0x40, s2, s9, $0xb8;
	[tilespmem:$0x10400] =	vst v63  }
0x102: {  	_ = 	snop  }
0x103: {  	[tilespmem:s11], [sflag:$0x1] =	stream.indirect.gather [hbm4b:s3+s9], $0x40, s9, s9, $0xb8;
	[tilespmem:$0x10400] =	vst v63  }
0x104: {  	_ = 	snop  }
0x105: {  	[tilespmem:s13], [sflag:$0x1] =	stream.indirect.gather [hbm4b:s3+s9], $0x40, s12, s9, $0xb8;
	[tilespmem:$0x10400] =	vst v63  }
0x106: {  	_ = 	snop  }
0x107: {  	[tilespmem:s15], [sflag:$0x1] =	stream.indirect.gather [hbm4b:s3+s9], $0x40, s14, s9, $0xb8;
	[tilespmem:$0x10400] =	vst v63  }
0x108: {  	_ = 	snop  }
0x109: {  	[tilespmem:s17], [sflag:$0x1] =	stream.indirect.gather [hbm4b:s3+s9], $0x40, s16, s9, $0xb8;
	[tilespmem:$0x10400] =	vst v63  }
0x10a: {  	_ = 	snop  }
0x10b: {  	[tilespmem:s19], [sflag:$0x1] =	stream.indirect.gather [hbm4b:s3+s9], $0x40, s18, s9, $0xb8;
	[tilespmem:$0x10400] =	vst v63  }
0x10c: {  	_ = 	snop  }
0x10d: {  	[tilespmem:s21], [sflag:$0x1] =	stream.indirect.gather [hbm4b:s3+s9], $0x40, s20, s9, $0xb8;
	[tilespmem:$0x10400] =	vst v63  }
0x10e: {  	_ = 	snop  }
0x10f: {  	[tilespmem:s23], [sflag:$0x1] =	stream.indirect.gather [hbm4b:s3+s9], $0x40, s22, s9, $0xb8;
	[tilespmem:$0x10400] =	vst v63  }
0x110: {  	_ =	swait.ge [sflag:s24], $0x2000  }
0x111: {  	[sflag:s24] =	ssyncset.done $0x0  }
0x112: {  	[sflag:s24] =	ssyncadd.s32 $0xFFFFE000  }
0x113: {  	_ =	swait.ge [sflag:s24], $0x2000  }
0x114: {  	[sflag:s24] =	ssyncset.done $0x0  }
0x115: {  	[sflag:s24] =	ssyncadd.s32 $0xFFFFE000  }
0x116: {  	_ =	swait.ge [sflag:s24], $0x2000  }
0x117: {  	[sflag:s24] =	ssyncset.done $0x0  }
0x118: {  	[sflag:s24] =	ssyncadd.s32 $0xFFFFE000  }
0x119: {  	_ =	swait.ge [sflag:s24], $0x2000  }
0x11a: {  	[sflag:s24] =	ssyncset.done $0x0  }
0x11b: {  	[sflag:s24] =	ssyncadd.s32 $0xFFFFE000  }
0x11c: {  	_ =	swait.ge [sflag:s24], $0x2000  }
0x11d: {  	[sflag:s24] =	ssyncset.done $0x0  }
0x11e: {  	[sflag:s24] =	ssyncadd.s32 $0xFFFFE000  }
0x11f: {  	_ =	swait.ge [sflag:s24], $0x2000  }
0x120: {  	[sflag:s24] =	ssyncset.done $0x0  }
0x121: {  	[sflag:s24] =	ssyncadd.s32 $0xFFFFE000  }
0x122: {  	_ =	swait.ge [sflag:s24], $0x2000  }
0x123: {  	[sflag:s24] =	ssyncset.done $0x0  }
0x124: {  	[sflag:s24] =	ssyncadd.s32 $0xFFFFE000  }
0x125: {  	s26 =	sadd.s32 $0x1, s26;
	_ =	swait.ge [sflag:s24], $0x2000  }
0x126: {  	p0 =	sne.s32 s26, s4;
	[sflag:s24] =	ssyncset.done $0x0  }
.Ltmp1:
0x127: {  	[sflag:s24] =	ssyncadd.s32 $0xFFFFE000;
	(pc) =	sbr.rel @p0 .LBB2_1-.Ltmp1, $4  }
0x128: {  	[hbm4b:s28+s25] =	stream.strided.scatter [tilespmem:s10], [sflag:$0x2], $0x10000, s9, s25, $0x38;
	[tilespmem:$0x10400] =	vst v63  }
0x129: {  	_ =	swait.ge [sflag:s8], $0x10000  }
0x12a: {  	[sflag:s8] =	ssyncset.done $0x0  }
0x12b: {  	[sflag:s8] =	ssyncadd.s32 $0xFFFF0000  }
0x12c: {  	_ =	sfence.sel $0x180000  }
0x12d: {  	[bflag:$0x0] =	sbarrier.arrive $0xFFFF  }
0x12e: {  	_ =	strace $0x90000050  }
0x12f: {  	s0 =	stileid.u32;
	[bflag:$0x2] =	sbarrier.arrive $0xFFFF  }
0x130: {  	p0 =	sne.s32 s0, $0x0;
	s0 =	rddreg [dreg:$0x1]  }
0x131: {  	s0 =	sadd.s32 @!p0 $0x100000, s0  }
0x132: {  	[sflag:s0] =	ssyncadd.tile.s32 @!p0 $0x1;
	_ =	shalt  }
.Lfunc_end2:
_tile_overlayer_lowered:
.L_overlay_start_2:
0x133: {  	(tag) =	ssettag $0x2  }
0x134: {  	s0 =	rddreg [dreg:$0x0];
	s2 =	stileid.u32  }
0x135: {  	s1 =	rddreg [dreg:$0x1];
	p0 =	sne.s32 s2, $0x0  }
0x136: {  	s3 =	rddreg [dreg:$0x2];
	[bflag:$0x3] =	sbarrier.arrive $0xFFFF;
	s2 =	simm.s32 @!p0 $0x1C02  }
0x137: {  	[timem:s3], [sflag:s2] =	dma.local @!p0 [hbm:s0], s1  }
0x138: {  	s0 =	simm.s32 @!p0 $0x2  }
0x139: {  	_ =	swait.ge @!p0 [sflag:s0], s1  }
0x13a: {  	s1 =	ssub.s32 @!p0 $0x0, s1;
	[sflag:s0] =	ssyncset.done @!p0 $0x0  }
0x13b: {  	[sflag:s0] =	ssyncadd.s32 @!p0 s1  }
0x13c: {  	[bflag:$0x3] =	sbarrier.arrive $0xFFFF  }
0x13d: {  	_ =	shalt  }

// kernel: kernel.8.cloned.1.call-start
scs
__scs_entry_jumppad:
0x0: {  	(pc) =	sbr.rel $0x88, $3  }
0x1: {  	(tag) =	ssettag $0x0;
	lr =	simm.s32 $0x1  }
0x2: {  	[smem:$0x3F90] =	sst lr;
	_ =	strace $0xD0000000  }
0x3: {  	_ = 	snop  }
0x4: {  	_ = 	snop  }
0x5: {  	_ = 	snop  }
0x6: {  	_ = 	snop  }
0x7: {  	_ = 	snop  }
__scs_overlays_trampoline_lowered:
0x8: {  	[smem:$0x3F9F] =	sst s0  }
0x9: {  	[smem:$0x3FA0] =	sst s1  }
0xa: {  	[smem:$0x3FA1] =	sst s2  }
0xb: {  	[smem:$0x3FA2] =	sst s3  }
0xc: {  	[smem:$0x3FA3] =	sst s4  }
0xd: {  	[smem:$0x3FA4] =	sst s5  }
0xe: {  	[smem:$0x3FA5] =	sst s6  }
0xf: {  	[smem:$0x3FA6] =	sst s7  }
0x10: {  	[smem:$0x3FA7] =	sst s8  }
0x11: {  	[smem:$0x3FA8] =	sst s9;
	s0 =	simm.s32 @!p0 $0x0  }
0x12: {  	s1 =	sld [smem:$0x3F8E];
	s0 =	simm.s32 @p0 $0x1  }
0x13: {  	[smem:$0x3FA9] =	sst s0;
	s0 =	simm.s32 @!p1 $0x0  }
0x14: {  	s2 =	sld [smem:$0x3F8D];
	s0 =	simm.s32 @p1 $0x1  }
0x15: {  	[smem:$0x3FAA] =	sst s0;
	s0 =	simm.s32 @!p2 $0x0  }
0x16: {  	s3 =	sld [smem:$0x3FDB];
	s0 =	simm.s32 @p2 $0x1  }
0x17: {  	s4 =	simm.s32 $0x1BF5;
	[smem:$0x3FAC] =	sst s0  }
0x18: {  	s0 =	sld [smem:$0x3F8F];
	_ =	swait.ge [sflag:s4], $0x0  }
0x19: {  	s7 =	sld [smem:$0x3F90]  }
0x1a: {  	s8 =	sadd.s32 $0xFFFFE003, lr  }
0x1b: {  	s9 =	sadd.s32 $0xFFFFFEF7, lr;
	s5 =	simm.s32 $0xFFFFFFFF;
	p2 =	slt.u32 s8, $0xFFFFF086  }
0x1c: {  	p1 =	slt.u32 s9, $0xF7A;
	s5 =	simm.s32 @!p2 $0x0  }
0x1d: {  	s5 =	simm.s32 @p1 $0x1;
	p0 =	seq.s32 s7, s2  }
0x1e: {  	s7 =	smul.u32 @!p0 $0xF7A, s2;
	p2 =	seq.s32 @!p0 s5, $0x0  }
0x1f: {  	s9 =	smul.u32 $0xF7A, s1;
	s8 =	simm.s32 @!p0 $0x1BF5;
	p2 =	por !p2, p0  }
0x20: {  	[sflag:s8] =	ssyncset.s32 @!p0 $0xFFFFF086;
	s6 =	sadd.s32 @!p0 s3, s7;
	s7 =	simm.s32 @!p0 $0x108  }
0x21: {  	s3 =	sadd.s32 s3, s9;
	s6 =	sadd.s32 @!p0 $0x88, s6;
	s7 =	simm.s32 @p2 $0x1082  }
0x22: {  	[simem:s7], [sflag:s8] =	dma.local @!p0 [hbm:s6], $0xF7A  }
0x23: {  	s9 =	sor.u32 $0xD0000000, s2;
	s6 =	simm.s32 $0x108;
	_ =	swait.ge @!p0 [sflag:s8], $0x0  }
0x24: {  	s3 =	sadd.s32 $0x88, s3;
	s6 =	simm.s32 @!p1 $0x1082;
	[sflag:s4] =	ssyncset.s32 $0xFFFFF086  }
0x25: {  	[simem:s6], [sflag:s4] =	dma.local [hbm:s3], $0xF7A  }
0x26: {  	[smem:$0x3F90] =	sst s1;
	(tag) =	ssettag s2;
	_ =	strace s9  }
0x27: {  	s1 =	sld [smem:$0x3FA0]  }
0x28: {  	s2 =	sld [smem:$0x3FA1]  }
0x29: {  	s4 =	sld [smem:$0x3FA3]  }
0x2a: {  	p0 =	seq.s32 s5, $0x0;
	s5 =	sld [smem:$0x3FA4]  }
0x2b: {  	s6 =	sld [smem:$0x3FA5]  }
0x2c: {  	s7 =	sld [smem:$0x3FA6]  }
0x2d: {  	s3 =	simm.s32 $0x108;
	s8 =	sld [smem:$0x3FA7]  }
0x2e: {  	s3 =	simm.s32 @!p0 $0x1082;
	s9 =	sld [smem:$0x3FA8]  }
0x2f: {  	lr =	sadd.s32 s0, s3;
	s0 =	sld [smem:$0x3F9F]  }
0x30: {  	s3 =	sld [smem:$0x3FA2]  }
0x31: {  	[smem:$0x3FAB] =	sst s10  }
0x32: {  	s10 =	sld [smem:$0x3FA9];
	_ =	sdelay $0x3  }
0x33: {  	p0 =	seq.s32 s10, $0x1;
	s10 =	sld [smem:$0x3FAB];
	_ =	sdelay $0x3  }
0x34: {  	[smem:$0x3FAB] =	sst s10  }
0x35: {  	s10 =	sld [smem:$0x3FAA];
	_ =	sdelay $0x3  }
0x36: {  	p1 =	seq.s32 s10, $0x1;
	s10 =	sld [smem:$0x3FAB];
	_ =	sdelay $0x3  }
0x37: {  	[smem:$0x3FAB] =	sst s10  }
0x38: {  	s10 =	sld [smem:$0x3FAC]  }
0x39: {  	_ = 	snop;
	(pc) =	sbr.ind lr, $3  }
0x3a: {  	_ = 	snop  }
0x3b: {  	_ = 	snop  }
0x3c: {  	p2 =	seq.s32 s10, $0x1;
	s10 =	sld [smem:$0x3FAB]  }
0x3d: {  	_ =	shalt  }
0x3e: {  	_ =	shalt  }
0x3f: {  	_ =	shalt  }
0x40: {  	_ =	shalt  }
0x41: {  	_ =	shalt  }
0x42: {  	_ =	shalt  }
0x43: {  	_ =	shalt  }
0x44: {  	_ =	shalt  }
0x45: {  	_ =	shalt  }
0x46: {  	_ =	shalt  }
0x47: {  	_ =	shalt  }
0x48: {  	_ =	shalt  }
0x49: {  	_ =	shalt  }
0x4a: {  	_ =	shalt  }
0x4b: {  	_ =	shalt  }
0x4c: {  	_ =	shalt  }
0x4d: {  	_ =	shalt  }
0x4e: {  	_ =	shalt  }
0x4f: {  	_ =	shalt  }
0x50: {  	_ =	shalt  }
0x51: {  	_ =	shalt  }
0x52: {  	_ =	shalt  }
0x53: {  	_ =	shalt  }
0x54: {  	_ =	shalt  }
0x55: {  	_ =	shalt  }
0x56: {  	_ =	shalt  }
0x57: {  	_ =	shalt  }
0x58: {  	_ =	shalt  }
0x59: {  	_ =	shalt  }
0x5a: {  	_ =	shalt  }
0x5b: {  	_ =	shalt  }
0x5c: {  	_ =	shalt  }
0x5d: {  	_ =	shalt  }
0x5e: {  	_ =	shalt  }
0x5f: {  	_ =	shalt  }
0x60: {  	_ =	shalt  }
0x61: {  	_ =	shalt  }
0x62: {  	_ =	shalt  }
0x63: {  	_ =	shalt  }
0x64: {  	_ =	shalt  }
0x65: {  	_ =	shalt  }
0x66: {  	_ =	shalt  }
0x67: {  	_ =	shalt  }
0x68: {  	_ =	shalt  }
0x69: {  	_ =	shalt  }
0x6a: {  	_ =	shalt  }
0x6b: {  	_ =	shalt  }
0x6c: {  	_ =	shalt  }
0x6d: {  	_ =	shalt  }
0x6e: {  	_ =	shalt  }
0x6f: {  	_ =	shalt  }
0x70: {  	_ =	shalt  }
0x71: {  	_ =	shalt  }
0x72: {  	_ =	shalt  }
0x73: {  	_ =	shalt  }
0x74: {  	_ =	shalt  }
0x75: {  	_ =	shalt  }
0x76: {  	_ =	shalt  }
0x77: {  	_ =	shalt  }
0x78: {  	_ =	shalt  }
0x79: {  	_ =	shalt  }
0x7a: {  	_ =	shalt  }
0x7b: {  	_ =	shalt  }
0x7c: {  	_ =	shalt  }
0x7d: {  	_ =	shalt  }
0x7e: {  	_ =	shalt  }
0x7f: {  	_ =	shalt  }
0x80: {  	_ =	shalt  }
0x81: {  	_ =	shalt  }
0x82: {  	_ =	shalt  }
0x83: {  	_ =	shalt  }
0x84: {  	_ =	shalt  }
0x85: {  	_ =	shalt  }
0x86: {  	_ =	shalt  }
0x87: {  	_ =	shalt  }
.Lfunc_end0:
.L_simem_size_0:
called_computation.1_lowered:
.L_overlay_start_0:
0x88: {  	s2 =	sld [smem:$0x3FD9]  }
0x89: {  	s3 =	sld [smem:$0x3FFE];
	_ =	sdelay $0x1  }
0x8a: {  	s1 =	srdreg.scid  }
0x8b: {  	s0 =	sand.u32 $0x1, s1  }
0x8c: {  	s17 =	sshll.u32 s0, $0xA;
	s2 =	sadd.s32 s3, s2  }
0x8d: {  	s2 =	sadd.s32 s2, s17  }
0x8e: {  	[smem:$0x3FB7] =	sst s2  }
0x8f: {  	_ = 	snop  }
0x90: {  	s2 =	sld [smem:$0x3FD0];
	(tm) =	ssettm $0x1  }
0x91: {  	s18 =	sld [smem:$0x3FFB];
	_ =	sdelay $0x3  }
0x92: {  	_ =	strace s18  }
0x93: {  	s3 =	sld [smem:$0x3FFC];
	_ =	sdelay $0x3  }
0x94: {  	_ =	strace s3  }
0x95: {  	s3 =	sld [smem:$0x3FFD];
	_ =	sdelay $0x3  }
0x96: {  	_ =	strace s3  }
0x97: {  	_ =	strace $0x8FFFFFFF  }
0x98: {  	s19 =	sld [smem:$0x3FDB];
	_ =	sdelay $0x1  }
0x99: {  	s4 =	simm.s32 $_scs_section_size  }
0x9a: {  	s5 =	simm.s32 $_size__tile_overlayer_lowered;
	s6 =	simm.s32 $_tile_overlayer_lowered  }
0x9b: {  	s22 =	simm.s32 $0x1BFF;
	s21 =	sshll.u32 s6, $0x1;
	s3 =	sadd.s32 s4, s19  }
0x9c: {  	s7 =	simm.s32 $0x0;
	s20 =	sshll.u32 s5, $0x1;
	s5 =	sadd.s32 s21, s3  }
0x9d: {  	[timem:s7], [sflag:s22] =	dma.local [hbm:s5], s20  }
0x9e: {  	_ =	swait.ge [sflag:s22], s20  }
0x9f: {  	s4 =	ssub.s32 $0x0, s20;
	[sflag:s22] =	ssyncset.done $0x0  }
0xa0: {  	[sflag:s22] =	ssyncadd.s32 s4;
	_ =	sdelay $0x1  }
0xa1: {  	s23 =	simm.s32 $0x1B8B  }
0xa2: {  	_ =	swait.ge [sflag:s23], $0x1  }
0xa3: {  	[sflag:s23] =	ssyncset.done $0x0  }
0xa4: {  	s25 =	simm.s32 $0x1B8E;
	s24 =	sld [smem:$0x3FFE];
	[sflag:s23] =	ssyncadd.s32 $0xFFFFFFFF  }
0xa5: {  	s26 =	simm.s32 $execute0_lowered;
	[smem:$0x3FD2] =	sst s25  }
0xa6: {  	s5 =	sshll.u32 s26, $0x1;
	_ =	strace $0x80000049;
	[dreg:$0x1] =	wrdreg $0xFFFFFFFF  }
0xa7: {  	s28 =	simm.s32 $_size_execute0_lowered;
	s3 =	sadd.s32 s3, s5;
	[dreg:$0x0] =	wrdreg $0x0  }
0xa8: {  	s5 =	sshll.u32 s28, $0x1;
	[dreg:$0x2] =	wrdreg s3  }
0xa9: {  	[dreg:$0x3] =	wrdreg s5  }
0xaa: {  	[dreg:$0x4] =	wrdreg $0xC0  }
0xab: {  	_ =	task [dreg:s7], $0x5FFFF  }
0xac: {  	[dreg:$0x1] =	wrdreg $0xFFFFFFFF  }
0xad: {  	[dreg:$0x0] =	wrdreg $0x60  }
0xae: {  	[dreg:$0x2] =	wrdreg s24  }
0xaf: {  	[dreg:$0x3] =	wrdreg s2  }
0xb0: {  	[dreg:$0x4] =	wrdreg $0x88000  }
0xb1: {  	[dreg:$0x5] =	wrdreg $0x9  }
0xb2: {  	_ =	task.clear_ibuf [dreg:s7], $0x6FFFF;
	_ =	strace $0x90000049  }
0xb3: {  	s29 =	simm.s32 $0x9;
	_ =	strace $0x8000004B  }
0xb4: {  	_ =	swait.ge [sflag:s29], $0x1  }
0xb5: {  	[sflag:s29] =	ssyncadd.s32 $0xFFFFFFFF  }
0xb6: {  	_ =	strace $0x9000004B  }
0xb7: {  	_ =	sfence  }
0xb8: {  	s30 =	sld [smem:$0x0];
	_ =	sdelay $0x2  }
0xb9: {  	s31 =	sshll.u32 s1, $0xD;
	s1 =	sshrl.u32 s1, $0x2  }
0xba: {  	s3 =	sand.u32 $0x4000, s31;
	s1 =	sadd.s32 s1, s30  }
0xbb: {  	s0 =	sor.u32 s3, s0;
	s1 =	sshll.u32 s1, $0x11  }
0xbc: {  	s0 =	sor.u32 s1, s0  }
0xbd: {  	s0 =	sadd.s32 $0x8F2B, s0  }
0xbe: {  	[sflag:s0] =	ssyncadd.remote.s32 $0x1  }
0xbf: {  	_ =	sfence.sel $0xFFFF  }
0xc0: {  	[dreg:$0x0] =	wrdreg $0xFFFFFFFF;
	(pc) =	sbr.abs _section_cstart, $3  }
0xc1: {  	[dreg:$0x1] =	wrdreg $0xFFFFFFFF  }
0xc2: {  	_ =	task.clear_ibuf [dreg:s7], $0x2FFFF;
	_ =	strace $0x9FFFFFFF  }
0xc3: {  	(tm) =	ssettm $0x7FFFFFFF  }
tec
execute0_lowered:
.L_overlay_start_1:
0x0: {  	(tag) =	ssettag $0x1  }
0x1: {  	s0 =	rddreg [dreg:$0x0]  }
0x2: {  	s2 =	rddreg [dreg:$0x1]  }
0x3: {  	s1 =	rddreg [dreg:$0x2];
	s20 =	simm.s32 $0x0;
	s3 =	srdreg.scid  }
0x4: {  	s12 =	stileid.u32;
	s14 =	simm.s32 $0x2;
	s15 =	simm.s32 $0x400  }
0x5: {  	s17 =	simm.s32 $0x80;
	s18 =	simm.s32 $0x4800;
	s19 =	simm.s32 $0x5000  }
0x6: {  	s28 =	simm.s32 $0x7000;
	s30 =	simm.s32 $0x7800;
	s31 =	simm.s32 $0x380  }
0x7: {  	s13 =	simm.s32 $0x680;
	s16 =	simm.s32 $0x780;
	[smem:$0x7FF] =	sst s20  }
0x8: {  	s29 =	simm.s32 $0x0;
	s4 =	sadd.s32 $0x35B400, s0;
	s5 =	sadd.s32 $0x33C200, s0  }
0x9: {  	s3 =	sand.u32 $0x1, s3;
	s6 =	sadd.s32 $0x323200, s0;
	s9 =	smul.u32 $0xC380, s12  }
0xa: {  	s7 =	sadd.s32 $0x193200, s0;
	s0 =	sadd.s32 $0x3200, s0;
	s23 =	sshll.u32 s12, $0x1  }
0xb: {  	s24 =	sshll.u32 s12, $0x6;
	s12 =	simm.s32 $0x580;
	_ =	strace $0x8000004A  }
0xc: {  	s8 =	ssub.s32 $0x2, s3;
	s11 =	smul.u32 $0xC3800, s3;
	[dreg:$0x5] =	wrdreg s0  }
0xd: {  	s3 =	sor.u32 s3, s23;
	s22 =	sor.u32 $0x1C02, s24;
	s10 =	sshrl.u32 s8, $0x1  }
0xe: {  	s23 =	simm.s32 $0x6000;
	[dreg:$0x6] =	wrdreg s22;
	s21 =	ssub.s32 s8, s10  }
0xf: {  	s25 =	sadd.s32 s9, s11;
	s9 =	sadd.s32 s9, s1;
	s10 =	smul.u32 $0x6400, s3  }
0x10: {  	s3 =	simm.s32 $0x1;
	s8 =	simm.s32 $0x480;
	s11 =	simm.s32 $0x500  }
0x11: {  	s26 =	sshrl.u32 s25, $0x3;
	s0 =	smax.u32 s21, $0x1;
	s21 =	simm.s32 $0x5800  }
0x12: {  	s25 =	simm.s32 $0x6800;
	s2 =	sadd.s32 s2, s26;
	[dreg:$0x8] =	wrdreg s0  }
0x13: {  	s26 =	sshrl.u32 s9, $0x3;
	s0 =	simm.s32 $0x8000;
	[dreg:$0x7] =	wrdreg s2  }
0x14: {  	s9 =	simm.s32 $0x600;
	s2 =	simm.s32 $0x700;
	[dreg:$0x9] =	wrdreg s26  }
.LBB2_1:
0x15: {  	[dreg:$0x4] =	wrdreg s20  }
0x16: {  	s24 =	rddreg [dreg:$0x5]  }
0x17: {  	[spmem:s26], [sflag:s22] =	dma.local [hbm:s24], $0x1870  }
0x18: {  	_ =	swait.ge [sflag:s14], $0x1870  }
0x19: {  	[sflag:s14] =	ssyncset.done $0x0  }
0x1a: {  	[sflag:s14] =	ssyncadd.s32 $0xFFFFE790  }
0x1b: {  	s20 =	simm.s32 $0x0;
	[bflag:$0x0] =	sbarrier.arrive $0xFFFF  }
.LBB2_2:
0x1c: {  	s22 =	sshll.u32 s20, $0xA  }
0x1d: {  	s22 =	sadd.s32 s10, s22  }
0x1e: {  	s24 =	sshrl.u32 s22, $0x3  }
0x1f: {  	s26 =	sadd.s32 s5, s24  }
0x20: {  	[tilespmem:s29], [sflag:$0x2] =	stream.linear.gather [hbm4b:s26+s29], $0x400, $0x38;
	[tilespmem:$0x14B80] =	vst v63  }
0x21: {  	_ =	swait.ge [sflag:s14], $0x400  }
0x22: {  	[sflag:s14] =	ssyncset.done $0x0  }
0x23: {  	s24 =	sadd.s32 s6, s24;
	[sflag:s14] =	ssyncadd.s32 $0xFFFFFC00  }
0x24: {  	[tilespmem:s15], [sflag:$0x2] =	stream.linear.gather [hbm4b:s24+s29], $0x400, $0x38;
	[tilespmem:$0x14B80] =	vst v63  }
0x25: {  	_ =	swait.ge [sflag:s14], $0x400  }
0x26: {  	s22 =	sshll.u32 s22, $0x1;
	[sflag:s14] =	ssyncset.done $0x0  }
0x27: {  	s22 =	sadd.s32 s7, s22;
	s26 =	simm.s32 $0x800;
	[sflag:s14] =	ssyncadd.s32 $0xFFFFFC00  }
0x28: {  	[tilespmem:s26], [sflag:$0x2] =	stream.linear.gather [hbm4b:s22+s29], $0x4000, $0x38;
	[tilespmem:$0x14B80] =	vst v63  }
0x29: {  	_ =	swait.ge [sflag:s14], $0x4000  }
0x2a: {  	[sflag:s14] =	ssyncset.done $0x0  }
0x2b: {  	[sflag:s14] =	ssyncadd.s32 $0xFFFFC000  }
0x2c: {  	[tilespmem:s18], [sflag:$0x1] =	stream.indirect.gather [hbm4b:s4+s17], $0x10, s29, s17, $0xb8;
	[tilespmem:$0x14B80] =	vst v63  }
0x2d: {  	_ = 	snop  }
0x2e: {  	[tilespmem:s19], [sflag:$0x1] =	stream.indirect.gather [hbm4b:s4+s17], $0x10, s17, s17, $0xb8;
	[tilespmem:$0x14B80] =	vst v63  }
0x2f: {  	s26 =	simm.s32 $0x100  }
0x30: {  	[tilespmem:s21], [sflag:$0x1] =	stream.indirect.gather [hbm4b:s4+s17], $0x10, s26, s17, $0xb8;
	[tilespmem:$0x14B80] =	vst v63  }
0x31: {  	s24 =	simm.s32 $0x180  }
0x32: {  	[tilespmem:s23], [sflag:$0x1] =	stream.indirect.gather [hbm4b:s4+s17], $0x10, s24, s17, $0xb8;
	[tilespmem:$0x14B80] =	vst v63  }
0x33: {  	s26 =	simm.s32 $0x200  }
0x34: {  	[tilespmem:s25], [sflag:$0x1] =	stream.indirect.gather [hbm4b:s4+s17], $0x10, s26, s17, $0xb8;
	[tilespmem:$0x14B80] =	vst v63  }
0x35: {  	s24 =	simm.s32 $0x280  }
0x36: {  	[tilespmem:s28], [sflag:$0x1] =	stream.indirect.gather [hbm4b:s4+s17], $0x10, s24, s17, $0xb8;
	[tilespmem:$0x14B80] =	vst v63  }
0x37: {  	s26 =	simm.s32 $0x300  }
0x38: {  	[tilespmem:s30], [sflag:$0x1] =	stream.indirect.gather [hbm4b:s4+s17], $0x10, s26, s17, $0xb8;
	[tilespmem:$0x14B80] =	vst v63  }
0x39: {  	_ = 	snop  }
0x3a: {  	[tilespmem:s0], [sflag:$0x1] =	stream.indirect.gather [hbm4b:s4+s17], $0x10, s31, s17, $0xb8;
	[tilespmem:$0x14B80] =	vst v63  }
0x3b: {  	_ =	swait.ge [sflag:s3], $0x800  }
0x3c: {  	[sflag:s3] =	ssyncset.done $0x0  }
0x3d: {  	[sflag:s3] =	ssyncadd.s32 $0xFFFFF800  }
0x3e: {  	_ =	swait.ge [sflag:s3], $0x800  }
0x3f: {  	[sflag:s3] =	ssyncset.done $0x0  }
0x40: {  	[sflag:s3] =	ssyncadd.s32 $0xFFFFF800  }
0x41: {  	_ =	swait.ge [sflag:s3], $0x800  }
0x42: {  	[sflag:s3] =	ssyncset.done $0x0  }
0x43: {  	[sflag:s3] =	ssyncadd.s32 $0xFFFFF800  }
0x44: {  	_ =	swait.ge [sflag:s3], $0x800  }
0x45: {  	[sflag:s3] =	ssyncset.done $0x0  }
0x46: {  	[sflag:s3] =	ssyncadd.s32 $0xFFFFF800  }
0x47: {  	_ =	swait.ge [sflag:s3], $0x800  }
0x48: {  	[sflag:s3] =	ssyncset.done $0x0  }
0x49: {  	[sflag:s3] =	ssyncadd.s32 $0xFFFFF800  }
0x4a: {  	_ =	swait.ge [sflag:s3], $0x800  }
0x4b: {  	[sflag:s3] =	ssyncset.done $0x0  }
0x4c: {  	[sflag:s3] =	ssyncadd.s32 $0xFFFFF800  }
0x4d: {  	_ =	swait.ge [sflag:s3], $0x800  }
0x4e: {  	[sflag:s3] =	ssyncset.done $0x0  }
0x4f: {  	[sflag:s3] =	ssyncadd.s32 $0xFFFFF800  }
0x50: {  	_ =	swait.ge [sflag:s3], $0x800  }
0x51: {  	[sflag:s3] =	ssyncset.done $0x0  }
0x52: {  	s22 =	simm.s32 $0x0;
	[sflag:s3] =	ssyncadd.s32 $0xFFFFF800  }
0x53: {  	v7 =	vld [tilespmem:s22+$0x800]  }
0x54: {  	v11 =	vld [tilespmem:s22+$0x810]  }
0x55: {  	v5 =	vld [tilespmem:s22+$0x820]  }
0x56: {  	v4 =	vld [tilespmem:s22+$0x830]  }
0x57: {  	v3 =	vld [tilespmem:s22+$0x840]  }
0x58: {  	v2 =	vld [tilespmem:s22+$0x850]  }
0x59: {  	v1 =	vld [tilespmem:s22+$0x860]  }
0x5a: {  	v0 =	vld [tilespmem:s22+$0x870]  }
0x5b: {  	v12 =	vld [tilespmem:s22+$0x4800]  }
0x5c: {  	v13 =	vld [tilespmem:s22+$0x4810]  }
0x5d: {  	v10 =	vld [tilespmem:s22+$0x4820]  }
0x5e: {  	v9 =	vld [tilespmem:s22+$0x4830]  }
0x5f: {  	v8 =	vld [tilespmem:s22+$0x4840]  }
0x60: {  	v6 =	vld [tilespmem:s22+$0x4850];
	v12 =	vmul.f32 v7, v12  }
0x61: {  	s24 =	simm.s32 $0x200;
	v11 =	vmul.f32 v11, v13;
	v7 =	vld [tilespmem:s22+$0x4860]  }
.LBB2_3:
0x62: {  	s26 =	sshra.s32 s24, $0x2;
	p0 =	sne.s32 s24, $0xFE00;
	[tilespmem:s22+$0x4800] =	vst v12;
	v5 =	vmul.f32 v5, v10;
	v10 =	vld [tilespmem:s22+$0x4870]  }
0x63: {  	v12 =	vld [tilespmem:s26+$0x800];
	[tilespmem:s22+$0x4810] =	vst v11;
	v4 =	vmul.f32 v4, v9  }
0x64: {  	v11 =	vld [tilespmem:s26+$0x810];
	[tilespmem:s22+$0x4820] =	vst v5;
	v3 =	vmul.f32 v3, v8  }
0x65: {  	v5 =	vld [tilespmem:s26+$0x820];
	[tilespmem:s22+$0x4830] =	vst v4;
	v2 =	vmul.f32 v2, v6  }
0x66: {  	v4 =	vld [tilespmem:s26+$0x830];
	[tilespmem:s22+$0x4840] =	vst v3;
	v1 =	vmul.f32 v1, v7  }
0x67: {  	v3 =	vld [tilespmem:s26+$0x840];
	[tilespmem:s22+$0x4850] =	vst v2;
	v0 =	vmul.f32 v0, v10  }
0x68: {  	v2 =	vld [tilespmem:s26+$0x850];
	[tilespmem:s22+$0x4860] =	vst v1  }
0x69: {  	v1 =	vld [tilespmem:s26+$0x860];
	[tilespmem:s22+$0x4870] =	vst v0;
	s22 =	smov.u32 s26  }
0x6a: {  	v0 =	vld [tilespmem:s22+$0x870]  }
0x6b: {  	v6 =	vld [tilespmem:s22+$0x4800]  }
0x6c: {  	v7 =	vld [tilespmem:s22+$0x4810]  }
.Ltmp0:
0x6d: {  	v10 =	vld [tilespmem:s22+$0x4820];
	(pc) =	sbr.rel @p0 .LBB2_3-.Ltmp0, $4  }
0x6e: {  	v9 =	vld [tilespmem:s22+$0x4830]  }
0x6f: {  	v8 =	vld [tilespmem:s22+$0x4840]  }
0x70: {  	v12 =	vmul.f32 v12, v6;
	v6 =	vld [tilespmem:s22+$0x4850]  }
0x71: {  	s24 =	sadd.s32 $0x200, s24;
	v11 =	vmul.f32 v11, v7;
	v7 =	vld [tilespmem:s22+$0x4860]  }
0x72: {  	[tilespmem:s22+$0x4800] =	vst v12;
	v5 =	vmul.f32 v5, v10;
	v63 =	vld [tilespmem:s22+$0x4870]  }
0x73: {  	[tilespmem:s22+$0x4810] =	vst v11;
	v4 =	vmul.f32 v4, v9  }
0x74: {  	[tilespmem:s22+$0x4820] =	vst v5;
	v3 =	vmul.f32 v3, v8  }
0x75: {  	[tilespmem:s22+$0x4830] =	vst v4;
	v2 =	vmul.f32 v2, v6  }
0x76: {  	[tilespmem:s22+$0x4840] =	vst v3;
	v1 =	vmul.f32 v1, v7  }
0x77: {  	[tilespmem:s22+$0x4850] =	vst v2;
	v0 =	vmul.f32 v0, v63  }
0x78: {  	[tilespmem:s22+$0x4860] =	vst v1  }
0x79: {  	[tilespmem:s22+$0x4870] =	vst v0  }
0x7a: {  	[spmem:s1] =	stream.indirect.scatter.add.f32 [tilespmem:s18], [sflag:$0x2], $0x10, s15, s17, $0xb8;
	[tilespmem:$0x14B80] =	vst v63  }
0x7b: {  	_ =	swait.ge [sflag:s14], $0x800  }
0x7c: {  	[sflag:s14] =	ssyncset.done $0x0  }
0x7d: {  	[sflag:s14] =	ssyncadd.s32 $0xFFFFF800  }
0x7e: {  	[spmem:s1] =	stream.indirect.scatter.add.f32 [tilespmem:s19], [sflag:$0x2], $0x10, s8, s17, $0xb8;
	[tilespmem:$0x14B80] =	vst v63  }
0x7f: {  	_ =	swait.ge [sflag:s14], $0x800  }
0x80: {  	[sflag:s14] =	ssyncset.done $0x0  }
0x81: {  	[sflag:s14] =	ssyncadd.s32 $0xFFFFF800  }
0x82: {  	[spmem:s1] =	stream.indirect.scatter.add.f32 [tilespmem:s21], [sflag:$0x2], $0x10, s11, s17, $0xb8;
	[tilespmem:$0x14B80] =	vst v63  }
0x83: {  	_ =	swait.ge [sflag:s14], $0x800  }
0x84: {  	[sflag:s14] =	ssyncset.done $0x0  }
0x85: {  	[sflag:s14] =	ssyncadd.s32 $0xFFFFF800  }
0x86: {  	[spmem:s1] =	stream.indirect.scatter.add.f32 [tilespmem:s23], [sflag:$0x2], $0x10, s12, s17, $0xb8;
	[tilespmem:$0x14B80] =	vst v63  }
0x87: {  	_ =	swait.ge [sflag:s14], $0x800  }
0x88: {  	[sflag:s14] =	ssyncset.done $0x0  }
0x89: {  	[sflag:s14] =	ssyncadd.s32 $0xFFFFF800  }
0x8a: {  	[spmem:s1] =	stream.indirect.scatter.add.f32 [tilespmem:s25], [sflag:$0x2], $0x10, s9, s17, $0xb8;
	[tilespmem:$0x14B80] =	vst v63  }
0x8b: {  	_ =	swait.ge [sflag:s14], $0x800  }
0x8c: {  	[sflag:s14] =	ssyncset.done $0x0  }
0x8d: {  	[sflag:s14] =	ssyncadd.s32 $0xFFFFF800  }
0x8e: {  	[spmem:s1] =	stream.indirect.scatter.add.f32 [tilespmem:s28], [sflag:$0x2], $0x10, s13, s17, $0xb8;
	[tilespmem:$0x14B80] =	vst v63  }
0x8f: {  	_ =	swait.ge [sflag:s14], $0x800  }
0x90: {  	[sflag:s14] =	ssyncset.done $0x0  }
0x91: {  	[sflag:s14] =	ssyncadd.s32 $0xFFFFF800  }
0x92: {  	[spmem:s1] =	stream.indirect.scatter.add.f32 [tilespmem:s30], [sflag:$0x2], $0x10, s2, s17, $0xb8;
	[tilespmem:$0x14B80] =	vst v63  }
0x93: {  	s20 =	sadd.s32 $0x1, s20;
	_ =	swait.ge [sflag:s14], $0x800  }
0x94: {  	p0 =	sne.s32 s20, $0x19;
	[sflag:s14] =	ssyncset.done $0x0  }
.Ltmp1:
0x95: {  	[sflag:s14] =	ssyncadd.s32 $0xFFFFF800;
	(pc) =	sbr.rel @p0 .LBB2_2-.Ltmp1, $4  }
0x96: {  	[spmem:s1] =	stream.indirect.scatter.add.f32 [tilespmem:s0], [sflag:$0x2], $0x10, s16, s17, $0xb8;
	[tilespmem:$0x14B80] =	vst v63  }
0x97: {  	_ =	swait.ge [sflag:s14], $0x800  }
0x98: {  	[sflag:s14] =	ssyncset.done $0x0  }
0x99: {  	[sflag:s14] =	ssyncadd.s32 $0xFFFFF800  }
0x9a: {  	[bflag:$0x0] =	sbarrier.arrive $0xFFFF  }
0x9b: {  	s22 =	rddreg [dreg:$0x6]  }
0x9c: {  	s20 =	rddreg [dreg:$0x7]  }
0x9d: {  	s26 =	rddreg [dreg:$0x9]  }
0x9e: {  	[hbm:s20], [sflag:s22] =	dma.local [spmem:s26], $0x1870  }
0x9f: {  	_ =	swait.ge [sflag:s14], $0x1870  }
0xa0: {  	s24 =	rddreg [dreg:$0x4]  }
0xa1: {  	s20 =	sadd.s32 $0x1, s24;
	s24 =	rddreg [dreg:$0x8]  }
0xa2: {  	p0 =	sne.s32 s20, s24  }
.Ltmp2:
0xa3: {  	_ = 	snop;
	(pc) =	sbr.rel @p0 .LBB2_1-.Ltmp2, $3  }
0xa4: {  	_ =	sdelay $0x1  }
0xa5: {  	[sflag:s14] =	ssyncset.done $0x0  }
0xa6: {  	[sflag:s14] =	ssyncadd.s32 $0xFFFFE790  }
0xa7: {  	_ =	sfence.sel $0x180000  }
0xa8: {  	[bflag:$0x0] =	sbarrier.arrive $0xFFFF  }
0xa9: {  	_ =	strace $0x9000004A  }
0xaa: {  	s0 =	stileid.u32;
	[bflag:$0x2] =	sbarrier.arrive $0xFFFF  }
0xab: {  	p0 =	sne.s32 s0, $0x0;
	s0 =	rddreg [dreg:$0x3]  }
0xac: {  	s0 =	sadd.s32 @!p0 $0x100000, s0  }
0xad: {  	[sflag:s0] =	ssyncadd.tile.s32 @!p0 $0x1;
	_ =	shalt  }
.Lfunc_end2:
_tile_overlayer_lowered:
.L_overlay_start_2:
0xae: {  	(tag) =	ssettag $0x2  }
0xaf: {  	s0 =	rddreg [dreg:$0x0];
	s2 =	stileid.u32  }
0xb0: {  	s1 =	rddreg [dreg:$0x1];
	p0 =	sne.s32 s2, $0x0  }
0xb1: {  	s3 =	rddreg [dreg:$0x2];
	[bflag:$0x3] =	sbarrier.arrive $0xFFFF;
	s2 =	simm.s32 @!p0 $0x1C02  }
0xb2: {  	[timem:s3], [sflag:s2] =	dma.local @!p0 [hbm:s0], s1  }
0xb3: {  	s0 =	simm.s32 @!p0 $0x2  }
0xb4: {  	_ =	swait.ge @!p0 [sflag:s0], s1  }
0xb5: {  	s1 =	ssub.s32 @!p0 $0x0, s1;
	[sflag:s0] =	ssyncset.done @!p0 $0x0  }
0xb6: {  	[sflag:s0] =	ssyncadd.s32 @!p0 s1  }
0xb7: {  	[bflag:$0x3] =	sbarrier.arrive $0xFFFF  }
0xb8: {  	_ =	shalt  }

// kernel: sparse-core-data-format-call.cloned.1.call-start
scs
called_computation_lowered:
.L_overlay_start_0:
0x0: {  	s1 =	sld [smem:$0x3FD9]  }
0x1: {  	s2 =	sld [smem:$0x3FFE];
	_ =	sdelay $0x1  }
0x2: {  	s3 =	srdreg.scid  }
0x3: {  	s0 =	sand.u32 $0x1, s3  }
0x4: {  	s17 =	sshll.u32 s0, $0xA;
	s1 =	sadd.s32 s2, s1  }
0x5: {  	s1 =	sadd.s32 s1, s17  }
0x6: {  	[smem:$0x3FB7] =	sst s1  }
0x7: {  	_ = 	snop  }
0x8: {  	(tm) =	ssettm $0x1  }
0x9: {  	s18 =	sld [smem:$0x3FFB];
	_ =	sdelay $0x3  }
0xa: {  	_ =	strace s18  }
0xb: {  	s1 =	sld [smem:$0x3FFC];
	_ =	sdelay $0x3  }
0xc: {  	_ =	strace s1  }
0xd: {  	s1 =	sld [smem:$0x3FFD];
	_ =	sdelay $0x3  }
0xe: {  	_ =	strace s1  }
0xf: {  	_ =	strace $0x8FFFFFFF  }
0x10: {  	s19 =	sld [smem:$0x3FDB];
	_ =	sdelay $0x1  }
0x11: {  	s20 =	simm.s32 $_scs_section_size  }
0x12: {  	s4 =	simm.s32 $_size__tile_overlayer_lowered;
	s5 =	simm.s32 $_tile_overlayer_lowered  }
0x13: {  	s23 =	simm.s32 $0x1BFF;
	s22 =	sshll.u32 s5, $0x1;
	s1 =	sadd.s32 s20, s19  }
0x14: {  	s6 =	simm.s32 $0x0;
	s21 =	sshll.u32 s4, $0x1;
	s4 =	sadd.s32 s22, s1  }
0x15: {  	[timem:s6], [sflag:s23] =	dma.local [hbm:s4], s21  }
0x16: {  	_ =	swait.ge [sflag:s23], s21  }
0x17: {  	s2 =	ssub.s32 $0x0, s21;
	[sflag:s23] =	ssyncset.done $0x0  }
0x18: {  	[sflag:s23] =	ssyncadd.s32 s2;
	_ =	sdelay $0x1  }
0x19: {  	s24 =	simm.s32 $0x1B8B  }
0x1a: {  	_ =	swait.ge [sflag:s24], $0x1  }
0x1b: {  	[sflag:s24] =	ssyncset.done $0x0  }
0x1c: {  	s26 =	simm.s32 $0x1B8E;
	s25 =	sld [smem:$0x3FFE];
	[sflag:s24] =	ssyncadd.s32 $0xFFFFFFFF  }
0x1d: {  	s27 =	simm.s32 $execute0_lowered;
	[smem:$0x3FD2] =	sst s26  }
0x1e: {  	s4 =	sshll.u32 s27, $0x1;
	_ =	strace $0x80000046;
	[dreg:$0x1] =	wrdreg $0xFFFFFFFF  }
0x1f: {  	s28 =	simm.s32 $_size_execute0_lowered;
	s1 =	sadd.s32 s1, s4;
	[dreg:$0x0] =	wrdreg $0x0  }
0x20: {  	s4 =	sshll.u32 s28, $0x1;
	[dreg:$0x2] =	wrdreg s1  }
0x21: {  	[dreg:$0x3] =	wrdreg s4  }
0x22: {  	[dreg:$0x4] =	wrdreg $0xC0  }
0x23: {  	_ =	task [dreg:s6], $0x5FFFF  }
0x24: {  	[dreg:$0x1] =	wrdreg $0xFFFFFFFF  }
0x25: {  	[dreg:$0x0] =	wrdreg $0x60  }
0x26: {  	[dreg:$0x2] =	wrdreg s25  }
0x27: {  	[dreg:$0x3] =	wrdreg $0x9  }
0x28: {  	_ =	task.clear_ibuf [dreg:s6], $0x4FFFF;
	_ =	strace $0x90000046  }
0x29: {  	s29 =	simm.s32 $0x9;
	_ =	strace $0x80000048  }
0x2a: {  	_ =	swait.ge [sflag:s29], $0x1  }
0x2b: {  	[sflag:s29] =	ssyncadd.s32 $0xFFFFFFFF  }
0x2c: {  	_ =	strace $0x90000048  }
0x2d: {  	_ =	sfence  }
0x2e: {  	s30 =	sld [smem:$0x0];
	_ =	sdelay $0x2  }
0x2f: {  	s31 =	sshll.u32 s3, $0xD;
	s3 =	sshrl.u32 s3, $0x2  }
0x30: {  	s2 =	sand.u32 $0x4000, s31;
	s1 =	sadd.s32 s3, s30  }
0x31: {  	s0 =	sor.u32 s2, s0;
	s1 =	sshll.u32 s1, $0x11  }
0x32: {  	s0 =	sor.u32 s1, s0  }
0x33: {  	s0 =	sadd.s32 $0x8F2B, s0  }
0x34: {  	[sflag:s0] =	ssyncadd.remote.s32 $0x1  }
0x35: {  	_ =	sfence.sel $0xFFFF  }
0x36: {  	[dreg:$0x0] =	wrdreg $0xFFFFFFFF;
	(pc) =	sbr.abs _section_cstart, $3  }
0x37: {  	[dreg:$0x1] =	wrdreg $0xFFFFFFFF  }
0x38: {  	_ =	task.clear_ibuf [dreg:s6], $0x2FFFF;
	_ =	strace $0x9FFFFFFF  }
0x39: {  	(tm) =	ssettm $0x7FFFFFFF  }
tec
execute0_lowered:
.L_overlay_start_1:
0x0: {  	(tag) =	ssettag $0x1  }
0x1: {  	s0 =	srdreg.scid  }
0x2: {  	s5 =	rddreg [dreg:$0x0];
	s1 =	sshll.u32 s0, $0x4  }
0x3: {  	s4 =	simm.s32 $0x1;
	s0 =	stileid.u32;
	s1 =	sand.u32 $0x10, s1  }
0x4: {  	s8 =	simm.s32 $0x2;
	s12 =	simm.s32 $0x0;
	s2 =	sor.u32 s0, s1  }
0x5: {  	s11 =	simm.s32 $0x0;
	s9 =	simm.s32 $0x0;
	s2 =	sshll.u32 s2, $0x7  }
0x6: {  	s10 =	simm.s32 $0x0;
	s3 =	sadd.s32 $0x3200, s5;
	s6 =	ssub.s32 $0x19000, s2  }
.Ltmp0:
0x7: {  	s1 =	rddreg [dreg:$0x1];
	s7 =	sand.u32 $0xF80, s6;
	(pc) =	sbr.rel .LBB1_1-.Ltmp0, $4  }
0x8: {  	_ =	strace $0x80000047;
	p0 =	sne.s32 s7, $0x0;
	s7 =	simm.s32 $0x1  }
0x9: {  	[sflag:s4] =	ssyncpa.u1 $0x0;
	s6 =	sshrl.u32 s6, $0xC;
	s7 =	simm.s32 @!p0 $0x0  }
0xa: {  	s5 =	sadd.s32 $0x193200, s5;
	[sflag:s8] =	ssyncpa.u1 $0x0;
	s6 =	sadd.s32 s7, s6  }
0xb: {  	s8 =	smov.u32 s2;
	p0 =	por $0x0, $0x0;
	s7 =	sadd.s32 $0x1, s6  }
.LBB1_4:
0xc: {  	s12 =	sshll.u32 s12, $0x7;
	s18 =	sshll.u32 s11, $0x3  }
0xd: {  	v5 =	vld [tilespmem:s16+$0xFFFFFFD0];
	[tilespmem:s15+$0x2040 ss:$0x81] =	vst.msk $0xffff, v4;
	s19 =	sand.u32 $0xFFFFFC00, s12;
	s18 =	sand.u32 $0xFFFFFC00, s18  }
0xe: {  	v58 =	vld [tilespmem:s16+$0xFFFFFFE0];
	[tilespmem:s15+$0x2850 ss:$0x81] =	vst.msk $0xffff, v3;
	s12 =	sand.u32 $0x380, s12;
	s18 =	sadd.s32 s18, s19  }
0xf: {  	s17 =	sshra.s32 s17, $0x2;
	v59 =	vld [tilespmem:s16+$0xFFFFFFF0];
	[tilespmem:s15+$0x3060 ss:$0x81] =	vst.msk $0xffff, v2;
	s12 =	sor.u32 s12, s18  }
0x10: {  	v60 =	vld [tilespmem:s16+$0x0];
	[tilespmem:s15+$0x0 ss:$0x81] =	vst.msk $0xffff, v0;
	s14 =	sadd.s32 s17, s14;
	s12 =	sshrl.u32 s12, $0x7  }
0x11: {  	v61 =	vld [tilespmem:s16+$0x10];
	[tilespmem:s14+$0x3870 ss:$0x81] =	vst.msk $0xffff, v1;
	s28 =	smulhi.u32 $0x147AE15, s12  }
0x12: {  	v62 =	vld [tilespmem:s16+$0x20];
	[tilespmem:s14+$0x810 ss:$0x81] =	vst.msk $0xffff, v5  }
0x13: {  	v63 =	vld [tilespmem:s16+$0xFFFFFFC0];
	[tilespmem:s14+$0x1020 ss:$0x81] =	vst.msk $0xffff, v58;
	s15 =	sshrl.u32 s28, $0x9  }
0x14: {  	[tilespmem:s14+$0x1830 ss:$0x81] =	vst.msk $0xffff, v59;
	s15 =	smul.u32 $0x19000, s15  }
0x15: {  	s29 =	sshrl.u32 s11, $0x3;
	[tilespmem:s14+$0x2040 ss:$0x81] =	vst.msk $0xffff, v60  }
0x16: {  	s30 =	sand.u32 $0xF, s29;
	[tilespmem:s14+$0x2850 ss:$0x81] =	vst.msk $0xffff, v61;
	s12 =	ssub.s32 s12, s15  }
0x17: {  	[tilespmem:s14+$0x3060 ss:$0x81] =	vst.msk $0xffff, v62;
	s15 =	sadd.s32 s5, s30;
	s12 =	sshll.u32 s12, $0x4  }
0x18: {  	s31 =	sand.u32 $0x7, s11;
	[tilespmem:s14+$0x0 ss:$0x81] =	vst.msk $0xffff, v63;
	s12 =	sadd.s32 s12, s15  }
0x19: {  	[hbm4b:s12+s31] =	stream.linear.scatter [tilespmem:s13], [sflag:$0x2], $0x4000, $0x20;
	[tilespmem:$0x10100] =	vst v63  }
.LBB1_5:
0x1a: {  	s13 =	sadd.s32 $0x1000, s8  }
0x1b: {  	s11 =	sadd.s32 $0x80, s9;
	s15 =	smov.u32 s9;
	p2 =	sgt.s32 s13, $0x18FFF  }
0x1c: {  	s15 =	smov.u32 @p2 s11  }
0x1d: {  	s13 =	smov.u32 @p2 s2;
	p2 =	sgt.s32 s15, $0x7F  }
0x1e: {  	s15 =	simm.s32 @p2 $0x0;
	p2 =	sne.s32 s10, s7  }
.Ltmp1:
0x1f: {  	p1 =	slt.u32 s10, $0x2;
	(pc) =	sbr.rel @!p2 .LBB1_6-.Ltmp1, $4  }
0x20: {  	s14 =	simm.s32 @!p1 $0x2  }
0x21: {  	s12 =	smov.u32 s8;
	p0 =	por !p0, !p0;
	_ =	swait.ge @!p1 [sflag:s14], $0x4000  }
0x22: {  	s11 =	smov.u32 s9;
	[sflag:s14] =	ssyncset.done @!p1 $0x0;
	s8 =	smov.u32 s13  }
0x23: {  	s10 =	sadd.s32 $0x1, s10;
	[sflag:s14] =	ssyncadd.s32 @!p1 $0xFFFFC000;
	s9 =	smov.u32 s15  }
.LBB1_1:
0x24: {  	p1 =	sge.u32 s10, s6  }
0x25: {  	s13 =	sshrl.u32 @!p1 s9, $0x3  }
0x26: {  	s14 =	sshll.u32 @!p1 s8, $0x3;
	s15 =	sshll.u32 @!p1 s9, $0x7;
	s13 =	smul.u32 @!p1 $0xC8000, s13  }
0x27: {  	s16 =	sand.u32 @!p1 $0x7F, s8;
	s14 =	sand.u32 @!p1 $0xFFFFFC00, s14;
	s15 =	sand.u32 @!p1 $0x380, s15  }
0x28: {  	s13 =	sadd.s32 @!p1 s13, s14;
	s14 =	sor.u32 @!p1 s16, s15  }
0x29: {  	s14 =	sor.u32 @!p1 s13, s14  }
0x2a: {  	s15 =	smulhi.u32 @!p1 $0x51EB851F, s14;
	_ =	sdelay $0x1  }
0x2b: {  	s13 =	smulhi.u32 @!p1 $0x51EB851F, s13;
	s15 =	sshrl.u32 @!p1 s15, $0xF  }
0x2c: {  	s15 =	smul.u32 @!p1 $0x19000, s15  }
0x2d: {  	s31 =	sadd.s32 $0xFFFFFFFF, s10;
	s16 =	sxor.u32 @!p1 $0xFFFFFFFF, s10;
	s13 =	sshrl.u32 @!p1 s13, $0xF  }
0x2e: {  	s16 =	sshll.u32 @!p1 s16, $0xE;
	s13 =	sand.u32 @!p1 $0x7F, s13;
	s14 =	ssub.s32 @!p1 s14, s15  }
0x2f: {  	s13 =	smul.u32 @!p1 $0x3200, s13;
	s15 =	sshrl.u32 @!p1 s14, $0x3;
	s14 =	sand.u32 @!p1 $0x7, s14  }
0x30: {  	s16 =	sand.u32 @!p1 $0x4000, s16;
	s15 =	sadd.s32 @!p1 s3, s15;
	s14 =	sshll.u32 @!p1 s14, $0x12  }
0x31: {  	s13 =	sadd.s32 @!p1 s13, s15;
	s14 =	sor.u32 @!p1 $0x400, s14;
	s15 =	simm.s32 @!p1 $0xC8000  }
0x32: {  	[tilespmem:s16], [sflag:$0x1] =	stream.strided.gather @!p1 [hbm4b:s13+s14], $0x4000, s15, s14, $0x38;
	[tilespmem:$0x10100] =	vst v63  }
0x33: {  	p1 =	sge.u32 s31, s6  }
.Ltmp2:
0x34: {  	_ = 	snop;
	(pc) =	sbr.rel @p1 .LBB1_5-.Ltmp2, $1  }
0x35: {  	_ =	sdelay $0x3  }
0x36: {  	s13 =	simm.s32 $0x1  }
0x37: {  	_ =	swait.ge [sflag:s4], $0x4000;
	s13 =	simm.s32 @!p0 $0x0  }
0x38: {  	[sflag:s4] =	ssyncset.done $0x0;
	s14 =	sshll.u32 s13, $0xE  }
0x39: {  	[sflag:s4] =	ssyncadd.s32 $0xFFFFC000;
	s16 =	sor.u32 $0x40, s14  }
0x3a: {  	s13 =	smul.u32 $0x10200, s13;
	v0 =	vld [tilespmem:s16+$0x30]  }
0x3b: {  	v1 =	vld [tilespmem:s16+$0xFFFFFFD0]  }
0x3c: {  	s13 =	sshrl.u32 s13, $0x2;
	v5 =	vld [tilespmem:s16+$0xFFFFFFE0]  }
0x3d: {  	v6 =	vld [tilespmem:s16+$0xFFFFFFF0];
	s14 =	sor.u32 $0x8000, s13  }
0x3e: {  	s31 =	sand.u32 $0x1, s10;
	v4 =	vld [tilespmem:s16+$0x0];
	s15 =	sadd.s32 $0x0, s14  }
0x3f: {  	v3 =	vld [tilespmem:s16+$0x10];
	s13 =	smul.u32 $0x10200, s31;
	[tilespmem:s15+$0x3870 ss:$0x81] =	vst.msk $0xffff, v0  }
0x40: {  	v2 =	vld [tilespmem:s16+$0x20];
	[tilespmem:s15+$0x810 ss:$0x81] =	vst.msk $0xffff, v1  }
0x41: {  	s13 =	sshrl.u32 s13, $0x2;
	v0 =	vld [tilespmem:s16+$0xFFFFFFC0];
	[tilespmem:s15+$0x1020 ss:$0x81] =	vst.msk $0xffff, v5;
	s16 =	sadd.s32 $0x80, s16  }
0x42: {  	s17 =	simm.s32 $0x4;
	s18 =	simm.s32 $0x8;
	s13 =	sor.u32 $0x8000, s13;
	[tilespmem:s15+$0x1830 ss:$0x81] =	vst.msk $0xffff, v6;
	v1 =	vld [tilespmem:s16+$0x30]  }
.LBB1_3:
0x43: {  	p1 =	sne.s32 s18, $0x1FC;
	v5 =	vld [tilespmem:s16+$0xFFFFFFD0];
	[tilespmem:s15+$0x2040 ss:$0x81] =	vst.msk $0xffff, v4  }
0x44: {  	v6 =	vld [tilespmem:s16+$0xFFFFFFE0];
	[tilespmem:s15+$0x2850 ss:$0x81] =	vst.msk $0xffff, v3  }
0x45: {  	s19 =	sshra.s32 s17, $0x2;
	s17 =	smov.u32 s18;
	v7 =	vld [tilespmem:s16+$0xFFFFFFF0];
	[tilespmem:s15+$0x3060 ss:$0x81] =	vst.msk $0xffff, v2  }
.Ltmp3:
0x46: {  	v4 =	vld [tilespmem:s16+$0x0];
	[tilespmem:s15+$0x0 ss:$0x81] =	vst.msk $0xffff, v0;
	s15 =	sadd.s32 s19, s14;
	(pc) =	sbr.rel @p1 .LBB1_3-.Ltmp3, $4  }
0x47: {  	v3 =	vld [tilespmem:s16+$0x10];
	[tilespmem:s15+$0x3870 ss:$0x81] =	vst.msk $0xffff, v1  }
0x48: {  	[tilespmem:s15+$0x810 ss:$0x81] =	vst.msk $0xffff, v5;
	v2 =	vld [tilespmem:s16+$0x20]  }
0x49: {  	v0 =	vld [tilespmem:s16+$0xFFFFFFC0];
	[tilespmem:s15+$0x1020 ss:$0x81] =	vst.msk $0xffff, v6;
	s16 =	sadd.s32 $0x80, s16  }
0x4a: {  	s18 =	sadd.s32 $0x4, s18;
	v1 =	vld [tilespmem:s16+$0x30];
	[tilespmem:s15+$0x1830 ss:$0x81] =	vst.msk $0xffff, v7  }
.Ltmp4:
0x4b: {  	_ = 	snop;
	(pc) =	sbr.rel .LBB1_4-.Ltmp4, $1  }
0x4c: {  	_ =	sdelay $0x3  }
.LBB1_6:
0x4d: {  	_ =	sfence.sel $0x180000  }
0x4e: {  	s2 =	simm.s32 $0x1;
	[bflag:$0x0] =	sbarrier.arrive $0xFFFF  }
0x4f: {  	s31 =	simm.s32 $0x2;
	[sflag:s2] =	ssyncpa.u1 $0x1  }
0x50: {  	[sflag:s31] =	ssyncpa.u1 $0x1  }
0x51: {  	p0 =	sne.s32 s0, $0x0;
	_ =	strace $0x90000047  }
0x52: {  	s0 =	sadd.s32 @!p0 $0x100000, s1;
	[bflag:$0x2] =	sbarrier.arrive $0xFFFF  }
0x53: {  	[sflag:s0] =	ssyncadd.tile.s32 @!p0 $0x1;
	_ =	shalt  }
.Lfunc_end1:
_tile_overlayer_lowered:
.L_overlay_start_2:
0x54: {  	(tag) =	ssettag $0x2  }
0x55: {  	s0 =	rddreg [dreg:$0x0];
	s2 =	stileid.u32  }
0x56: {  	s1 =	rddreg [dreg:$0x1];
	p0 =	sne.s32 s2, $0x0  }
0x57: {  	s3 =	rddreg [dreg:$0x2];
	[bflag:$0x3] =	sbarrier.arrive $0xFFFF;
	s2 =	simm.s32 @!p0 $0x1C01  }
0x58: {  	[timem:s3], [sflag:s2] =	dma.local @!p0 [hbm:s0], s1  }
0x59: {  	s0 =	simm.s32 @!p0 $0x1  }
0x5a: {  	_ =	swait.ge @!p0 [sflag:s0], s1  }
0x5b: {  	s1 =	ssub.s32 @!p0 $0x0, s1;
	[sflag:s0] =	ssyncset.done @!p0 $0x0  }
0x5c: {  	[sflag:s0] =	ssyncadd.s32 @!p0 s1  }
0x5d: {  	[bflag:$0x3] =	sbarrier.arrive $0xFFFF  }
0x5e: {  	_ =	shalt  }

</sc_bundles>
